<compile_context>
chip_gen: v7x
topology: tpu7x:2x2x1
jax: 0.10.2.dev20260603
libtpu: 0.0.44.dev20260713+nightly
codegen_flags: <defaults>
</compile_context>

<pallas_src>
import functools
import jax
import jax.numpy as jnp
from jax import lax
from jax.experimental import pallas as pl
from jax.experimental.pallas import tpu as pltpu
from jax.experimental.pallas import tpu_sc as plsc

N = 10000
D = 128
KHOPS = 3
NC, NS = 2, 16
NW = NC * NS
CHUNK = 128
NA = 10112
SLAB = NA // NS
ROWBLK = 1000


def _mesh():
    return plsc.VectorSubcoreMesh(core_axis_name="c", subcore_axis_name="s")



NSUB = CHUNK // 16



def _unpack_idx(pvec, j, dst, shift, mask):
    for t in range(NSUB):
        v = pvec[j, pl.ds(t * 16, 16)]
        dst[0, pl.ds(t * 16, 16)] = lax.shift_right_logical(v, shift) & mask


def _make_sc_degree(n_chunks):
    @functools.partial(
        pl.kernel,
        out_type=jax.ShapeDtypeStruct((NC, NA, D), jnp.float32),
        mesh=_mesh(),
        scratch_types=[
            pltpu.VMEM((n_chunks, CHUNK), jnp.int32),
            pltpu.VMEM((1, CHUNK), jnp.int32),
            pltpu.VMEM((CHUNK, D), jnp.float32),
            pltpu.VMEM_SHARED((NA, D), jnp.float32),
        ],
    )
    def deg_kernel(pidx_hbm, ones_hbm, zeros_hbm, out_hbm, pvec, cbuf, ones_v, acc):
        cid = lax.axis_index("c")
        sid = lax.axis_index("s")
        wid = cid * NS + sid
        pltpu.sync_copy(pidx_hbm.at[wid], pvec)
        pltpu.sync_copy(ones_hbm, ones_v)
        r0 = sid * SLAB
        pltpu.sync_copy(zeros_hbm.at[pl.ds(r0, SLAB)], acc.at[pl.ds(r0, SLAB)])
        plsc.subcore_barrier()

        def body(j, carry):
            _unpack_idx(pvec, j, cbuf, 0, 16383)
            pltpu.sync_copy(ones_v, acc.at[cbuf.at[0]], add=True)
            return carry

        lax.fori_loop(0, n_chunks, body, 0)
        plsc.subcore_barrier()
        pltpu.sync_copy(acc.at[pl.ds(r0, SLAB)], out_hbm.at[cid, pl.ds(r0, SLAB)])

    return deg_kernel


def _make_sc_hop(n_chunks):
    @functools.partial(
        pl.kernel,
        out_type=jax.ShapeDtypeStruct((NC, NA, D), jnp.float32),
        mesh=_mesh(),
        scratch_types=[
            pltpu.VMEM((n_chunks, CHUNK), jnp.int32),
            pltpu.VMEM((1, CHUNK), jnp.int32),
            pltpu.VMEM((1, CHUNK), jnp.int32),
            pltpu.VMEM((CHUNK, D), jnp.float32),
            pltpu.VMEM_SHARED((NA, D), jnp.float32),
            pltpu.SemaphoreType.DMA,
        ],
    )
    def hop_kernel(g_hbm, pidx_hbm, zeros_hbm, out_hbm,
                   pvec, rbuf, cbuf, rows, acc, sem):
        cid = lax.axis_index("c")
        sid = lax.axis_index("s")
        wid = cid * NS + sid
        pltpu.sync_copy(pidx_hbm.at[wid], pvec)
        r0 = sid * SLAB
        pltpu.sync_copy(zeros_hbm.at[pl.ds(r0, SLAB)], acc.at[pl.ds(r0, SLAB)])
        plsc.subcore_barrier()

        def body(j, carry):
            _unpack_idx(pvec, j, rbuf, 14, 16383)
            pltpu.async_copy(g_hbm.at[rbuf.at[0]], rows, sem).wait()
            _unpack_idx(pvec, j, cbuf, 0, 16383)
            pltpu.sync_copy(rows, acc.at[cbuf.at[0]], add=True)
            return carry

        lax.fori_loop(0, n_chunks, body, 0)
        plsc.subcore_barrier()
        pltpu.sync_copy(acc.at[pl.ds(r0, SLAB)], out_hbm.at[cid, pl.ds(r0, SLAB)])

    return hop_kernel



def _rowspec():
    return pl.BlockSpec((ROWBLK, D), lambda i: (i, 0))


def _wspec():
    return pl.BlockSpec((D, D), lambda i: (0, 0))


def _tc_prep_body(x_ref, d0_ref, d1_ref, g_ref, dinv_ref):
    deg = d0_ref[:, :1] + d1_ref[:, :1]
    dinv = jnp.where(deg > 0, lax.rsqrt(deg), 0.0)
    dinv_b = jnp.broadcast_to(dinv, (ROWBLK, D))
    dinv_ref[...] = dinv_b
    g_ref[...] = x_ref[...] * dinv_b


def _tc_prep(x, d0, d1):
    return pl.pallas_call(
        _tc_prep_body,
        grid=(N // ROWBLK,),
        in_specs=[_rowspec(), _rowspec(), _rowspec()],
        out_specs=[_rowspec(), _rowspec()],
        out_shape=[jax.ShapeDtypeStruct((N, D), jnp.float32)] * 2,
    )(x, d0, d1)


def _tc_w0_body(x_ref, w_ref, acc_ref):
    acc_ref[...] = jnp.dot(x_ref[...], w_ref[...],
                           preferred_element_type=jnp.float32)


def _tc_w0(x, w0):
    return pl.pallas_call(
        _tc_w0_body,
        grid=(N // ROWBLK,),
        in_specs=[_rowspec(), _wspec()],
        out_specs=_rowspec(),
        out_shape=jax.ShapeDtypeStruct((N, D), jnp.float32),
    )(x, w0)


def _tc_g_body(s0_ref, s1_ref, dinv_ref, g_ref):
    dinv = dinv_ref[...]
    g_ref[...] = (s0_ref[...] + s1_ref[...]) * dinv * dinv


def _tc_g(s0, s1, dinv):
    return pl.pallas_call(
        _tc_g_body,
        grid=(N // ROWBLK,),
        in_specs=[_rowspec(), _rowspec(), _rowspec()],
        out_specs=_rowspec(),
        out_shape=jax.ShapeDtypeStruct((N, D), jnp.float32),
    )(s0, s1, dinv)


def _tc_acc_body(s0_ref, s1_ref, dinv_ref, w_ref, accin_ref, acc_ref):
    h = (s0_ref[...] + s1_ref[...]) * dinv_ref[...]
    acc_ref[...] = accin_ref[...] + jnp.dot(
        h, w_ref[...], preferred_element_type=jnp.float32)


def _tc_acc(s0, s1, dinv, wk, acc):
    return pl.pallas_call(
        _tc_acc_body,
        grid=(N // ROWBLK,),
        in_specs=[_rowspec(), _rowspec(), _rowspec(), _wspec(), _rowspec()],
        out_specs=_rowspec(),
        out_shape=jax.ShapeDtypeStruct((N, D), jnp.float32),
    )(s0, s1, dinv, wk, acc)


def _tc_final_body(s0_ref, s1_ref, dinv_ref, w_ref, accin_ref, b_ref, o_ref):
    h = (s0_ref[...] + s1_ref[...]) * dinv_ref[...]
    o = accin_ref[...] + jnp.dot(h, w_ref[...], preferred_element_type=jnp.float32)
    o_ref[...] = jnp.maximum(o + b_ref[...], 0.0)


def _tc_final(s0, s1, dinv, wk, acc, bias):
    return pl.pallas_call(
        _tc_final_body,
        grid=(N // ROWBLK,),
        in_specs=[_rowspec(), _rowspec(), _rowspec(), _wspec(), _rowspec(),
                  pl.BlockSpec((1, D), lambda i: (0, 0))],
        out_specs=_rowspec(),
        out_shape=jax.ShapeDtypeStruct((N, D), jnp.float32),
    )(s0, s1, dinv, wk, acc, bias)



def kernel(x, edge_index, edge_attr, batch, Ws, bias):
    del edge_attr, batch
    e = edge_index.shape[1]
    row = edge_index[0].astype(jnp.int32)
    col = edge_index[1].astype(jnp.int32)

    per_tile = -(-e // (NW * CHUNK)) * CHUNK
    n_chunks = per_tile // CHUNK
    if e % NW == 0:
        ept = e // NW
        dcol = N + (jnp.arange(per_tile - ept, dtype=jnp.int32) % (NA - N))
        rowp = jnp.concatenate(
            [row.reshape(NW, ept),
             jnp.zeros((NW, per_tile - ept), jnp.int32)], axis=1)
        colp = jnp.concatenate(
            [col.reshape(NW, ept),
             jnp.broadcast_to(dcol, (NW, per_tile - ept))], axis=1)
    else:
        epad = per_tile * NW - e
        rowp = jnp.concatenate([row, jnp.zeros((epad,), jnp.int32)])
        colp = jnp.concatenate(
            [col, N + (jnp.arange(epad, dtype=jnp.int32) % (NA - N))])
    pidx = ((rowp.reshape(-1) << 14) | colp.reshape(-1)).reshape(
        NW, n_chunks, CHUNK)

    zeros_d = jnp.zeros((NA, D), jnp.float32)
    ones_d = jnp.ones((CHUNK, D), jnp.float32)

    deg_parts = _make_sc_degree(n_chunks)(pidx, ones_d, zeros_d)
    acc = _tc_w0(x, Ws[0])
    d0 = deg_parts[0, :N, :]
    d1 = deg_parts[1, :N, :]
    g, dinv = _tc_prep(x, d0, d1)

    hop = _make_sc_hop(n_chunks)
    for k in range(1, KHOPS + 1):
        s = hop(g, pidx, zeros_d)
        s0 = s[0, :N, :]
        s1 = s[1, :N, :]
        if k < KHOPS:
            g = _tc_g(s0, s1, dinv)
            acc = _tc_acc(s0, s1, dinv, Ws[k], acc)
        else:
            out = _tc_final(s0, s1, dinv, Ws[k], acc, bias.reshape(1, D))
    return out

# --- scband reference (transcript-rebuilt; emitter-appended) ---
"""Pipeline reference for scband-tagconv-module-13271448944811 (READ-ONLY COPY).

The authoritative reference and input builder live on the scoring server;
editing this copy changes nothing except your own understanding.
"""

import jax, jax.numpy as jnp
import numpy as np

N_NODES = 10000
N_EDGES = 320000
D_IN = 128
D_OUT = 128
K = 3


def setup_inputs(seed: int = 0) -> dict:
    key = jax.random.key(seed)
    k1, k2, k3, k4, k5 = jax.random.split(key, 5)
    x = jax.random.normal(k1, (N_NODES, D_IN), dtype=jnp.float32)
    edge_index = jax.random.randint(k2, (2, N_EDGES), 0, N_NODES, dtype=jnp.int64)
    edge_attr = jax.random.normal(k3, (N_EDGES, 16), dtype=jnp.float32)
    batch = jnp.zeros((N_NODES,), dtype=jnp.int64)
    # TAGConv has K+1 linear layers (no per-layer bias) plus one shared bias
    Ws = jax.random.normal(k4, (K + 1, D_IN, D_OUT), dtype=jnp.float32) * (1.0 / np.sqrt(D_IN))
    bias = jax.random.normal(k5, (D_OUT,), dtype=jnp.float32) * 0.01
    return {"x": x, "edge_index": edge_index, "edge_attr": edge_attr, "batch": batch, "Ws": Ws, "bias": bias}


def reference(x, edge_index, edge_attr, batch, Ws, bias):
    # TAGConv: out = sum_{k=0..K} (A_hat^k x) W_k + bias, A_hat = D^-1/2 A D^-1/2 (no self-loops)
    row = edge_index[0]
    col = edge_index[1]
    n = x.shape[0]
    edge_weight = jnp.ones((row.shape[0],), dtype=x.dtype)
    deg = jnp.zeros((n,), dtype=x.dtype).at[col].add(edge_weight)
    deg_inv_sqrt = jnp.where(deg > 0, deg ** -0.5, 0.0)
    norm = deg_inv_sqrt[row] * edge_weight * deg_inv_sqrt[col]
    out = x @ Ws[0]
    h = x
    for k in range(1, K + 1):
        msg = h[row] * norm[:, None]
        h = jnp.zeros_like(h).at[col].add(msg)
        out = out + h @ Ws[k]
    out = out + bias
    # dropout p=0.0 -> identity; activation == 'ReLU'
    out = jax.nn.relu(out)
    return out

if __name__ == "__main__":
    import jax
    _d = setup_inputs()
    print(jax.jit(kernel)(*tuple(_d.values())))

</pallas_src>

<mosaic_0001>
#map = affine_map<(d0, d1) -> (0, 0)>
#map1 = affine_map<(d0, d1) -> (0, 0, 0)>
module attributes {stable_mosaic.version = 14 : i64} {
  func.func @hop_kernel(%arg0: i32, %arg1: i32, %arg2: memref<10000x128xf32, #tpu.memory_space<hbm>>, %arg3: memref<32x79x128xi32, #tpu.memory_space<hbm>>, %arg4: memref<10112x128xf32, #tpu.memory_space<hbm>>, %arg5: memref<2x10112x128xf32, #tpu.memory_space<hbm>>, %arg6: memref<79x128xi32, #tpu.memory_space<vmem>>, %arg7: memref<1x128xi32, #tpu.memory_space<vmem>>, %arg8: memref<1x128xi32, #tpu.memory_space<vmem>>, %arg9: memref<128x128xf32, #tpu.memory_space<vmem>>, %arg10: memref<10112x128xf32, #tpu.memory_space<vmem_shared>>, %arg11: memref<!tpu.dma_semaphore, #tpu.memory_space<semaphore_mem>>) attributes {dimension_semantics = [#tpu.dimension_semantics<core_parallel>, #tpu.dimension_semantics<subcore_parallel>], iteration_bounds = array<i64: 2, 16>, scalar_prefetch = 0 : i64, scratch_operands = 6 : i64, tpu.core_type = #tpu.core_type<sc_vector_subcore>, window_params = [{transform_indices = #map}, {transform_indices = #map1}, {transform_indices = #map}, {transform_indices = #map1}]} {
    %mul3A = arith.constant 16 : i32
    %mul3A_0 = arith.muli %arg0, %mul3A : i32
    %add3A = arith.addi %mul3A_0, %arg1 : i32
    "tpu.region"() ({
      %run_scoped3A = tpu.sem_alloc : memref<!tpu.dma_semaphore, #tpu.memory_space<semaphore_mem>>
      %dma_start3A = arith.constant 0 : i32
      %dma_start3A_9 = arith.constant 0 : i32
      %dma_start3A_10 = tpu.memref_slice %arg3[%add3A, %dma_start3A, %dma_start3A_9] : memref<32x79x128xi32, #tpu.memory_space<hbm>> -> memref<1x79x128xi32, #tpu.memory_space<hbm>>
      %dma_start3A_11 = tpu.memref_squeeze %dma_start3A_10 : memref<1x79x128xi32, #tpu.memory_space<hbm>> -> memref<79x128xi32, #tpu.memory_space<hbm>>
      %dma_start3A_12 = arith.constant 0 : i32
      %dma_start3A_13 = arith.constant 0 : i32
      %dma_start3A_14 = tpu.memref_slice %arg3[%add3A, %dma_start3A_12, %dma_start3A_13] : memref<32x79x128xi32, #tpu.memory_space<hbm>> -> memref<1x79x128xi32, #tpu.memory_space<hbm>>
      %dma_start3A_15 = tpu.memref_squeeze %dma_start3A_14 : memref<1x79x128xi32, #tpu.memory_space<hbm>> -> memref<79x128xi32, #tpu.memory_space<hbm>>
      tpu.enqueue_dma source(%dma_start3A_15 : memref<79x128xi32, #tpu.memory_space<hbm>>) target(%arg6 : memref<79x128xi32, #tpu.memory_space<vmem>>) target_semaphore(%run_scoped3A : memref<!tpu.dma_semaphore, #tpu.memory_space<semaphore_mem>>)
      %dma_wait3A = arith.constant 0 : i32
      %dma_wait3A_16 = arith.constant 0 : i32
      %dma_wait3A_17 = tpu.memref_slice %arg3[%add3A, %dma_wait3A, %dma_wait3A_16] : memref<32x79x128xi32, #tpu.memory_space<hbm>> -> memref<1x79x128xi32, #tpu.memory_space<hbm>>
      %dma_wait3A_18 = tpu.memref_squeeze %dma_wait3A_17 : memref<1x79x128xi32, #tpu.memory_space<hbm>> -> memref<79x128xi32, #tpu.memory_space<hbm>>
      %dma_wait3A_19 = arith.constant 0 : i32
      %dma_wait3A_20 = arith.constant 0 : i32
      %dma_wait3A_21 = tpu.memref_slice %arg3[%add3A, %dma_wait3A_19, %dma_wait3A_20] : memref<32x79x128xi32, #tpu.memory_space<hbm>> -> memref<1x79x128xi32, #tpu.memory_space<hbm>>
      %dma_wait3A_22 = tpu.memref_squeeze %dma_wait3A_21 : memref<1x79x128xi32, #tpu.memory_space<hbm>> -> memref<79x128xi32, #tpu.memory_space<hbm>>
      tpu.wait_dma2 semaphore(%run_scoped3A : memref<!tpu.dma_semaphore, #tpu.memory_space<semaphore_mem>>) src(%dma_wait3A_22 : memref<79x128xi32, #tpu.memory_space<hbm>>) dst(%arg6 : memref<79x128xi32, #tpu.memory_space<vmem>>)
      tpu.yield
    }) : () -> ()
    %mul3A_1 = arith.constant 632 : i32
    %mul3A_2 = arith.muli %arg1, %mul3A_1 : i32
    "tpu.region"() ({
      %run_scoped3A = tpu.sem_alloc : memref<!tpu.dma_semaphore, #tpu.memory_space<semaphore_mem>>
      %dma_start3A = arith.constant 0 : i32
      %dma_start3A_9 = tpu.memref_slice %arg10[%mul3A_2, %dma_start3A] : memref<10112x128xf32, #tpu.memory_space<vmem_shared>> -> memref<632x128xf32, #tpu.memory_space<vmem_shared>>
      %dma_start3A_10 = arith.constant 0 : i32
      %dma_start3A_11 = tpu.memref_slice %arg4[%mul3A_2, %dma_start3A_10] : memref<10112x128xf32, #tpu.memory_space<hbm>> -> memref<632x128xf32, #tpu.memory_space<hbm>>
      tpu.enqueue_dma source(%dma_start3A_11 : memref<632x128xf32, #tpu.memory_space<hbm>>) target(%dma_start3A_9 : memref<632x128xf32, #tpu.memory_space<vmem_shared>>) target_semaphore(%run_scoped3A : memref<!tpu.dma_semaphore, #tpu.memory_space<semaphore_mem>>)
      %dma_wait3A = arith.constant 0 : i32
      %dma_wait3A_12 = tpu.memref_slice %arg10[%mul3A_2, %dma_wait3A] : memref<10112x128xf32, #tpu.memory_space<vmem_shared>> -> memref<632x128xf32, #tpu.memory_space<vmem_shared>>
      %dma_wait3A_13 = arith.constant 0 : i32
      %dma_wait3A_14 = tpu.memref_slice %arg4[%mul3A_2, %dma_wait3A_13] : memref<10112x128xf32, #tpu.memory_space<hbm>> -> memref<632x128xf32, #tpu.memory_space<hbm>>
      tpu.wait_dma2 semaphore(%run_scoped3A : memref<!tpu.dma_semaphore, #tpu.memory_space<semaphore_mem>>) src(%dma_wait3A_14 : memref<632x128xf32, #tpu.memory_space<hbm>>) dst(%dma_wait3A_12 : memref<632x128xf32, #tpu.memory_space<vmem_shared>>)
      tpu.yield
    }) : () -> ()
    %barrier3A = arith.constant 0 : index
    tpu.barrier barrier_id(%barrier3A)
    %scan3A = arith.constant 0 : i32
    %scan3A_3 = arith.constant 0 : i32
    %scan3A_4 = arith.constant 79 : i32
    %scan3A_5 = arith.addi %scan3A_3, %scan3A_4 : i32
    %scan3A_6 = arith.constant 1 : i32
    scf.for %scan3A_9 = %scan3A_3 to %scan3A_5 step %scan3A_6  : i32 {
      %get3A = arith.index_cast %scan3A_9 : i32 to index
      %get3A_10 = arith.constant 0 : index
      %get3A_11 = tpu.vector_load %arg6[%get3A, %get3A_10] {strides = array<i32>} : memref<79x128xi32, #tpu.memory_space<vmem>>, vector<1x16xi32>,
      %get3A_12 = vector.shape_cast %get3A_11 : vector<1x16xi32> to vector<16xi32>
      %shift_right_logical3A = arith.constant 14 : i32
      %shift_right_logical3A_13 = vector.broadcast %shift_right_logical3A : i32 to vector<16xi32>
      %shift_right_logical3A_14 = arith.shrui %get3A_12, %shift_right_logical3A_13 : vector<16xi32>
      %and3A = arith.constant 16383 : i32
      %and3A_15 = vector.broadcast %and3A : i32 to vector<16xi32>
      %and3A_16 = arith.andi %shift_right_logical3A_14, %and3A_15 : vector<16xi32>
      %swap3A = arith.constant 0 : i32
      %swap3A_17 = arith.index_cast %swap3A : i32 to index
      %swap3A_18 = arith.constant 0 : index
      %swap3A_19 = tpu.vector_load %arg7[%swap3A_17, %swap3A_18] {strides = array<i32>} : memref<1x128xi32, #tpu.memory_space<vmem>>, vector<1x16xi32>,
      %swap3A_20 = vector.shape_cast %swap3A_19 : vector<1x16xi32> to vector<16xi32>
      %swap3A_21 = vector.shape_cast %and3A_16 : vector<16xi32> to vector<1x16xi32>
      tpu.vector_store %arg7[%swap3A_17, %swap3A_18], %swap3A_21 {strides = array<i32>} : memref<1x128xi32, #tpu.memory_space<vmem>>, vector<1x16xi32>,
      %get3A_22 = arith.index_cast %scan3A_9 : i32 to index
      %get3A_23 = arith.constant 16 : index
      %get3A_24 = tpu.vector_load %arg6[%get3A_22, %get3A_23] {strides = array<i32>} : memref<79x128xi32, #tpu.memory_space<vmem>>, vector<1x16xi32>,
      %get3A_25 = vector.shape_cast %get3A_24 : vector<1x16xi32> to vector<16xi32>
      %shift_right_logical3A_26 = arith.constant 14 : i32
      %shift_right_logical3A_27 = vector.broadcast %shift_right_logical3A_26 : i32 to vector<16xi32>
      %shift_right_logical3A_28 = arith.shrui %get3A_25, %shift_right_logical3A_27 : vector<16xi32>
      %and3A_29 = arith.constant 16383 : i32
      %and3A_30 = vector.broadcast %and3A_29 : i32 to vector<16xi32>
      %and3A_31 = arith.andi %shift_right_logical3A_28, %and3A_30 : vector<16xi32>
      %swap3A_32 = arith.constant 0 : i32
      %swap3A_33 = arith.index_cast %swap3A_32 : i32 to index
      %swap3A_34 = arith.constant 16 : index
      %swap3A_35 = tpu.vector_load %arg7[%swap3A_33, %swap3A_34] {strides = array<i32>} : memref<1x128xi32, #tpu.memory_space<vmem>>, vector<1x16xi32>,
      %swap3A_36 = vector.shape_cast %swap3A_35 : vector<1x16xi32> to vector<16xi32>
      %swap3A_37 = vector.shape_cast %and3A_31 : vector<16xi32> to vector<1x16xi32>
      tpu.vector_store %arg7[%swap3A_33, %swap3A_34], %swap3A_37 {strides = array<i32>} : memref<1x128xi32, #tpu.memory_space<vmem>>, vector<1x16xi32>,
      %get3A_38 = arith.index_cast %scan3A_9 : i32 to index
      %get3A_39 = arith.constant 32 : index
      %get3A_40 = tpu.vector_load %arg6[%get3A_38, %get3A_39] {strides = array<i32>} : memref<79x128xi32, #tpu.memory_space<vmem>>, vector<1x16xi32>,
      %get3A_41 = vector.shape_cast %get3A_40 : vector<1x16xi32> to vector<16xi32>
      %shift_right_logical3A_42 = arith.constant 14 : i32
      %shift_right_logical3A_43 = vector.broadcast %shift_right_logical3A_42 : i32 to vector<16xi32>
      %shift_right_logical3A_44 = arith.shrui %get3A_41, %shift_right_logical3A_43 : vector<16xi32>
      %and3A_45 = arith.constant 16383 : i32
      %and3A_46 = vector.broadcast %and3A_45 : i32 to vector<16xi32>
      %and3A_47 = arith.andi %shift_right_logical3A_44, %and3A_46 : vector<16xi32>
      %swap3A_48 = arith.constant 0 : i32
      %swap3A_49 = arith.index_cast %swap3A_48 : i32 to index
      %swap3A_50 = arith.constant 32 : index
      %swap3A_51 = tpu.vector_load %arg7[%swap3A_49, %swap3A_50] {strides = array<i32>} : memref<1x128xi32, #tpu.memory_space<vmem>>, vector<1x16xi32>,
      %swap3A_52 = vector.shape_cast %swap3A_51 : vector<1x16xi32> to vector<16xi32>
      %swap3A_53 = vector.shape_cast %and3A_47 : vector<16xi32> to vector<1x16xi32>
      tpu.vector_store %arg7[%swap3A_49, %swap3A_50], %swap3A_53 {strides = array<i32>} : memref<1x128xi32, #tpu.memory_space<vmem>>, vector<1x16xi32>,
      %get3A_54 = arith.index_cast %scan3A_9 : i32 to index
      %get3A_55 = arith.constant 48 : index
      %get3A_56 = tpu.vector_load %arg6[%get3A_54, %get3A_55] {strides = array<i32>} : memref<79x128xi32, #tpu.memory_space<vmem>>, vector<1x16xi32>,
      %get3A_57 = vector.shape_cast %get3A_56 : vector<1x16xi32> to vector<16xi32>
      %shift_right_logical3A_58 = arith.constant 14 : i32
      %shift_right_logical3A_59 = vector.broadcast %shift_right_logical3A_58 : i32 to vector<16xi32>
      %shift_right_logical3A_60 = arith.shrui %get3A_57, %shift_right_logical3A_59 : vector<16xi32>
      %and3A_61 = arith.constant 16383 : i32
      %and3A_62 = vector.broadcast %and3A_61 : i32 to vector<16xi32>
      %and3A_63 = arith.andi %shift_right_logical3A_60, %and3A_62 : vector<16xi32>
      %swap3A_64 = arith.constant 0 : i32
      %swap3A_65 = arith.index_cast %swap3A_64 : i32 to index
      %swap3A_66 = arith.constant 48 : index
      %swap3A_67 = tpu.vector_load %arg7[%swap3A_65, %swap3A_66] {strides = array<i32>} : memref<1x128xi32, #tpu.memory_space<vmem>>, vector<1x16xi32>,
      %swap3A_68 = vector.shape_cast %swap3A_67 : vector<1x16xi32> to vector<16xi32>
      %swap3A_69 = vector.shape_cast %and3A_63 : vector<16xi32> to vector<1x16xi32>
      tpu.vector_store %arg7[%swap3A_65, %swap3A_66], %swap3A_69 {strides = array<i32>} : memref<1x128xi32, #tpu.memory_space<vmem>>, vector<1x16xi32>,
      %get3A_70 = arith.index_cast %scan3A_9 : i32 to index
      %get3A_71 = arith.constant 64 : index
      %get3A_72 = tpu.vector_load %arg6[%get3A_70, %get3A_71] {strides = array<i32>} : memref<79x128xi32, #tpu.memory_space<vmem>>, vector<1x16xi32>,
      %get3A_73 = vector.shape_cast %get3A_72 : vector<1x16xi32> to vector<16xi32>
      %shift_right_logical3A_74 = arith.constant 14 : i32
      %shift_right_logical3A_75 = vector.broadcast %shift_right_logical3A_74 : i32 to vector<16xi32>
      %shift_right_logical3A_76 = arith.shrui %get3A_73, %shift_right_logical3A_75 : vector<16xi32>
      %and3A_77 = arith.constant 16383 : i32
      %and3A_78 = vector.broadcast %and3A_77 : i32 to vector<16xi32>
      %and3A_79 = arith.andi %shift_right_logical3A_76, %and3A_78 : vector<16xi32>
      %swap3A_80 = arith.constant 0 : i32
      %swap3A_81 = arith.index_cast %swap3A_80 : i32 to index
      %swap3A_82 = arith.constant 64 : index
      %swap3A_83 = tpu.vector_load %arg7[%swap3A_81, %swap3A_82] {strides = array<i32>} : memref<1x128xi32, #tpu.memory_space<vmem>>, vector<1x16xi32>,
      %swap3A_84 = vector.shape_cast %swap3A_83 : vector<1x16xi32> to vector<16xi32>
      %swap3A_85 = vector.shape_cast %and3A_79 : vector<16xi32> to vector<1x16xi32>
      tpu.vector_store %arg7[%swap3A_81, %swap3A_82], %swap3A_85 {strides = array<i32>} : memref<1x128xi32, #tpu.memory_space<vmem>>, vector<1x16xi32>,
      %get3A_86 = arith.index_cast %scan3A_9 : i32 to index
      %get3A_87 = arith.constant 80 : index
      %get3A_88 = tpu.vector_load %arg6[%get3A_86, %get3A_87] {strides = array<i32>} : memref<79x128xi32, #tpu.memory_space<vmem>>, vector<1x16xi32>,
      %get3A_89 = vector.shape_cast %get3A_88 : vector<1x16xi32> to vector<16xi32>
      %shift_right_logical3A_90 = arith.constant 14 : i32
      %shift_right_logical3A_91 = vector.broadcast %shift_right_logical3A_90 : i32 to vector<16xi32>
      %shift_right_logical3A_92 = arith.shrui %get3A_89, %shift_right_logical3A_91 : vector<16xi32>
      %and3A_93 = arith.constant 16383 : i32
      %and3A_94 = vector.broadcast %and3A_93 : i32 to vector<16xi32>
      %and3A_95 = arith.andi %shift_right_logical3A_92, %and3A_94 : vector<16xi32>
      %swap3A_96 = arith.constant 0 : i32
      %swap3A_97 = arith.index_cast %swap3A_96 : i32 to index
      %swap3A_98 = arith.constant 80 : index
      %swap3A_99 = tpu.vector_load %arg7[%swap3A_97, %swap3A_98] {strides = array<i32>} : memref<1x128xi32, #tpu.memory_space<vmem>>, vector<1x16xi32>,
      %swap3A_100 = vector.shape_cast %swap3A_99 : vector<1x16xi32> to vector<16xi32>
      %swap3A_101 = vector.shape_cast %and3A_95 : vector<16xi32> to vector<1x16xi32>
      tpu.vector_store %arg7[%swap3A_97, %swap3A_98], %swap3A_101 {strides = array<i32>} : memref<1x128xi32, #tpu.memory_space<vmem>>, vector<1x16xi32>,
      %get3A_102 = arith.index_cast %scan3A_9 : i32 to index
      %get3A_103 = arith.constant 96 : index
      %get3A_104 = tpu.vector_load %arg6[%get3A_102, %get3A_103] {strides = array<i32>} : memref<79x128xi32, #tpu.memory_space<vmem>>, vector<1x16xi32>,
      %get3A_105 = vector.shape_cast %get3A_104 : vector<1x16xi32> to vector<16xi32>
      %shift_right_logical3A_106 = arith.constant 14 : i32
      %shift_right_logical3A_107 = vector.broadcast %shift_right_logical3A_106 : i32 to vector<16xi32>
      %shift_right_logical3A_108 = arith.shrui %get3A_105, %shift_right_logical3A_107 : vector<16xi32>
      %and3A_109 = arith.constant 16383 : i32
      %and3A_110 = vector.broadcast %and3A_109 : i32 to vector<16xi32>
      %and3A_111 = arith.andi %shift_right_logical3A_108, %and3A_110 : vector<16xi32>
      %swap3A_112 = arith.constant 0 : i32
      %swap3A_113 = arith.index_cast %swap3A_112 : i32 to index
      %swap3A_114 = arith.constant 96 : index
      %swap3A_115 = tpu.vector_load %arg7[%swap3A_113, %swap3A_114] {strides = array<i32>} : memref<1x128xi32, #tpu.memory_space<vmem>>, vector<1x16xi32>,
      %swap3A_116 = vector.shape_cast %swap3A_115 : vector<1x16xi32> to vector<16xi32>
      %swap3A_117 = vector.shape_cast %and3A_111 : vector<16xi32> to vector<1x16xi32>
      tpu.vector_store %arg7[%swap3A_113, %swap3A_114], %swap3A_117 {strides = array<i32>} : memref<1x128xi32, #tpu.memory_space<vmem>>, vector<1x16xi32>,
      %get3A_118 = arith.index_cast %scan3A_9 : i32 to index
      %get3A_119 = arith.constant 112 : index
      %get3A_120 = tpu.vector_load %arg6[%get3A_118, %get3A_119] {strides = array<i32>} : memref<79x128xi32, #tpu.memory_space<vmem>>, vector<1x16xi32>,
      %get3A_121 = vector.shape_cast %get3A_120 : vector<1x16xi32> to vector<16xi32>
      %shift_right_logical3A_122 = arith.constant 14 : i32
      %shift_right_logical3A_123 = vector.broadcast %shift_right_logical3A_122 : i32 to vector<16xi32>
      %shift_right_logical3A_124 = arith.shrui %get3A_121, %shift_right_logical3A_123 : vector<16xi32>
      %and3A_125 = arith.constant 16383 : i32
      %and3A_126 = vector.broadcast %and3A_125 : i32 to vector<16xi32>
      %and3A_127 = arith.andi %shift_right_logical3A_124, %and3A_126 : vector<16xi32>
      %swap3A_128 = arith.constant 0 : i32
      %swap3A_129 = arith.index_cast %swap3A_128 : i32 to index
      %swap3A_130 = arith.constant 112 : index
      %swap3A_131 = tpu.vector_load %arg7[%swap3A_129, %swap3A_130] {strides = array<i32>} : memref<1x128xi32, #tpu.memory_space<vmem>>, vector<1x16xi32>,
      %swap3A_132 = vector.shape_cast %swap3A_131 : vector<1x16xi32> to vector<16xi32>
      %swap3A_133 = vector.shape_cast %and3A_127 : vector<16xi32> to vector<1x16xi32>
      tpu.vector_store %arg7[%swap3A_129, %swap3A_130], %swap3A_133 {strides = array<i32>} : memref<1x128xi32, #tpu.memory_space<vmem>>, vector<1x16xi32>,
      %dma_start3A = arith.constant 0 : i32
      %dma_start3A_134 = arith.constant 0 : i32
      %dma_start3A_135 = tpu.memref_slice %arg7[%dma_start3A, %dma_start3A_134] : memref<1x128xi32, #tpu.memory_space<vmem>> -> memref<1x128xi32, #tpu.memory_space<vmem>>
      %dma_start3A_136 = tpu.memref_squeeze %dma_start3A_135 : memref<1x128xi32, #tpu.memory_space<vmem>> -> memref<128xi32, #tpu.memory_space<vmem>>
      %dma_start3A_137 = arith.constant 0 : i32
      %dma_start3A_138 = arith.constant 0 : i32
      %dma_start3A_139 = tpu.memref_slice %arg2[%dma_start3A_137, %dma_start3A_138] : memref<10000x128xf32, #tpu.memory_space<hbm>> -> memref<10000x128xf32, #tpu.memory_space<hbm>>
      tpu.enqueue_indirect_dma source(%dma_start3A_139 : memref<10000x128xf32, #tpu.memory_space<hbm>>) target(%arg9 : memref<128x128xf32, #tpu.memory_space<vmem>>) offsets(%dma_start3A_136 : memref<128xi32, #tpu.memory_space<vmem>>) semaphore(%arg11 : memref<!tpu.dma_semaphore, #tpu.memory_space<semaphore_mem>>)
      %dma_wait3A = arith.constant 0 : i32
      %dma_wait3A_140 = arith.constant 0 : i32
      %dma_wait3A_141 = tpu.memref_slice %arg7[%dma_wait3A, %dma_wait3A_140] : memref<1x128xi32, #tpu.memory_space<vmem>> -> memref<1x128xi32, #tpu.memory_space<vmem>>
      %dma_wait3A_142 = tpu.memref_squeeze %dma_wait3A_141 : memref<1x128xi32, #tpu.memory_space<vmem>> -> memref<128xi32, #tpu.memory_space<vmem>>
      %dma_wait3A_143 = arith.constant 0 : i32
      %dma_wait3A_144 = arith.constant 0 : i32
      %dma_wait3A_145 = tpu.memref_slice %arg2[%dma_wait3A_143, %dma_wait3A_144] : memref<10000x128xf32, #tpu.memory_space<hbm>> -> memref<10000x128xf32, #tpu.memory_space<hbm>>
      tpu.wait_indirect_dma semaphore(%arg11 : memref<!tpu.dma_semaphore, #tpu.memory_space<semaphore_mem>>) src(%dma_wait3A_145 : memref<10000x128xf32, #tpu.memory_space<hbm>>) dst(%arg9 : memref<128x128xf32, #tpu.memory_space<vmem>>)
      %get3A_146 = arith.index_cast %scan3A_9 : i32 to index
      %get3A_147 = arith.constant 0 : index
      %get3A_148 = tpu.vector_load %arg6[%get3A_146, %get3A_147] {strides = array<i32>} : memref<79x128xi32, #tpu.memory_space<vmem>>, vector<1x16xi32>,
      %get3A_149 = vector.shape_cast %get3A_148 : vector<1x16xi32> to vector<16xi32>
      %shift_right_logical3A_150 = arith.constant 0 : i32
      %shift_right_logical3A_151 = vector.broadcast %shift_right_logical3A_150 : i32 to vector<16xi32>
      %shift_right_logical3A_152 = arith.shrui %get3A_149, %shift_right_logical3A_151 : vector<16xi32>
      %and3A_153 = arith.constant 16383 : i32
      %and3A_154 = vector.broadcast %and3A_153 : i32 to vector<16xi32>
      %and3A_155 = arith.andi %shift_right_logical3A_152, %and3A_154 : vector<16xi32>
      %swap3A_156 = arith.constant 0 : i32
      %swap3A_157 = arith.index_cast %swap3A_156 : i32 to index
      %swap3A_158 = arith.constant 0 : index
      %swap3A_159 = tpu.vector_load %arg8[%swap3A_157, %swap3A_158] {strides = array<i32>} : memref<1x128xi32, #tpu.memory_space<vmem>>, vector<1x16xi32>,
      %swap3A_160 = vector.shape_cast %swap3A_159 : vector<1x16xi32> to vector<16xi32>
      %swap3A_161 = vector.shape_cast %and3A_155 : vector<16xi32> to vector<1x16xi32>
      tpu.vector_store %arg8[%swap3A_157, %swap3A_158], %swap3A_161 {strides = array<i32>} : memref<1x128xi32, #tpu.memory_space<vmem>>, vector<1x16xi32>,
      %get3A_162 = arith.index_cast %scan3A_9 : i32 to index
      %get3A_163 = arith.constant 16 : index
      %get3A_164 = tpu.vector_load %arg6[%get3A_162, %get3A_163] {strides = array<i32>} : memref<79x128xi32, #tpu.memory_space<vmem>>, vector<1x16xi32>,
      %get3A_165 = vector.shape_cast %get3A_164 : vector<1x16xi32> to vector<16xi32>
      %shift_right_logical3A_166 = arith.constant 0 : i32
      %shift_right_logical3A_167 = vector.broadcast %shift_right_logical3A_166 : i32 to vector<16xi32>
      %shift_right_logical3A_168 = arith.shrui %get3A_165, %shift_right_logical3A_167 : vector<16xi32>
      %and3A_169 = arith.constant 16383 : i32
      %and3A_170 = vector.broadcast %and3A_169 : i32 to vector<16xi32>
      %and3A_171 = arith.andi %shift_right_logical3A_168, %and3A_170 : vector<16xi32>
      %swap3A_172 = arith.constant 0 : i32
      %swap3A_173 = arith.index_cast %swap3A_172 : i32 to index
      %swap3A_174 = arith.constant 16 : index
      %swap3A_175 = tpu.vector_load %arg8[%swap3A_173, %swap3A_174] {strides = array<i32>} : memref<1x128xi32, #tpu.memory_space<vmem>>, vector<1x16xi32>,
      %swap3A_176 = vector.shape_cast %swap3A_175 : vector<1x16xi32> to vector<16xi32>
      %swap3A_177 = vector.shape_cast %and3A_171 : vector<16xi32> to vector<1x16xi32>
      tpu.vector_store %arg8[%swap3A_173, %swap3A_174], %swap3A_177 {strides = array<i32>} : memref<1x128xi32, #tpu.memory_space<vmem>>, vector<1x16xi32>,
      %get3A_178 = arith.index_cast %scan3A_9 : i32 to index
      %get3A_179 = arith.constant 32 : index
      %get3A_180 = tpu.vector_load %arg6[%get3A_178, %get3A_179] {strides = array<i32>} : memref<79x128xi32, #tpu.memory_space<vmem>>, vector<1x16xi32>,
      %get3A_181 = vector.shape_cast %get3A_180 : vector<1x16xi32> to vector<16xi32>
      %shift_right_logical3A_182 = arith.constant 0 : i32
      %shift_right_logical3A_183 = vector.broadcast %shift_right_logical3A_182 : i32 to vector<16xi32>
      %shift_right_logical3A_184 = arith.shrui %get3A_181, %shift_right_logical3A_183 : vector<16xi32>
      %and3A_185 = arith.constant 16383 : i32
      %and3A_186 = vector.broadcast %and3A_185 : i32 to vector<16xi32>
      %and3A_187 = arith.andi %shift_right_logical3A_184, %and3A_186 : vector<16xi32>
      %swap3A_188 = arith.constant 0 : i32
      %swap3A_189 = arith.index_cast %swap3A_188 : i32 to index
      %swap3A_190 = arith.constant 32 : index
      %swap3A_191 = tpu.vector_load %arg8[%swap3A_189, %swap3A_190] {strides = array<i32>} : memref<1x128xi32, #tpu.memory_space<vmem>>, vector<1x16xi32>,
      %swap3A_192 = vector.shape_cast %swap3A_191 : vector<1x16xi32> to vector<16xi32>
      %swap3A_193 = vector.shape_cast %and3A_187 : vector<16xi32> to vector<1x16xi32>
      tpu.vector_store %arg8[%swap3A_189, %swap3A_190], %swap3A_193 {strides = array<i32>} : memref<1x128xi32, #tpu.memory_space<vmem>>, vector<1x16xi32>,
      %get3A_194 = arith.index_cast %scan3A_9 : i32 to index
      %get3A_195 = arith.constant 48 : index
      %get3A_196 = tpu.vector_load %arg6[%get3A_194, %get3A_195] {strides = array<i32>} : memref<79x128xi32, #tpu.memory_space<vmem>>, vector<1x16xi32>,
      %get3A_197 = vector.shape_cast %get3A_196 : vector<1x16xi32> to vector<16xi32>
      %shift_right_logical3A_198 = arith.constant 0 : i32
      %shift_right_logical3A_199 = vector.broadcast %shift_right_logical3A_198 : i32 to vector<16xi32>
      %shift_right_logical3A_200 = arith.shrui %get3A_197, %shift_right_logical3A_199 : vector<16xi32>
      %and3A_201 = arith.constant 16383 : i32
      %and3A_202 = vector.broadcast %and3A_201 : i32 to vector<16xi32>
      %and3A_203 = arith.andi %shift_right_logical3A_200, %and3A_202 : vector<16xi32>
      %swap3A_204 = arith.constant 0 : i32
      %swap3A_205 = arith.index_cast %swap3A_204 : i32 to index
      %swap3A_206 = arith.constant 48 : index
      %swap3A_207 = tpu.vector_load %arg8[%swap3A_205, %swap3A_206] {strides = array<i32>} : memref<1x128xi32, #tpu.memory_space<vmem>>, vector<1x16xi32>,
      %swap3A_208 = vector.shape_cast %swap3A_207 : vector<1x16xi32> to vector<16xi32>
      %swap3A_209 = vector.shape_cast %and3A_203 : vector<16xi32> to vector<1x16xi32>
      tpu.vector_store %arg8[%swap3A_205, %swap3A_206], %swap3A_209 {strides = array<i32>} : memref<1x128xi32, #tpu.memory_space<vmem>>, vector<1x16xi32>,
      %get3A_210 = arith.index_cast %scan3A_9 : i32 to index
      %get3A_211 = arith.constant 64 : index
      %get3A_212 = tpu.vector_load %arg6[%get3A_210, %get3A_211] {strides = array<i32>} : memref<79x128xi32, #tpu.memory_space<vmem>>, vector<1x16xi32>,
      %get3A_213 = vector.shape_cast %get3A_212 : vector<1x16xi32> to vector<16xi32>
      %shift_right_logical3A_214 = arith.constant 0 : i32
      %shift_right_logical3A_215 = vector.broadcast %shift_right_logical3A_214 : i32 to vector<16xi32>
      %shift_right_logical3A_216 = arith.shrui %get3A_213, %shift_right_logical3A_215 : vector<16xi32>
      %and3A_217 = arith.constant 16383 : i32
      %and3A_218 = vector.broadcast %and3A_217 : i32 to vector<16xi32>
      %and3A_219 = arith.andi %shift_right_logical3A_216, %and3A_218 : vector<16xi32>
      %swap3A_220 = arith.constant 0 : i32
      %swap3A_221 = arith.index_cast %swap3A_220 : i32 to index
      %swap3A_222 = arith.constant 64 : index
      %swap3A_223 = tpu.vector_load %arg8[%swap3A_221, %swap3A_222] {strides = array<i32>} : memref<1x128xi32, #tpu.memory_space<vmem>>, vector<1x16xi32>,
      %swap3A_224 = vector.shape_cast %swap3A_223 : vector<1x16xi32> to vector<16xi32>
      %swap3A_225 = vector.shape_cast %and3A_219 : vector<16xi32> to vector<1x16xi32>
      tpu.vector_store %arg8[%swap3A_221, %swap3A_222], %swap3A_225 {strides = array<i32>} : memref<1x128xi32, #tpu.memory_space<vmem>>, vector<1x16xi32>,
      %get3A_226 = arith.index_cast %scan3A_9 : i32 to index
      %get3A_227 = arith.constant 80 : index
      %get3A_228 = tpu.vector_load %arg6[%get3A_226, %get3A_227] {strides = array<i32>} : memref<79x128xi32, #tpu.memory_space<vmem>>, vector<1x16xi32>,
      %get3A_229 = vector.shape_cast %get3A_228 : vector<1x16xi32> to vector<16xi32>
      %shift_right_logical3A_230 = arith.constant 0 : i32
      %shift_right_logical3A_231 = vector.broadcast %shift_right_logical3A_230 : i32 to vector<16xi32>
      %shift_right_logical3A_232 = arith.shrui %get3A_229, %shift_right_logical3A_231 : vector<16xi32>
      %and3A_233 = arith.constant 16383 : i32
      %and3A_234 = vector.broadcast %and3A_233 : i32 to vector<16xi32>
      %and3A_235 = arith.andi %shift_right_logical3A_232, %and3A_234 : vector<16xi32>
      %swap3A_236 = arith.constant 0 : i32
      %swap3A_237 = arith.index_cast %swap3A_236 : i32 to index
      %swap3A_238 = arith.constant 80 : index
      %swap3A_239 = tpu.vector_load %arg8[%swap3A_237, %swap3A_238] {strides = array<i32>} : memref<1x128xi32, #tpu.memory_space<vmem>>, vector<1x16xi32>,
      %swap3A_240 = vector.shape_cast %swap3A_239 : vector<1x16xi32> to vector<16xi32>
      %swap3A_241 = vector.shape_cast %and3A_235 : vector<16xi32> to vector<1x16xi32>
      tpu.vector_store %arg8[%swap3A_237, %swap3A_238], %swap3A_241 {strides = array<i32>} : memref<1x128xi32, #tpu.memory_space<vmem>>, vector<1x16xi32>,
      %get3A_242 = arith.index_cast %scan3A_9 : i32 to index
      %get3A_243 = arith.constant 96 : index
      %get3A_244 = tpu.vector_load %arg6[%get3A_242, %get3A_243] {strides = array<i32>} : memref<79x128xi32, #tpu.memory_space<vmem>>, vector<1x16xi32>,
      %get3A_245 = vector.shape_cast %get3A_244 : vector<1x16xi32> to vector<16xi32>
      %shift_right_logical3A_246 = arith.constant 0 : i32
      %shift_right_logical3A_247 = vector.broadcast %shift_right_logical3A_246 : i32 to vector<16xi32>
      %shift_right_logical3A_248 = arith.shrui %get3A_245, %shift_right_logical3A_247 : vector<16xi32>
      %and3A_249 = arith.constant 16383 : i32
      %and3A_250 = vector.broadcast %and3A_249 : i32 to vector<16xi32>
      %and3A_251 = arith.andi %shift_right_logical3A_248, %and3A_250 : vector<16xi32>
      %swap3A_252 = arith.constant 0 : i32
      %swap3A_253 = arith.index_cast %swap3A_252 : i32 to index
      %swap3A_254 = arith.constant 96 : index
      %swap3A_255 = tpu.vector_load %arg8[%swap3A_253, %swap3A_254] {strides = array<i32>} : memref<1x128xi32, #tpu.memory_space<vmem>>, vector<1x16xi32>,
      %swap3A_256 = vector.shape_cast %swap3A_255 : vector<1x16xi32> to vector<16xi32>
      %swap3A_257 = vector.shape_cast %and3A_251 : vector<16xi32> to vector<1x16xi32>
      tpu.vector_store %arg8[%swap3A_253, %swap3A_254], %swap3A_257 {strides = array<i32>} : memref<1x128xi32, #tpu.memory_space<vmem>>, vector<1x16xi32>,
      %get3A_258 = arith.index_cast %scan3A_9 : i32 to index
      %get3A_259 = arith.constant 112 : index
      %get3A_260 = tpu.vector_load %arg6[%get3A_258, %get3A_259] {strides = array<i32>} : memref<79x128xi32, #tpu.memory_space<vmem>>, vector<1x16xi32>,
      %get3A_261 = vector.shape_cast %get3A_260 : vector<1x16xi32> to vector<16xi32>
      %shift_right_logical3A_262 = arith.constant 0 : i32
      %shift_right_logical3A_263 = vector.broadcast %shift_right_logical3A_262 : i32 to vector<16xi32>
      %shift_right_logical3A_264 = arith.shrui %get3A_261, %shift_right_logical3A_263 : vector<16xi32>
      %and3A_265 = arith.constant 16383 : i32
      %and3A_266 = vector.broadcast %and3A_265 : i32 to vector<16xi32>
      %and3A_267 = arith.andi %shift_right_logical3A_264, %and3A_266 : vector<16xi32>
      %swap3A_268 = arith.constant 0 : i32
      %swap3A_269 = arith.index_cast %swap3A_268 : i32 to index
      %swap3A_270 = arith.constant 112 : index
      %swap3A_271 = tpu.vector_load %arg8[%swap3A_269, %swap3A_270] {strides = array<i32>} : memref<1x128xi32, #tpu.memory_space<vmem>>, vector<1x16xi32>,
      %swap3A_272 = vector.shape_cast %swap3A_271 : vector<1x16xi32> to vector<16xi32>
      %swap3A_273 = vector.shape_cast %and3A_267 : vector<16xi32> to vector<1x16xi32>
      tpu.vector_store %arg8[%swap3A_269, %swap3A_270], %swap3A_273 {strides = array<i32>} : memref<1x128xi32, #tpu.memory_space<vmem>>, vector<1x16xi32>,
      %run_scoped3A = arith.constant 0 : i32
      "tpu.region"() ({
        %run_scoped3A_274 = tpu.sem_alloc : memref<!tpu.dma_semaphore, #tpu.memory_space<semaphore_mem>>
        %dma_start3A_275 = arith.constant 0 : i32
        %dma_start3A_276 = tpu.memref_slice %arg8[%run_scoped3A, %dma_start3A_275] : memref<1x128xi32, #tpu.memory_space<vmem>> -> memref<1x128xi32, #tpu.memory_space<vmem>>
        %dma_start3A_277 = tpu.memref_squeeze %dma_start3A_276 : memref<1x128xi32, #tpu.memory_space<vmem>> -> memref<128xi32, #tpu.memory_space<vmem>>
        %dma_start3A_278 = arith.constant 0 : i32
        %dma_start3A_279 = arith.constant 0 : i32
        %dma_start3A_280 = tpu.memref_slice %arg10[%dma_start3A_278, %dma_start3A_279] : memref<10112x128xf32, #tpu.memory_space<vmem_shared>> -> memref<10112x128xf32, #tpu.memory_space<vmem_shared>>
        tpu.enqueue_indirect_dma source(%arg9 : memref<128x128xf32, #tpu.memory_space<vmem>>) target(%dma_start3A_280 : memref<10112x128xf32, #tpu.memory_space<vmem_shared>>) offsets(%dma_start3A_277 : memref<128xi32, #tpu.memory_space<vmem>>) semaphore(%run_scoped3A_274 : memref<!tpu.dma_semaphore, #tpu.memory_space<semaphore_mem>>) {add = true}
        %dma_wait3A_281 = arith.constant 0 : i32
        %dma_wait3A_282 = tpu.memref_slice %arg8[%run_scoped3A, %dma_wait3A_281] : memref<1x128xi32, #tpu.memory_space<vmem>> -> memref<1x128xi32, #tpu.memory_space<vmem>>
        %dma_wait3A_283 = tpu.memref_squeeze %dma_wait3A_282 : memref<1x128xi32, #tpu.memory_space<vmem>> -> memref<128xi32, #tpu.memory_space<vmem>>
        %dma_wait3A_284 = arith.constant 0 : i32
        %dma_wait3A_285 = arith.constant 0 : i32
        %dma_wait3A_286 = tpu.memref_slice %arg10[%dma_wait3A_284, %dma_wait3A_285] : memref<10112x128xf32, #tpu.memory_space<vmem_shared>> -> memref<10112x128xf32, #tpu.memory_space<vmem_shared>>
        tpu.wait_indirect_dma semaphore(%run_scoped3A_274 : memref<!tpu.dma_semaphore, #tpu.memory_space<semaphore_mem>>) src(%arg9 : memref<128x128xf32, #tpu.memory_space<vmem>>) dst(%dma_wait3A_286 : memref<10112x128xf32, #tpu.memory_space<vmem_shared>>)
        tpu.yield
      }) : () -> ()
    }
    %scan3A_7 = arith.constant 79 : i32
    %barrier3A_8 = arith.constant 0 : index
    tpu.barrier barrier_id(%barrier3A_8)
    "tpu.region"() ({
      %run_scoped3A = tpu.sem_alloc : memref<!tpu.dma_semaphore, #tpu.memory_space<semaphore_mem>>
      %dma_start3A = arith.constant 0 : i32
      %dma_start3A_9 = tpu.memref_slice %arg5[%arg0, %mul3A_2, %dma_start3A] : memref<2x10112x128xf32, #tpu.memory_space<hbm>> -> memref<1x632x128xf32, #tpu.memory_space<hbm>>
      %dma_start3A_10 = tpu.memref_squeeze %dma_start3A_9 : memref<1x632x128xf32, #tpu.memory_space<hbm>> -> memref<632x128xf32, #tpu.memory_space<hbm>>
      %dma_start3A_11 = arith.constant 0 : i32
      %dma_start3A_12 = tpu.memref_slice %arg10[%mul3A_2, %dma_start3A_11] : memref<10112x128xf32, #tpu.memory_space<vmem_shared>> -> memref<632x128xf32, #tpu.memory_space<vmem_shared>>
      tpu.enqueue_dma source(%dma_start3A_12 : memref<632x128xf32, #tpu.memory_space<vmem_shared>>) target(%dma_start3A_10 : memref<632x128xf32, #tpu.memory_space<hbm>>) target_semaphore(%run_scoped3A : memref<!tpu.dma_semaphore, #tpu.memory_space<semaphore_mem>>)
      %dma_wait3A = arith.constant 0 : i32
      %dma_wait3A_13 = tpu.memref_slice %arg5[%arg0, %mul3A_2, %dma_wait3A] : memref<2x10112x128xf32, #tpu.memory_space<hbm>> -> memref<1x632x128xf32, #tpu.memory_space<hbm>>
      %dma_wait3A_14 = tpu.memref_squeeze %dma_wait3A_13 : memref<1x632x128xf32, #tpu.memory_space<hbm>> -> memref<632x128xf32, #tpu.memory_space<hbm>>
      %dma_wait3A_15 = arith.constant 0 : i32
      %dma_wait3A_16 = tpu.memref_slice %arg10[%mul3A_2, %dma_wait3A_15] : memref<10112x128xf32, #tpu.memory_space<vmem_shared>> -> memref<632x128xf32, #tpu.memory_space<vmem_shared>>
      tpu.wait_dma2 semaphore(%run_scoped3A : memref<!tpu.dma_semaphore, #tpu.memory_space<semaphore_mem>>) src(%dma_wait3A_16 : memref<632x128xf32, #tpu.memory_space<vmem_shared>>) dst(%dma_wait3A_14 : memref<632x128xf32, #tpu.memory_space<hbm>>)
      tpu.yield
    }) : () -> ()
    return
  }
}

#map = affine_map<(d0, d1) -> (0, 0, 0)>
#map1 = affine_map<(d0, d1) -> (0, 0)>
module attributes {stable_mosaic.version = 14 : i64} {
  func.func @deg_kernel(%arg0: i32, %arg1: i32, %arg2: memref<32x79x128xi32, #tpu.memory_space<hbm>>, %arg3: memref<128x128xf32, #tpu.memory_space<hbm>>, %arg4: memref<10112x128xf32, #tpu.memory_space<hbm>>, %arg5: memref<2x10112x128xf32, #tpu.memory_space<hbm>>, %arg6: memref<79x128xi32, #tpu.memory_space<vmem>>, %arg7: memref<1x128xi32, #tpu.memory_space<vmem>>, %arg8: memref<128x128xf32, #tpu.memory_space<vmem>>, %arg9: memref<10112x128xf32, #tpu.memory_space<vmem_shared>>) attributes {dimension_semantics = [#tpu.dimension_semantics<core_parallel>, #tpu.dimension_semantics<subcore_parallel>], iteration_bounds = array<i64: 2, 16>, scalar_prefetch = 0 : i64, scratch_operands = 4 : i64, tpu.core_type = #tpu.core_type<sc_vector_subcore>, window_params = [{transform_indices = #map}, {transform_indices = #map1}, {transform_indices = #map1}, {transform_indices = #map}]} {
    %mul3A = arith.constant 16 : i32
    %mul3A_0 = arith.muli %arg0, %mul3A : i32
    %add3A = arith.addi %mul3A_0, %arg1 : i32
    "tpu.region"() ({
      %run_scoped3A = tpu.sem_alloc : memref<!tpu.dma_semaphore, #tpu.memory_space<semaphore_mem>>
      %dma_start3A = arith.constant 0 : i32
      %dma_start3A_9 = arith.constant 0 : i32
      %dma_start3A_10 = tpu.memref_slice %arg2[%add3A, %dma_start3A, %dma_start3A_9] : memref<32x79x128xi32, #tpu.memory_space<hbm>> -> memref<1x79x128xi32, #tpu.memory_space<hbm>>
      %dma_start3A_11 = tpu.memref_squeeze %dma_start3A_10 : memref<1x79x128xi32, #tpu.memory_space<hbm>> -> memref<79x128xi32, #tpu.memory_space<hbm>>
      %dma_start3A_12 = arith.constant 0 : i32
      %dma_start3A_13 = arith.constant 0 : i32
      %dma_start3A_14 = tpu.memref_slice %arg2[%add3A, %dma_start3A_12, %dma_start3A_13] : memref<32x79x128xi32, #tpu.memory_space<hbm>> -> memref<1x79x128xi32, #tpu.memory_space<hbm>>
      %dma_start3A_15 = tpu.memref_squeeze %dma_start3A_14 : memref<1x79x128xi32, #tpu.memory_space<hbm>> -> memref<79x128xi32, #tpu.memory_space<hbm>>
      tpu.enqueue_dma source(%dma_start3A_15 : memref<79x128xi32, #tpu.memory_space<hbm>>) target(%arg6 : memref<79x128xi32, #tpu.memory_space<vmem>>) target_semaphore(%run_scoped3A : memref<!tpu.dma_semaphore, #tpu.memory_space<semaphore_mem>>)
      %dma_wait3A = arith.constant 0 : i32
      %dma_wait3A_16 = arith.constant 0 : i32
      %dma_wait3A_17 = tpu.memref_slice %arg2[%add3A, %dma_wait3A, %dma_wait3A_16] : memref<32x79x128xi32, #tpu.memory_space<hbm>> -> memref<1x79x128xi32, #tpu.memory_space<hbm>>
      %dma_wait3A_18 = tpu.memref_squeeze %dma_wait3A_17 : memref<1x79x128xi32, #tpu.memory_space<hbm>> -> memref<79x128xi32, #tpu.memory_space<hbm>>
      %dma_wait3A_19 = arith.constant 0 : i32
      %dma_wait3A_20 = arith.constant 0 : i32
      %dma_wait3A_21 = tpu.memref_slice %arg2[%add3A, %dma_wait3A_19, %dma_wait3A_20] : memref<32x79x128xi32, #tpu.memory_space<hbm>> -> memref<1x79x128xi32, #tpu.memory_space<hbm>>
      %dma_wait3A_22 = tpu.memref_squeeze %dma_wait3A_21 : memref<1x79x128xi32, #tpu.memory_space<hbm>> -> memref<79x128xi32, #tpu.memory_space<hbm>>
      tpu.wait_dma2 semaphore(%run_scoped3A : memref<!tpu.dma_semaphore, #tpu.memory_space<semaphore_mem>>) src(%dma_wait3A_22 : memref<79x128xi32, #tpu.memory_space<hbm>>) dst(%arg6 : memref<79x128xi32, #tpu.memory_space<vmem>>)
      tpu.yield
    }) : () -> ()
    "tpu.region"() ({
      %run_scoped3A = tpu.sem_alloc : memref<!tpu.dma_semaphore, #tpu.memory_space<semaphore_mem>>
      tpu.enqueue_dma source(%arg3 : memref<128x128xf32, #tpu.memory_space<hbm>>) target(%arg8 : memref<128x128xf32, #tpu.memory_space<vmem>>) target_semaphore(%run_scoped3A : memref<!tpu.dma_semaphore, #tpu.memory_space<semaphore_mem>>)
      tpu.wait_dma2 semaphore(%run_scoped3A : memref<!tpu.dma_semaphore, #tpu.memory_space<semaphore_mem>>) src(%arg3 : memref<128x128xf32, #tpu.memory_space<hbm>>) dst(%arg8 : memref<128x128xf32, #tpu.memory_space<vmem>>)
      tpu.yield
    }) : () -> ()
    %mul3A_1 = arith.constant 632 : i32
    %mul3A_2 = arith.muli %arg1, %mul3A_1 : i32
    "tpu.region"() ({
      %run_scoped3A = tpu.sem_alloc : memref<!tpu.dma_semaphore, #tpu.memory_space<semaphore_mem>>
      %dma_start3A = arith.constant 0 : i32
      %dma_start3A_9 = tpu.memref_slice %arg9[%mul3A_2, %dma_start3A] : memref<10112x128xf32, #tpu.memory_space<vmem_shared>> -> memref<632x128xf32, #tpu.memory_space<vmem_shared>>
      %dma_start3A_10 = arith.constant 0 : i32
      %dma_start3A_11 = tpu.memref_slice %arg4[%mul3A_2, %dma_start3A_10] : memref<10112x128xf32, #tpu.memory_space<hbm>> -> memref<632x128xf32, #tpu.memory_space<hbm>>
      tpu.enqueue_dma source(%dma_start3A_11 : memref<632x128xf32, #tpu.memory_space<hbm>>) target(%dma_start3A_9 : memref<632x128xf32, #tpu.memory_space<vmem_shared>>) target_semaphore(%run_scoped3A : memref<!tpu.dma_semaphore, #tpu.memory_space<semaphore_mem>>)
      %dma_wait3A = arith.constant 0 : i32
      %dma_wait3A_12 = tpu.memref_slice %arg9[%mul3A_2, %dma_wait3A] : memref<10112x128xf32, #tpu.memory_space<vmem_shared>> -> memref<632x128xf32, #tpu.memory_space<vmem_shared>>
      %dma_wait3A_13 = arith.constant 0 : i32
      %dma_wait3A_14 = tpu.memref_slice %arg4[%mul3A_2, %dma_wait3A_13] : memref<10112x128xf32, #tpu.memory_space<hbm>> -> memref<632x128xf32, #tpu.memory_space<hbm>>
      tpu.wait_dma2 semaphore(%run_scoped3A : memref<!tpu.dma_semaphore, #tpu.memory_space<semaphore_mem>>) src(%dma_wait3A_14 : memref<632x128xf32, #tpu.memory_space<hbm>>) dst(%dma_wait3A_12 : memref<632x128xf32, #tpu.memory_space<vmem_shared>>)
      tpu.yield
    }) : () -> ()
    %barrier3A = arith.constant 0 : index
    tpu.barrier barrier_id(%barrier3A)
    %scan3A = arith.constant 0 : i32
    %scan3A_3 = arith.constant 0 : i32
    %scan3A_4 = arith.constant 79 : i32
    %scan3A_5 = arith.addi %scan3A_3, %scan3A_4 : i32
    %scan3A_6 = arith.constant 1 : i32
    scf.for %scan3A_9 = %scan3A_3 to %scan3A_5 step %scan3A_6  : i32 {
      %get3A = arith.index_cast %scan3A_9 : i32 to index
      %get3A_10 = arith.constant 0 : index
      %get3A_11 = tpu.vector_load %arg6[%get3A, %get3A_10] {strides = array<i32>} : memref<79x128xi32, #tpu.memory_space<vmem>>, vector<1x16xi32>,
      %get3A_12 = vector.shape_cast %get3A_11 : vector<1x16xi32> to vector<16xi32>
      %shift_right_logical3A = arith.constant 0 : i32
      %shift_right_logical3A_13 = vector.broadcast %shift_right_logical3A : i32 to vector<16xi32>
      %shift_right_logical3A_14 = arith.shrui %get3A_12, %shift_right_logical3A_13 : vector<16xi32>
      %and3A = arith.constant 16383 : i32
      %and3A_15 = vector.broadcast %and3A : i32 to vector<16xi32>
      %and3A_16 = arith.andi %shift_right_logical3A_14, %and3A_15 : vector<16xi32>
      %swap3A = arith.constant 0 : i32
      %swap3A_17 = arith.index_cast %swap3A : i32 to index
      %swap3A_18 = arith.constant 0 : index
      %swap3A_19 = tpu.vector_load %arg7[%swap3A_17, %swap3A_18] {strides = array<i32>} : memref<1x128xi32, #tpu.memory_space<vmem>>, vector<1x16xi32>,
      %swap3A_20 = vector.shape_cast %swap3A_19 : vector<1x16xi32> to vector<16xi32>
      %swap3A_21 = vector.shape_cast %and3A_16 : vector<16xi32> to vector<1x16xi32>
      tpu.vector_store %arg7[%swap3A_17, %swap3A_18], %swap3A_21 {strides = array<i32>} : memref<1x128xi32, #tpu.memory_space<vmem>>, vector<1x16xi32>,
      %get3A_22 = arith.index_cast %scan3A_9 : i32 to index
      %get3A_23 = arith.constant 16 : index
      %get3A_24 = tpu.vector_load %arg6[%get3A_22, %get3A_23] {strides = array<i32>} : memref<79x128xi32, #tpu.memory_space<vmem>>, vector<1x16xi32>,
      %get3A_25 = vector.shape_cast %get3A_24 : vector<1x16xi32> to vector<16xi32>
      %shift_right_logical3A_26 = arith.constant 0 : i32
      %shift_right_logical3A_27 = vector.broadcast %shift_right_logical3A_26 : i32 to vector<16xi32>
      %shift_right_logical3A_28 = arith.shrui %get3A_25, %shift_right_logical3A_27 : vector<16xi32>
      %and3A_29 = arith.constant 16383 : i32
      %and3A_30 = vector.broadcast %and3A_29 : i32 to vector<16xi32>
      %and3A_31 = arith.andi %shift_right_logical3A_28, %and3A_30 : vector<16xi32>
      %swap3A_32 = arith.constant 0 : i32
      %swap3A_33 = arith.index_cast %swap3A_32 : i32 to index
      %swap3A_34 = arith.constant 16 : index
      %swap3A_35 = tpu.vector_load %arg7[%swap3A_33, %swap3A_34] {strides = array<i32>} : memref<1x128xi32, #tpu.memory_space<vmem>>, vector<1x16xi32>,
      %swap3A_36 = vector.shape_cast %swap3A_35 : vector<1x16xi32> to vector<16xi32>
      %swap3A_37 = vector.shape_cast %and3A_31 : vector<16xi32> to vector<1x16xi32>
      tpu.vector_store %arg7[%swap3A_33, %swap3A_34], %swap3A_37 {strides = array<i32>} : memref<1x128xi32, #tpu.memory_space<vmem>>, vector<1x16xi32>,
      %get3A_38 = arith.index_cast %scan3A_9 : i32 to index
      %get3A_39 = arith.constant 32 : index
      %get3A_40 = tpu.vector_load %arg6[%get3A_38, %get3A_39] {strides = array<i32>} : memref<79x128xi32, #tpu.memory_space<vmem>>, vector<1x16xi32>,
      %get3A_41 = vector.shape_cast %get3A_40 : vector<1x16xi32> to vector<16xi32>
      %shift_right_logical3A_42 = arith.constant 0 : i32
      %shift_right_logical3A_43 = vector.broadcast %shift_right_logical3A_42 : i32 to vector<16xi32>
      %shift_right_logical3A_44 = arith.shrui %get3A_41, %shift_right_logical3A_43 : vector<16xi32>
      %and3A_45 = arith.constant 16383 : i32
      %and3A_46 = vector.broadcast %and3A_45 : i32 to vector<16xi32>
      %and3A_47 = arith.andi %shift_right_logical3A_44, %and3A_46 : vector<16xi32>
      %swap3A_48 = arith.constant 0 : i32
      %swap3A_49 = arith.index_cast %swap3A_48 : i32 to index
      %swap3A_50 = arith.constant 32 : index
      %swap3A_51 = tpu.vector_load %arg7[%swap3A_49, %swap3A_50] {strides = array<i32>} : memref<1x128xi32, #tpu.memory_space<vmem>>, vector<1x16xi32>,
      %swap3A_52 = vector.shape_cast %swap3A_51 : vector<1x16xi32> to vector<16xi32>
      %swap3A_53 = vector.shape_cast %and3A_47 : vector<16xi32> to vector<1x16xi32>
      tpu.vector_store %arg7[%swap3A_49, %swap3A_50], %swap3A_53 {strides = array<i32>} : memref<1x128xi32, #tpu.memory_space<vmem>>, vector<1x16xi32>,
      %get3A_54 = arith.index_cast %scan3A_9 : i32 to index
      %get3A_55 = arith.constant 48 : index
      %get3A_56 = tpu.vector_load %arg6[%get3A_54, %get3A_55] {strides = array<i32>} : memref<79x128xi32, #tpu.memory_space<vmem>>, vector<1x16xi32>,
      %get3A_57 = vector.shape_cast %get3A_56 : vector<1x16xi32> to vector<16xi32>
      %shift_right_logical3A_58 = arith.constant 0 : i32
      %shift_right_logical3A_59 = vector.broadcast %shift_right_logical3A_58 : i32 to vector<16xi32>
      %shift_right_logical3A_60 = arith.shrui %get3A_57, %shift_right_logical3A_59 : vector<16xi32>
      %and3A_61 = arith.constant 16383 : i32
      %and3A_62 = vector.broadcast %and3A_61 : i32 to vector<16xi32>
      %and3A_63 = arith.andi %shift_right_logical3A_60, %and3A_62 : vector<16xi32>
      %swap3A_64 = arith.constant 0 : i32
      %swap3A_65 = arith.index_cast %swap3A_64 : i32 to index
      %swap3A_66 = arith.constant 48 : index
      %swap3A_67 = tpu.vector_load %arg7[%swap3A_65, %swap3A_66] {strides = array<i32>} : memref<1x128xi32, #tpu.memory_space<vmem>>, vector<1x16xi32>,
      %swap3A_68 = vector.shape_cast %swap3A_67 : vector<1x16xi32> to vector<16xi32>
      %swap3A_69 = vector.shape_cast %and3A_63 : vector<16xi32> to vector<1x16xi32>
      tpu.vector_store %arg7[%swap3A_65, %swap3A_66], %swap3A_69 {strides = array<i32>} : memref<1x128xi32, #tpu.memory_space<vmem>>, vector<1x16xi32>,
      %get3A_70 = arith.index_cast %scan3A_9 : i32 to index
      %get3A_71 = arith.constant 64 : index
      %get3A_72 = tpu.vector_load %arg6[%get3A_70, %get3A_71] {strides = array<i32>} : memref<79x128xi32, #tpu.memory_space<vmem>>, vector<1x16xi32>,
      %get3A_73 = vector.shape_cast %get3A_72 : vector<1x16xi32> to vector<16xi32>
      %shift_right_logical3A_74 = arith.constant 0 : i32
      %shift_right_logical3A_75 = vector.broadcast %shift_right_logical3A_74 : i32 to vector<16xi32>
      %shift_right_logical3A_76 = arith.shrui %get3A_73, %shift_right_logical3A_75 : vector<16xi32>
      %and3A_77 = arith.constant 16383 : i32
      %and3A_78 = vector.broadcast %and3A_77 : i32 to vector<16xi32>
      %and3A_79 = arith.andi %shift_right_logical3A_76, %and3A_78 : vector<16xi32>
      %swap3A_80 = arith.constant 0 : i32
      %swap3A_81 = arith.index_cast %swap3A_80 : i32 to index
      %swap3A_82 = arith.constant 64 : index
      %swap3A_83 = tpu.vector_load %arg7[%swap3A_81, %swap3A_82] {strides = array<i32>} : memref<1x128xi32, #tpu.memory_space<vmem>>, vector<1x16xi32>,
      %swap3A_84 = vector.shape_cast %swap3A_83 : vector<1x16xi32> to vector<16xi32>
      %swap3A_85 = vector.shape_cast %and3A_79 : vector<16xi32> to vector<1x16xi32>
      tpu.vector_store %arg7[%swap3A_81, %swap3A_82], %swap3A_85 {strides = array<i32>} : memref<1x128xi32, #tpu.memory_space<vmem>>, vector<1x16xi32>,
      %get3A_86 = arith.index_cast %scan3A_9 : i32 to index
      %get3A_87 = arith.constant 80 : index
      %get3A_88 = tpu.vector_load %arg6[%get3A_86, %get3A_87] {strides = array<i32>} : memref<79x128xi32, #tpu.memory_space<vmem>>, vector<1x16xi32>,
      %get3A_89 = vector.shape_cast %get3A_88 : vector<1x16xi32> to vector<16xi32>
      %shift_right_logical3A_90 = arith.constant 0 : i32
      %shift_right_logical3A_91 = vector.broadcast %shift_right_logical3A_90 : i32 to vector<16xi32>
      %shift_right_logical3A_92 = arith.shrui %get3A_89, %shift_right_logical3A_91 : vector<16xi32>
      %and3A_93 = arith.constant 16383 : i32
      %and3A_94 = vector.broadcast %and3A_93 : i32 to vector<16xi32>
      %and3A_95 = arith.andi %shift_right_logical3A_92, %and3A_94 : vector<16xi32>
      %swap3A_96 = arith.constant 0 : i32
      %swap3A_97 = arith.index_cast %swap3A_96 : i32 to index
      %swap3A_98 = arith.constant 80 : index
      %swap3A_99 = tpu.vector_load %arg7[%swap3A_97, %swap3A_98] {strides = array<i32>} : memref<1x128xi32, #tpu.memory_space<vmem>>, vector<1x16xi32>,
      %swap3A_100 = vector.shape_cast %swap3A_99 : vector<1x16xi32> to vector<16xi32>
      %swap3A_101 = vector.shape_cast %and3A_95 : vector<16xi32> to vector<1x16xi32>
      tpu.vector_store %arg7[%swap3A_97, %swap3A_98], %swap3A_101 {strides = array<i32>} : memref<1x128xi32, #tpu.memory_space<vmem>>, vector<1x16xi32>,
      %get3A_102 = arith.index_cast %scan3A_9 : i32 to index
      %get3A_103 = arith.constant 96 : index
      %get3A_104 = tpu.vector_load %arg6[%get3A_102, %get3A_103] {strides = array<i32>} : memref<79x128xi32, #tpu.memory_space<vmem>>, vector<1x16xi32>,
      %get3A_105 = vector.shape_cast %get3A_104 : vector<1x16xi32> to vector<16xi32>
      %shift_right_logical3A_106 = arith.constant 0 : i32
      %shift_right_logical3A_107 = vector.broadcast %shift_right_logical3A_106 : i32 to vector<16xi32>
      %shift_right_logical3A_108 = arith.shrui %get3A_105, %shift_right_logical3A_107 : vector<16xi32>
      %and3A_109 = arith.constant 16383 : i32
      %and3A_110 = vector.broadcast %and3A_109 : i32 to vector<16xi32>
      %and3A_111 = arith.andi %shift_right_logical3A_108, %and3A_110 : vector<16xi32>
      %swap3A_112 = arith.constant 0 : i32
      %swap3A_113 = arith.index_cast %swap3A_112 : i32 to index
      %swap3A_114 = arith.constant 96 : index
      %swap3A_115 = tpu.vector_load %arg7[%swap3A_113, %swap3A_114] {strides = array<i32>} : memref<1x128xi32, #tpu.memory_space<vmem>>, vector<1x16xi32>,
      %swap3A_116 = vector.shape_cast %swap3A_115 : vector<1x16xi32> to vector<16xi32>
      %swap3A_117 = vector.shape_cast %and3A_111 : vector<16xi32> to vector<1x16xi32>
      tpu.vector_store %arg7[%swap3A_113, %swap3A_114], %swap3A_117 {strides = array<i32>} : memref<1x128xi32, #tpu.memory_space<vmem>>, vector<1x16xi32>,
      %get3A_118 = arith.index_cast %scan3A_9 : i32 to index
      %get3A_119 = arith.constant 112 : index
      %get3A_120 = tpu.vector_load %arg6[%get3A_118, %get3A_119] {strides = array<i32>} : memref<79x128xi32, #tpu.memory_space<vmem>>, vector<1x16xi32>,
      %get3A_121 = vector.shape_cast %get3A_120 : vector<1x16xi32> to vector<16xi32>
      %shift_right_logical3A_122 = arith.constant 0 : i32
      %shift_right_logical3A_123 = vector.broadcast %shift_right_logical3A_122 : i32 to vector<16xi32>
      %shift_right_logical3A_124 = arith.shrui %get3A_121, %shift_right_logical3A_123 : vector<16xi32>
      %and3A_125 = arith.constant 16383 : i32
      %and3A_126 = vector.broadcast %and3A_125 : i32 to vector<16xi32>
      %and3A_127 = arith.andi %shift_right_logical3A_124, %and3A_126 : vector<16xi32>
      %swap3A_128 = arith.constant 0 : i32
      %swap3A_129 = arith.index_cast %swap3A_128 : i32 to index
      %swap3A_130 = arith.constant 112 : index
      %swap3A_131 = tpu.vector_load %arg7[%swap3A_129, %swap3A_130] {strides = array<i32>} : memref<1x128xi32, #tpu.memory_space<vmem>>, vector<1x16xi32>,
      %swap3A_132 = vector.shape_cast %swap3A_131 : vector<1x16xi32> to vector<16xi32>
      %swap3A_133 = vector.shape_cast %and3A_127 : vector<16xi32> to vector<1x16xi32>
      tpu.vector_store %arg7[%swap3A_129, %swap3A_130], %swap3A_133 {strides = array<i32>} : memref<1x128xi32, #tpu.memory_space<vmem>>, vector<1x16xi32>,
      %run_scoped3A = arith.constant 0 : i32
      "tpu.region"() ({
        %run_scoped3A_134 = tpu.sem_alloc : memref<!tpu.dma_semaphore, #tpu.memory_space<semaphore_mem>>
        %dma_start3A = arith.constant 0 : i32
        %dma_start3A_135 = tpu.memref_slice %arg7[%run_scoped3A, %dma_start3A] : memref<1x128xi32, #tpu.memory_space<vmem>> -> memref<1x128xi32, #tpu.memory_space<vmem>>
        %dma_start3A_136 = tpu.memref_squeeze %dma_start3A_135 : memref<1x128xi32, #tpu.memory_space<vmem>> -> memref<128xi32, #tpu.memory_space<vmem>>
        %dma_start3A_137 = arith.constant 0 : i32
        %dma_start3A_138 = arith.constant 0 : i32
        %dma_start3A_139 = tpu.memref_slice %arg9[%dma_start3A_137, %dma_start3A_138] : memref<10112x128xf32, #tpu.memory_space<vmem_shared>> -> memref<10112x128xf32, #tpu.memory_space<vmem_shared>>
        tpu.enqueue_indirect_dma source(%arg8 : memref<128x128xf32, #tpu.memory_space<vmem>>) target(%dma_start3A_139 : memref<10112x128xf32, #tpu.memory_space<vmem_shared>>) offsets(%dma_start3A_136 : memref<128xi32, #tpu.memory_space<vmem>>) semaphore(%run_scoped3A_134 : memref<!tpu.dma_semaphore, #tpu.memory_space<semaphore_mem>>) {add = true}
        %dma_wait3A = arith.constant 0 : i32
        %dma_wait3A_140 = tpu.memref_slice %arg7[%run_scoped3A, %dma_wait3A] : memref<1x128xi32, #tpu.memory_space<vmem>> -> memref<1x128xi32, #tpu.memory_space<vmem>>
        %dma_wait3A_141 = tpu.memref_squeeze %dma_wait3A_140 : memref<1x128xi32, #tpu.memory_space<vmem>> -> memref<128xi32, #tpu.memory_space<vmem>>
        %dma_wait3A_142 = arith.constant 0 : i32
        %dma_wait3A_143 = arith.constant 0 : i32
        %dma_wait3A_144 = tpu.memref_slice %arg9[%dma_wait3A_142, %dma_wait3A_143] : memref<10112x128xf32, #tpu.memory_space<vmem_shared>> -> memref<10112x128xf32, #tpu.memory_space<vmem_shared>>
        tpu.wait_indirect_dma semaphore(%run_scoped3A_134 : memref<!tpu.dma_semaphore, #tpu.memory_space<semaphore_mem>>) src(%arg8 : memref<128x128xf32, #tpu.memory_space<vmem>>) dst(%dma_wait3A_144 : memref<10112x128xf32, #tpu.memory_space<vmem_shared>>)
        tpu.yield
      }) : () -> ()
    }
    %scan3A_7 = arith.constant 79 : i32
    %barrier3A_8 = arith.constant 0 : index
    tpu.barrier barrier_id(%barrier3A_8)
    "tpu.region"() ({
      %run_scoped3A = tpu.sem_alloc : memref<!tpu.dma_semaphore, #tpu.memory_space<semaphore_mem>>
      %dma_start3A = arith.constant 0 : i32
      %dma_start3A_9 = tpu.memref_slice %arg5[%arg0, %mul3A_2, %dma_start3A] : memref<2x10112x128xf32, #tpu.memory_space<hbm>> -> memref<1x632x128xf32, #tpu.memory_space<hbm>>
      %dma_start3A_10 = tpu.memref_squeeze %dma_start3A_9 : memref<1x632x128xf32, #tpu.memory_space<hbm>> -> memref<632x128xf32, #tpu.memory_space<hbm>>
      %dma_start3A_11 = arith.constant 0 : i32
      %dma_start3A_12 = tpu.memref_slice %arg9[%mul3A_2, %dma_start3A_11] : memref<10112x128xf32, #tpu.memory_space<vmem_shared>> -> memref<632x128xf32, #tpu.memory_space<vmem_shared>>
      tpu.enqueue_dma source(%dma_start3A_12 : memref<632x128xf32, #tpu.memory_space<vmem_shared>>) target(%dma_start3A_10 : memref<632x128xf32, #tpu.memory_space<hbm>>) target_semaphore(%run_scoped3A : memref<!tpu.dma_semaphore, #tpu.memory_space<semaphore_mem>>)
      %dma_wait3A = arith.constant 0 : i32
      %dma_wait3A_13 = tpu.memref_slice %arg5[%arg0, %mul3A_2, %dma_wait3A] : memref<2x10112x128xf32, #tpu.memory_space<hbm>> -> memref<1x632x128xf32, #tpu.memory_space<hbm>>
      %dma_wait3A_14 = tpu.memref_squeeze %dma_wait3A_13 : memref<1x632x128xf32, #tpu.memory_space<hbm>> -> memref<632x128xf32, #tpu.memory_space<hbm>>
      %dma_wait3A_15 = arith.constant 0 : i32
      %dma_wait3A_16 = tpu.memref_slice %arg9[%mul3A_2, %dma_wait3A_15] : memref<10112x128xf32, #tpu.memory_space<vmem_shared>> -> memref<632x128xf32, #tpu.memory_space<vmem_shared>>
      tpu.wait_dma2 semaphore(%run_scoped3A : memref<!tpu.dma_semaphore, #tpu.memory_space<semaphore_mem>>) src(%dma_wait3A_16 : memref<632x128xf32, #tpu.memory_space<vmem_shared>>) dst(%dma_wait3A_14 : memref<632x128xf32, #tpu.memory_space<hbm>>)
      tpu.yield
    }) : () -> ()
    return
  }
}

#map = affine_map<(d0, d1) -> (0, 0)>
#map1 = affine_map<(d0, d1) -> (0, 0, 0)>
module attributes {stable_mosaic.version = 14 : i64} {
  func.func @hop_kernel(%arg0: i32, %arg1: i32, %arg2: memref<10000x128xf32, #tpu.memory_space<hbm>>, %arg3: memref<32x79x128xi32, #tpu.memory_space<hbm>>, %arg4: memref<10112x128xf32, #tpu.memory_space<hbm>>, %arg5: memref<2x10112x128xf32, #tpu.memory_space<hbm>>, %arg6: memref<79x128xi32, #tpu.memory_space<vmem>>, %arg7: memref<1x128xi32, #tpu.memory_space<vmem>>, %arg8: memref<1x128xi32, #tpu.memory_space<vmem>>, %arg9: memref<128x128xf32, #tpu.memory_space<vmem>>, %arg10: memref<10112x128xf32, #tpu.memory_space<vmem_shared>>, %arg11: memref<!tpu.dma_semaphore, #tpu.memory_space<semaphore_mem>>) attributes {dimension_semantics = [#tpu.dimension_semantics<core_parallel>, #tpu.dimension_semantics<subcore_parallel>], iteration_bounds = array<i64: 2, 16>, scalar_prefetch = 0 : i64, scratch_operands = 6 : i64, tpu.core_type = #tpu.core_type<sc_vector_subcore>, window_params = [{transform_indices = #map}, {transform_indices = #map1}, {transform_indices = #map}, {transform_indices = #map1}]} {
    %mul3A = arith.constant 16 : i32
    %mul3A_0 = arith.muli %arg0, %mul3A : i32
    %add3A = arith.addi %mul3A_0, %arg1 : i32
    "tpu.region"() ({
      %run_scoped3A = tpu.sem_alloc : memref<!tpu.dma_semaphore, #tpu.memory_space<semaphore_mem>>
      %dma_start3A = arith.constant 0 : i32
      %dma_start3A_9 = arith.constant 0 : i32
      %dma_start3A_10 = tpu.memref_slice %arg3[%add3A, %dma_start3A, %dma_start3A_9] : memref<32x79x128xi32, #tpu.memory_space<hbm>> -> memref<1x79x128xi32, #tpu.memory_space<hbm>>
      %dma_start3A_11 = tpu.memref_squeeze %dma_start3A_10 : memref<1x79x128xi32, #tpu.memory_space<hbm>> -> memref<79x128xi32, #tpu.memory_space<hbm>>
      %dma_start3A_12 = arith.constant 0 : i32
      %dma_start3A_13 = arith.constant 0 : i32
      %dma_start3A_14 = tpu.memref_slice %arg3[%add3A, %dma_start3A_12, %dma_start3A_13] : memref<32x79x128xi32, #tpu.memory_space<hbm>> -> memref<1x79x128xi32, #tpu.memory_space<hbm>>
      %dma_start3A_15 = tpu.memref_squeeze %dma_start3A_14 : memref<1x79x128xi32, #tpu.memory_space<hbm>> -> memref<79x128xi32, #tpu.memory_space<hbm>>
      tpu.enqueue_dma source(%dma_start3A_15 : memref<79x128xi32, #tpu.memory_space<hbm>>) target(%arg6 : memref<79x128xi32, #tpu.memory_space<vmem>>) target_semaphore(%run_scoped3A : memref<!tpu.dma_semaphore, #tpu.memory_space<semaphore_mem>>)
      %dma_wait3A = arith.constant 0 : i32
      %dma_wait3A_16 = arith.constant 0 : i32
      %dma_wait3A_17 = tpu.memref_slice %arg3[%add3A, %dma_wait3A, %dma_wait3A_16] : memref<32x79x128xi32, #tpu.memory_space<hbm>> -> memref<1x79x128xi32, #tpu.memory_space<hbm>>
      %dma_wait3A_18 = tpu.memref_squeeze %dma_wait3A_17 : memref<1x79x128xi32, #tpu.memory_space<hbm>> -> memref<79x128xi32, #tpu.memory_space<hbm>>
      %dma_wait3A_19 = arith.constant 0 : i32
      %dma_wait3A_20 = arith.constant 0 : i32
      %dma_wait3A_21 = tpu.memref_slice %arg3[%add3A, %dma_wait3A_19, %dma_wait3A_20] : memref<32x79x128xi32, #tpu.memory_space<hbm>> -> memref<1x79x128xi32, #tpu.memory_space<hbm>>
      %dma_wait3A_22 = tpu.memref_squeeze %dma_wait3A_21 : memref<1x79x128xi32, #tpu.memory_space<hbm>> -> memref<79x128xi32, #tpu.memory_space<hbm>>
      tpu.wait_dma2 semaphore(%run_scoped3A : memref<!tpu.dma_semaphore, #tpu.memory_space<semaphore_mem>>) src(%dma_wait3A_22 : memref<79x128xi32, #tpu.memory_space<hbm>>) dst(%arg6 : memref<79x128xi32, #tpu.memory_space<vmem>>)
      tpu.yield
    }) : () -> ()
    %mul3A_1 = arith.constant 632 : i32
    %mul3A_2 = arith.muli %arg1, %mul3A_1 : i32
    "tpu.region"() ({
      %run_scoped3A = tpu.sem_alloc : memref<!tpu.dma_semaphore, #tpu.memory_space<semaphore_mem>>
      %dma_start3A = arith.constant 0 : i32
      %dma_start3A_9 = tpu.memref_slice %arg10[%mul3A_2, %dma_start3A] : memref<10112x128xf32, #tpu.memory_space<vmem_shared>> -> memref<632x128xf32, #tpu.memory_space<vmem_shared>>
      %dma_start3A_10 = arith.constant 0 : i32
      %dma_start3A_11 = tpu.memref_slice %arg4[%mul3A_2, %dma_start3A_10] : memref<10112x128xf32, #tpu.memory_space<hbm>> -> memref<632x128xf32, #tpu.memory_space<hbm>>
      tpu.enqueue_dma source(%dma_start3A_11 : memref<632x128xf32, #tpu.memory_space<hbm>>) target(%dma_start3A_9 : memref<632x128xf32, #tpu.memory_space<vmem_shared>>) target_semaphore(%run_scoped3A : memref<!tpu.dma_semaphore, #tpu.memory_space<semaphore_mem>>)
      %dma_wait3A = arith.constant 0 : i32
      %dma_wait3A_12 = tpu.memref_slice %arg10[%mul3A_2, %dma_wait3A] : memref<10112x128xf32, #tpu.memory_space<vmem_shared>> -> memref<632x128xf32, #tpu.memory_space<vmem_shared>>
      %dma_wait3A_13 = arith.constant 0 : i32
      %dma_wait3A_14 = tpu.memref_slice %arg4[%mul3A_2, %dma_wait3A_13] : memref<10112x128xf32, #tpu.memory_space<hbm>> -> memref<632x128xf32, #tpu.memory_space<hbm>>
      tpu.wait_dma2 semaphore(%run_scoped3A : memref<!tpu.dma_semaphore, #tpu.memory_space<semaphore_mem>>) src(%dma_wait3A_14 : memref<632x128xf32, #tpu.memory_space<hbm>>) dst(%dma_wait3A_12 : memref<632x128xf32, #tpu.memory_space<vmem_shared>>)
      tpu.yield
    }) : () -> ()
    %barrier3A = arith.constant 0 : index
    tpu.barrier barrier_id(%barrier3A)
    %scan3A = arith.constant 0 : i32
    %scan3A_3 = arith.constant 0 : i32
    %scan3A_4 = arith.constant 79 : i32
    %scan3A_5 = arith.addi %scan3A_3, %scan3A_4 : i32
    %scan3A_6 = arith.constant 1 : i32
    scf.for %scan3A_9 = %scan3A_3 to %scan3A_5 step %scan3A_6  : i32 {
      %get3A = arith.index_cast %scan3A_9 : i32 to index
      %get3A_10 = arith.constant 0 : index
      %get3A_11 = tpu.vector_load %arg6[%get3A, %get3A_10] {strides = array<i32>} : memref<79x128xi32, #tpu.memory_space<vmem>>, vector<1x16xi32>,
      %get3A_12 = vector.shape_cast %get3A_11 : vector<1x16xi32> to vector<16xi32>
      %shift_right_logical3A = arith.constant 14 : i32
      %shift_right_logical3A_13 = vector.broadcast %shift_right_logical3A : i32 to vector<16xi32>
      %shift_right_logical3A_14 = arith.shrui %get3A_12, %shift_right_logical3A_13 : vector<16xi32>
      %and3A = arith.constant 16383 : i32
      %and3A_15 = vector.broadcast %and3A : i32 to vector<16xi32>
      %and3A_16 = arith.andi %shift_right_logical3A_14, %and3A_15 : vector<16xi32>
      %swap3A = arith.constant 0 : i32
      %swap3A_17 = arith.index_cast %swap3A : i32 to index
      %swap3A_18 = arith.constant 0 : index
      %swap3A_19 = tpu.vector_load %arg7[%swap3A_17, %swap3A_18] {strides = array<i32>} : memref<1x128xi32, #tpu.memory_space<vmem>>, vector<1x16xi32>,
      %swap3A_20 = vector.shape_cast %swap3A_19 : vector<1x16xi32> to vector<16xi32>
      %swap3A_21 = vector.shape_cast %and3A_16 : vector<16xi32> to vector<1x16xi32>
      tpu.vector_store %arg7[%swap3A_17, %swap3A_18], %swap3A_21 {strides = array<i32>} : memref<1x128xi32, #tpu.memory_space<vmem>>, vector<1x16xi32>,
      %get3A_22 = arith.index_cast %scan3A_9 : i32 to index
      %get3A_23 = arith.constant 16 : index
      %get3A_24 = tpu.vector_load %arg6[%get3A_22, %get3A_23] {strides = array<i32>} : memref<79x128xi32, #tpu.memory_space<vmem>>, vector<1x16xi32>,
      %get3A_25 = vector.shape_cast %get3A_24 : vector<1x16xi32> to vector<16xi32>
      %shift_right_logical3A_26 = arith.constant 14 : i32
      %shift_right_logical3A_27 = vector.broadcast %shift_right_logical3A_26 : i32 to vector<16xi32>
      %shift_right_logical3A_28 = arith.shrui %get3A_25, %shift_right_logical3A_27 : vector<16xi32>
      %and3A_29 = arith.constant 16383 : i32
      %and3A_30 = vector.broadcast %and3A_29 : i32 to vector<16xi32>
      %and3A_31 = arith.andi %shift_right_logical3A_28, %and3A_30 : vector<16xi32>
      %swap3A_32 = arith.constant 0 : i32
      %swap3A_33 = arith.index_cast %swap3A_32 : i32 to index
      %swap3A_34 = arith.constant 16 : index
      %swap3A_35 = tpu.vector_load %arg7[%swap3A_33, %swap3A_34] {strides = array<i32>} : memref<1x128xi32, #tpu.memory_space<vmem>>, vector<1x16xi32>,
      %swap3A_36 = vector.shape_cast %swap3A_35 : vector<1x16xi32> to vector<16xi32>
      %swap3A_37 = vector.shape_cast %and3A_31 : vector<16xi32> to vector<1x16xi32>
      tpu.vector_store %arg7[%swap3A_33, %swap3A_34], %swap3A_37 {strides = array<i32>} : memref<1x128xi32, #tpu.memory_space<vmem>>, vector<1x16xi32>,
      %get3A_38 = arith.index_cast %scan3A_9 : i32 to index
      %get3A_39 = arith.constant 32 : index
      %get3A_40 = tpu.vector_load %arg6[%get3A_38, %get3A_39] {strides = array<i32>} : memref<79x128xi32, #tpu.memory_space<vmem>>, vector<1x16xi32>,
      %get3A_41 = vector.shape_cast %get3A_40 : vector<1x16xi32> to vector<16xi32>
      %shift_right_logical3A_42 = arith.constant 14 : i32
      %shift_right_logical3A_43 = vector.broadcast %shift_right_logical3A_42 : i32 to vector<16xi32>
      %shift_right_logical3A_44 = arith.shrui %get3A_41, %shift_right_logical3A_43 : vector<16xi32>
      %and3A_45 = arith.constant 16383 : i32
      %and3A_46 = vector.broadcast %and3A_45 : i32 to vector<16xi32>
      %and3A_47 = arith.andi %shift_right_logical3A_44, %and3A_46 : vector<16xi32>
      %swap3A_48 = arith.constant 0 : i32
      %swap3A_49 = arith.index_cast %swap3A_48 : i32 to index
      %swap3A_50 = arith.constant 32 : index
      %swap3A_51 = tpu.vector_load %arg7[%swap3A_49, %swap3A_50] {strides = array<i32>} : memref<1x128xi32, #tpu.memory_space<vmem>>, vector<1x16xi32>,
      %swap3A_52 = vector.shape_cast %swap3A_51 : vector<1x16xi32> to vector<16xi32>
      %swap3A_53 = vector.shape_cast %and3A_47 : vector<16xi32> to vector<1x16xi32>
      tpu.vector_store %arg7[%swap3A_49, %swap3A_50], %swap3A_53 {strides = array<i32>} : memref<1x128xi32, #tpu.memory_space<vmem>>, vector<1x16xi32>,
      %get3A_54 = arith.index_cast %scan3A_9 : i32 to index
      %get3A_55 = arith.constant 48 : index
      %get3A_56 = tpu.vector_load %arg6[%get3A_54, %get3A_55] {strides = array<i32>} : memref<79x128xi32, #tpu.memory_space<vmem>>, vector<1x16xi32>,
      %get3A_57 = vector.shape_cast %get3A_56 : vector<1x16xi32> to vector<16xi32>
      %shift_right_logical3A_58 = arith.constant 14 : i32
      %shift_right_logical3A_59 = vector.broadcast %shift_right_logical3A_58 : i32 to vector<16xi32>
      %shift_right_logical3A_60 = arith.shrui %get3A_57, %shift_right_logical3A_59 : vector<16xi32>
      %and3A_61 = arith.constant 16383 : i32
      %and3A_62 = vector.broadcast %and3A_61 : i32 to vector<16xi32>
      %and3A_63 = arith.andi %shift_right_logical3A_60, %and3A_62 : vector<16xi32>
      %swap3A_64 = arith.constant 0 : i32
      %swap3A_65 = arith.index_cast %swap3A_64 : i32 to index
      %swap3A_66 = arith.constant 48 : index
      %swap3A_67 = tpu.vector_load %arg7[%swap3A_65, %swap3A_66] {strides = array<i32>} : memref<1x128xi32, #tpu.memory_space<vmem>>, vector<1x16xi32>,
      %swap3A_68 = vector.shape_cast %swap3A_67 : vector<1x16xi32> to vector<16xi32>
      %swap3A_69 = vector.shape_cast %and3A_63 : vector<16xi32> to vector<1x16xi32>
      tpu.vector_store %arg7[%swap3A_65, %swap3A_66], %swap3A_69 {strides = array<i32>} : memref<1x128xi32, #tpu.memory_space<vmem>>, vector<1x16xi32>,
      %get3A_70 = arith.index_cast %scan3A_9 : i32 to index
      %get3A_71 = arith.constant 64 : index
      %get3A_72 = tpu.vector_load %arg6[%get3A_70, %get3A_71] {strides = array<i32>} : memref<79x128xi32, #tpu.memory_space<vmem>>, vector<1x16xi32>,
      %get3A_73 = vector.shape_cast %get3A_72 : vector<1x16xi32> to vector<16xi32>
      %shift_right_logical3A_74 = arith.constant 14 : i32
      %shift_right_logical3A_75 = vector.broadcast %shift_right_logical3A_74 : i32 to vector<16xi32>
      %shift_right_logical3A_76 = arith.shrui %get3A_73, %shift_right_logical3A_75 : vector<16xi32>
      %and3A_77 = arith.constant 16383 : i32
      %and3A_78 = vector.broadcast %and3A_77 : i32 to vector<16xi32>
      %and3A_79 = arith.andi %shift_right_logical3A_76, %and3A_78 : vector<16xi32>
      %swap3A_80 = arith.constant 0 : i32
      %swap3A_81 = arith.index_cast %swap3A_80 : i32 to index
      %swap3A_82 = arith.constant 64 : index
      %swap3A_83 = tpu.vector_load %arg7[%swap3A_81, %swap3A_82] {strides = array<i32>} : memref<1x128xi32, #tpu.memory_space<vmem>>, vector<1x16xi32>,
      %swap3A_84 = vector.shape_cast %swap3A_83 : vector<1x16xi32> to vector<16xi32>
      %swap3A_85 = vector.shape_cast %and3A_79 : vector<16xi32> to vector<1x16xi32>
      tpu.vector_store %arg7[%swap3A_81, %swap3A_82], %swap3A_85 {strides = array<i32>} : memref<1x128xi32, #tpu.memory_space<vmem>>, vector<1x16xi32>,
      %get3A_86 = arith.index_cast %scan3A_9 : i32 to index
      %get3A_87 = arith.constant 80 : index
      %get3A_88 = tpu.vector_load %arg6[%get3A_86, %get3A_87] {strides = array<i32>} : memref<79x128xi32, #tpu.memory_space<vmem>>, vector<1x16xi32>,
      %get3A_89 = vector.shape_cast %get3A_88 : vector<1x16xi32> to vector<16xi32>
      %shift_right_logical3A_90 = arith.constant 14 : i32
      %shift_right_logical3A_91 = vector.broadcast %shift_right_logical3A_90 : i32 to vector<16xi32>
      %shift_right_logical3A_92 = arith.shrui %get3A_89, %shift_right_logical3A_91 : vector<16xi32>
      %and3A_93 = arith.constant 16383 : i32
      %and3A_94 = vector.broadcast %and3A_93 : i32 to vector<16xi32>
      %and3A_95 = arith.andi %shift_right_logical3A_92, %and3A_94 : vector<16xi32>
      %swap3A_96 = arith.constant 0 : i32
      %swap3A_97 = arith.index_cast %swap3A_96 : i32 to index
      %swap3A_98 = arith.constant 80 : index
      %swap3A_99 = tpu.vector_load %arg7[%swap3A_97, %swap3A_98] {strides = array<i32>} : memref<1x128xi32, #tpu.memory_space<vmem>>, vector<1x16xi32>,
      %swap3A_100 = vector.shape_cast %swap3A_99 : vector<1x16xi32> to vector<16xi32>
      %swap3A_101 = vector.shape_cast %and3A_95 : vector<16xi32> to vector<1x16xi32>
      tpu.vector_store %arg7[%swap3A_97, %swap3A_98], %swap3A_101 {strides = array<i32>} : memref<1x128xi32, #tpu.memory_space<vmem>>, vector<1x16xi32>,
      %get3A_102 = arith.index_cast %scan3A_9 : i32 to index
      %get3A_103 = arith.constant 96 : index
      %get3A_104 = tpu.vector_load %arg6[%get3A_102, %get3A_103] {strides = array<i32>} : memref<79x128xi32, #tpu.memory_space<vmem>>, vector<1x16xi32>,
      %get3A_105 = vector.shape_cast %get3A_104 : vector<1x16xi32> to vector<16xi32>
      %shift_right_logical3A_106 = arith.constant 14 : i32
      %shift_right_logical3A_107 = vector.broadcast %shift_right_logical3A_106 : i32 to vector<16xi32>
      %shift_right_logical3A_108 = arith.shrui %get3A_105, %shift_right_logical3A_107 : vector<16xi32>
      %and3A_109 = arith.constant 16383 : i32
      %and3A_110 = vector.broadcast %and3A_109 : i32 to vector<16xi32>
      %and3A_111 = arith.andi %shift_right_logical3A_108, %and3A_110 : vector<16xi32>
      %swap3A_112 = arith.constant 0 : i32
      %swap3A_113 = arith.index_cast %swap3A_112 : i32 to index
      %swap3A_114 = arith.constant 96 : index
      %swap3A_115 = tpu.vector_load %arg7[%swap3A_113, %swap3A_114] {strides = array<i32>} : memref<1x128xi32, #tpu.memory_space<vmem>>, vector<1x16xi32>,
      %swap3A_116 = vector.shape_cast %swap3A_115 : vector<1x16xi32> to vector<16xi32>
      %swap3A_117 = vector.shape_cast %and3A_111 : vector<16xi32> to vector<1x16xi32>
      tpu.vector_store %arg7[%swap3A_113, %swap3A_114], %swap3A_117 {strides = array<i32>} : memref<1x128xi32, #tpu.memory_space<vmem>>, vector<1x16xi32>,
      %get3A_118 = arith.index_cast %scan3A_9 : i32 to index
      %get3A_119 = arith.constant 112 : index
      %get3A_120 = tpu.vector_load %arg6[%get3A_118, %get3A_119] {strides = array<i32>} : memref<79x128xi32, #tpu.memory_space<vmem>>, vector<1x16xi32>,
      %get3A_121 = vector.shape_cast %get3A_120 : vector<1x16xi32> to vector<16xi32>
      %shift_right_logical3A_122 = arith.constant 14 : i32
      %shift_right_logical3A_123 = vector.broadcast %shift_right_logical3A_122 : i32 to vector<16xi32>
      %shift_right_logical3A_124 = arith.shrui %get3A_121, %shift_right_logical3A_123 : vector<16xi32>
      %and3A_125 = arith.constant 16383 : i32
      %and3A_126 = vector.broadcast %and3A_125 : i32 to vector<16xi32>
      %and3A_127 = arith.andi %shift_right_logical3A_124, %and3A_126 : vector<16xi32>
      %swap3A_128 = arith.constant 0 : i32
      %swap3A_129 = arith.index_cast %swap3A_128 : i32 to index
      %swap3A_130 = arith.constant 112 : index
      %swap3A_131 = tpu.vector_load %arg7[%swap3A_129, %swap3A_130] {strides = array<i32>} : memref<1x128xi32, #tpu.memory_space<vmem>>, vector<1x16xi32>,
      %swap3A_132 = vector.shape_cast %swap3A_131 : vector<1x16xi32> to vector<16xi32>
      %swap3A_133 = vector.shape_cast %and3A_127 : vector<16xi32> to vector<1x16xi32>
      tpu.vector_store %arg7[%swap3A_129, %swap3A_130], %swap3A_133 {strides = array<i32>} : memref<1x128xi32, #tpu.memory_space<vmem>>, vector<1x16xi32>,
      %dma_start3A = arith.constant 0 : i32
      %dma_start3A_134 = arith.constant 0 : i32
      %dma_start3A_135 = tpu.memref_slice %arg7[%dma_start3A, %dma_start3A_134] : memref<1x128xi32, #tpu.memory_space<vmem>> -> memref<1x128xi32, #tpu.memory_space<vmem>>
      %dma_start3A_136 = tpu.memref_squeeze %dma_start3A_135 : memref<1x128xi32, #tpu.memory_space<vmem>> -> memref<128xi32, #tpu.memory_space<vmem>>
      %dma_start3A_137 = arith.constant 0 : i32
      %dma_start3A_138 = arith.constant 0 : i32
      %dma_start3A_139 = tpu.memref_slice %arg2[%dma_start3A_137, %dma_start3A_138] : memref<10000x128xf32, #tpu.memory_space<hbm>> -> memref<10000x128xf32, #tpu.memory_space<hbm>>
      tpu.enqueue_indirect_dma source(%dma_start3A_139 : memref<10000x128xf32, #tpu.memory_space<hbm>>) target(%arg9 : memref<128x128xf32, #tpu.memory_space<vmem>>) offsets(%dma_start3A_136 : memref<128xi32, #tpu.memory_space<vmem>>) semaphore(%arg11 : memref<!tpu.dma_semaphore, #tpu.memory_space<semaphore_mem>>)
      %dma_wait3A = arith.constant 0 : i32
      %dma_wait3A_140 = arith.constant 0 : i32
      %dma_wait3A_141 = tpu.memref_slice %arg7[%dma_wait3A, %dma_wait3A_140] : memref<1x128xi32, #tpu.memory_space<vmem>> -> memref<1x128xi32, #tpu.memory_space<vmem>>
      %dma_wait3A_142 = tpu.memref_squeeze %dma_wait3A_141 : memref<1x128xi32, #tpu.memory_space<vmem>> -> memref<128xi32, #tpu.memory_space<vmem>>
      %dma_wait3A_143 = arith.constant 0 : i32
      %dma_wait3A_144 = arith.constant 0 : i32
      %dma_wait3A_145 = tpu.memref_slice %arg2[%dma_wait3A_143, %dma_wait3A_144] : memref<10000x128xf32, #tpu.memory_space<hbm>> -> memref<10000x128xf32, #tpu.memory_space<hbm>>
      tpu.wait_indirect_dma semaphore(%arg11 : memref<!tpu.dma_semaphore, #tpu.memory_space<semaphore_mem>>) src(%dma_wait3A_145 : memref<10000x128xf32, #tpu.memory_space<hbm>>) dst(%arg9 : memref<128x128xf32, #tpu.memory_space<vmem>>)
      %get3A_146 = arith.index_cast %scan3A_9 : i32 to index
      %get3A_147 = arith.constant 0 : index
      %get3A_148 = tpu.vector_load %arg6[%get3A_146, %get3A_147] {strides = array<i32>} : memref<79x128xi32, #tpu.memory_space<vmem>>, vector<1x16xi32>,
      %get3A_149 = vector.shape_cast %get3A_148 : vector<1x16xi32> to vector<16xi32>
      %shift_right_logical3A_150 = arith.constant 0 : i32
      %shift_right_logical3A_151 = vector.broadcast %shift_right_logical3A_150 : i32 to vector<16xi32>
      %shift_right_logical3A_152 = arith.shrui %get3A_149, %shift_right_logical3A_151 : vector<16xi32>
      %and3A_153 = arith.constant 16383 : i32
      %and3A_154 = vector.broadcast %and3A_153 : i32 to vector<16xi32>
      %and3A_155 = arith.andi %shift_right_logical3A_152, %and3A_154 : vector<16xi32>
      %swap3A_156 = arith.constant 0 : i32
      %swap3A_157 = arith.index_cast %swap3A_156 : i32 to index
      %swap3A_158 = arith.constant 0 : index
      %swap3A_159 = tpu.vector_load %arg8[%swap3A_157, %swap3A_158] {strides = array<i32>} : memref<1x128xi32, #tpu.memory_space<vmem>>, vector<1x16xi32>,
      %swap3A_160 = vector.shape_cast %swap3A_159 : vector<1x16xi32> to vector<16xi32>
      %swap3A_161 = vector.shape_cast %and3A_155 : vector<16xi32> to vector<1x16xi32>
      tpu.vector_store %arg8[%swap3A_157, %swap3A_158], %swap3A_161 {strides = array<i32>} : memref<1x128xi32, #tpu.memory_space<vmem>>, vector<1x16xi32>,
      %get3A_162 = arith.index_cast %scan3A_9 : i32 to index
      %get3A_163 = arith.constant 16 : index
      %get3A_164 = tpu.vector_load %arg6[%get3A_162, %get3A_163] {strides = array<i32>} : memref<79x128xi32, #tpu.memory_space<vmem>>, vector<1x16xi32>,
      %get3A_165 = vector.shape_cast %get3A_164 : vector<1x16xi32> to vector<16xi32>
      %shift_right_logical3A_166 = arith.constant 0 : i32
      %shift_right_logical3A_167 = vector.broadcast %shift_right_logical3A_166 : i32 to vector<16xi32>
      %shift_right_logical3A_168 = arith.shrui %get3A_165, %shift_right_logical3A_167 : vector<16xi32>
      %and3A_169 = arith.constant 16383 : i32
      %and3A_170 = vector.broadcast %and3A_169 : i32 to vector<16xi32>
      %and3A_171 = arith.andi %shift_right_logical3A_168, %and3A_170 : vector<16xi32>
      %swap3A_172 = arith.constant 0 : i32
      %swap3A_173 = arith.index_cast %swap3A_172 : i32 to index
      %swap3A_174 = arith.constant 16 : index
      %swap3A_175 = tpu.vector_load %arg8[%swap3A_173, %swap3A_174] {strides = array<i32>} : memref<1x128xi32, #tpu.memory_space<vmem>>, vector<1x16xi32>,
      %swap3A_176 = vector.shape_cast %swap3A_175 : vector<1x16xi32> to vector<16xi32>
      %swap3A_177 = vector.shape_cast %and3A_171 : vector<16xi32> to vector<1x16xi32>
      tpu.vector_store %arg8[%swap3A_173, %swap3A_174], %swap3A_177 {strides = array<i32>} : memref<1x128xi32, #tpu.memory_space<vmem>>, vector<1x16xi32>,
      %get3A_178 = arith.index_cast %scan3A_9 : i32 to index
      %get3A_179 = arith.constant 32 : index
      %get3A_180 = tpu.vector_load %arg6[%get3A_178, %get3A_179] {strides = array<i32>} : memref<79x128xi32, #tpu.memory_space<vmem>>, vector<1x16xi32>,
      %get3A_181 = vector.shape_cast %get3A_180 : vector<1x16xi32> to vector<16xi32>
      %shift_right_logical3A_182 = arith.constant 0 : i32
      %shift_right_logical3A_183 = vector.broadcast %shift_right_logical3A_182 : i32 to vector<16xi32>
      %shift_right_logical3A_184 = arith.shrui %get3A_181, %shift_right_logical3A_183 : vector<16xi32>
      %and3A_185 = arith.constant 16383 : i32
      %and3A_186 = vector.broadcast %and3A_185 : i32 to vector<16xi32>
      %and3A_187 = arith.andi %shift_right_logical3A_184, %and3A_186 : vector<16xi32>
      %swap3A_188 = arith.constant 0 : i32
      %swap3A_189 = arith.index_cast %swap3A_188 : i32 to index
      %swap3A_190 = arith.constant 32 : index
      %swap3A_191 = tpu.vector_load %arg8[%swap3A_189, %swap3A_190] {strides = array<i32>} : memref<1x128xi32, #tpu.memory_space<vmem>>, vector<1x16xi32>,
      %swap3A_192 = vector.shape_cast %swap3A_191 : vector<1x16xi32> to vector<16xi32>
      %swap3A_193 = vector.shape_cast %and3A_187 : vector<16xi32> to vector<1x16xi32>
      tpu.vector_store %arg8[%swap3A_189, %swap3A_190], %swap3A_193 {strides = array<i32>} : memref<1x128xi32, #tpu.memory_space<vmem>>, vector<1x16xi32>,
      %get3A_194 = arith.index_cast %scan3A_9 : i32 to index
      %get3A_195 = arith.constant 48 : index
      %get3A_196 = tpu.vector_load %arg6[%get3A_194, %get3A_195] {strides = array<i32>} : memref<79x128xi32, #tpu.memory_space<vmem>>, vector<1x16xi32>,
      %get3A_197 = vector.shape_cast %get3A_196 : vector<1x16xi32> to vector<16xi32>
      %shift_right_logical3A_198 = arith.constant 0 : i32
      %shift_right_logical3A_199 = vector.broadcast %shift_right_logical3A_198 : i32 to vector<16xi32>
      %shift_right_logical3A_200 = arith.shrui %get3A_197, %shift_right_logical3A_199 : vector<16xi32>
      %and3A_201 = arith.constant 16383 : i32
      %and3A_202 = vector.broadcast %and3A_201 : i32 to vector<16xi32>
      %and3A_203 = arith.andi %shift_right_logical3A_200, %and3A_202 : vector<16xi32>
      %swap3A_204 = arith.constant 0 : i32
      %swap3A_205 = arith.index_cast %swap3A_204 : i32 to index
      %swap3A_206 = arith.constant 48 : index
      %swap3A_207 = tpu.vector_load %arg8[%swap3A_205, %swap3A_206] {strides = array<i32>} : memref<1x128xi32, #tpu.memory_space<vmem>>, vector<1x16xi32>,
      %swap3A_208 = vector.shape_cast %swap3A_207 : vector<1x16xi32> to vector<16xi32>
      %swap3A_209 = vector.shape_cast %and3A_203 : vector<16xi32> to vector<1x16xi32>
      tpu.vector_store %arg8[%swap3A_205, %swap3A_206], %swap3A_209 {strides = array<i32>} : memref<1x128xi32, #tpu.memory_space<vmem>>, vector<1x16xi32>,
      %get3A_210 = arith.index_cast %scan3A_9 : i32 to index
      %get3A_211 = arith.constant 64 : index
      %get3A_212 = tpu.vector_load %arg6[%get3A_210, %get3A_211] {strides = array<i32>} : memref<79x128xi32, #tpu.memory_space<vmem>>, vector<1x16xi32>,
      %get3A_213 = vector.shape_cast %get3A_212 : vector<1x16xi32> to vector<16xi32>
      %shift_right_logical3A_214 = arith.constant 0 : i32
      %shift_right_logical3A_215 = vector.broadcast %shift_right_logical3A_214 : i32 to vector<16xi32>
      %shift_right_logical3A_216 = arith.shrui %get3A_213, %shift_right_logical3A_215 : vector<16xi32>
      %and3A_217 = arith.constant 16383 : i32
      %and3A_218 = vector.broadcast %and3A_217 : i32 to vector<16xi32>
      %and3A_219 = arith.andi %shift_right_logical3A_216, %and3A_218 : vector<16xi32>
      %swap3A_220 = arith.constant 0 : i32
      %swap3A_221 = arith.index_cast %swap3A_220 : i32 to index
      %swap3A_222 = arith.constant 64 : index
      %swap3A_223 = tpu.vector_load %arg8[%swap3A_221, %swap3A_222] {strides = array<i32>} : memref<1x128xi32, #tpu.memory_space<vmem>>, vector<1x16xi32>,
      %swap3A_224 = vector.shape_cast %swap3A_223 : vector<1x16xi32> to vector<16xi32>
      %swap3A_225 = vector.shape_cast %and3A_219 : vector<16xi32> to vector<1x16xi32>
      tpu.vector_store %arg8[%swap3A_221, %swap3A_222], %swap3A_225 {strides = array<i32>} : memref<1x128xi32, #tpu.memory_space<vmem>>, vector<1x16xi32>,
      %get3A_226 = arith.index_cast %scan3A_9 : i32 to index
      %get3A_227 = arith.constant 80 : index
      %get3A_228 = tpu.vector_load %arg6[%get3A_226, %get3A_227] {strides = array<i32>} : memref<79x128xi32, #tpu.memory_space<vmem>>, vector<1x16xi32>,
      %get3A_229 = vector.shape_cast %get3A_228 : vector<1x16xi32> to vector<16xi32>
      %shift_right_logical3A_230 = arith.constant 0 : i32
      %shift_right_logical3A_231 = vector.broadcast %shift_right_logical3A_230 : i32 to vector<16xi32>
      %shift_right_logical3A_232 = arith.shrui %get3A_229, %shift_right_logical3A_231 : vector<16xi32>
      %and3A_233 = arith.constant 16383 : i32
      %and3A_234 = vector.broadcast %and3A_233 : i32 to vector<16xi32>
      %and3A_235 = arith.andi %shift_right_logical3A_232, %and3A_234 : vector<16xi32>
      %swap3A_236 = arith.constant 0 : i32
      %swap3A_237 = arith.index_cast %swap3A_236 : i32 to index
      %swap3A_238 = arith.constant 80 : index
      %swap3A_239 = tpu.vector_load %arg8[%swap3A_237, %swap3A_238] {strides = array<i32>} : memref<1x128xi32, #tpu.memory_space<vmem>>, vector<1x16xi32>,
      %swap3A_240 = vector.shape_cast %swap3A_239 : vector<1x16xi32> to vector<16xi32>
      %swap3A_241 = vector.shape_cast %and3A_235 : vector<16xi32> to vector<1x16xi32>
      tpu.vector_store %arg8[%swap3A_237, %swap3A_238], %swap3A_241 {strides = array<i32>} : memref<1x128xi32, #tpu.memory_space<vmem>>, vector<1x16xi32>,
      %get3A_242 = arith.index_cast %scan3A_9 : i32 to index
      %get3A_243 = arith.constant 96 : index
      %get3A_244 = tpu.vector_load %arg6[%get3A_242, %get3A_243] {strides = array<i32>} : memref<79x128xi32, #tpu.memory_space<vmem>>, vector<1x16xi32>,
      %get3A_245 = vector.shape_cast %get3A_244 : vector<1x16xi32> to vector<16xi32>
      %shift_right_logical3A_246 = arith.constant 0 : i32
      %shift_right_logical3A_247 = vector.broadcast %shift_right_logical3A_246 : i32 to vector<16xi32>
      %shift_right_logical3A_248 = arith.shrui %get3A_245, %shift_right_logical3A_247 : vector<16xi32>
      %and3A_249 = arith.constant 16383 : i32
      %and3A_250 = vector.broadcast %and3A_249 : i32 to vector<16xi32>
      %and3A_251 = arith.andi %shift_right_logical3A_248, %and3A_250 : vector<16xi32>
      %swap3A_252 = arith.constant 0 : i32
      %swap3A_253 = arith.index_cast %swap3A_252 : i32 to index
      %swap3A_254 = arith.constant 96 : index
      %swap3A_255 = tpu.vector_load %arg8[%swap3A_253, %swap3A_254] {strides = array<i32>} : memref<1x128xi32, #tpu.memory_space<vmem>>, vector<1x16xi32>,
      %swap3A_256 = vector.shape_cast %swap3A_255 : vector<1x16xi32> to vector<16xi32>
      %swap3A_257 = vector.shape_cast %and3A_251 : vector<16xi32> to vector<1x16xi32>
      tpu.vector_store %arg8[%swap3A_253, %swap3A_254], %swap3A_257 {strides = array<i32>} : memref<1x128xi32, #tpu.memory_space<vmem>>, vector<1x16xi32>,
      %get3A_258 = arith.index_cast %scan3A_9 : i32 to index
      %get3A_259 = arith.constant 112 : index
      %get3A_260 = tpu.vector_load %arg6[%get3A_258, %get3A_259] {strides = array<i32>} : memref<79x128xi32, #tpu.memory_space<vmem>>, vector<1x16xi32>,
      %get3A_261 = vector.shape_cast %get3A_260 : vector<1x16xi32> to vector<16xi32>
      %shift_right_logical3A_262 = arith.constant 0 : i32
      %shift_right_logical3A_263 = vector.broadcast %shift_right_logical3A_262 : i32 to vector<16xi32>
      %shift_right_logical3A_264 = arith.shrui %get3A_261, %shift_right_logical3A_263 : vector<16xi32>
      %and3A_265 = arith.constant 16383 : i32
      %and3A_266 = vector.broadcast %and3A_265 : i32 to vector<16xi32>
      %and3A_267 = arith.andi %shift_right_logical3A_264, %and3A_266 : vector<16xi32>
      %swap3A_268 = arith.constant 0 : i32
      %swap3A_269 = arith.index_cast %swap3A_268 : i32 to index
      %swap3A_270 = arith.constant 112 : index
      %swap3A_271 = tpu.vector_load %arg8[%swap3A_269, %swap3A_270] {strides = array<i32>} : memref<1x128xi32, #tpu.memory_space<vmem>>, vector<1x16xi32>,
      %swap3A_272 = vector.shape_cast %swap3A_271 : vector<1x16xi32> to vector<16xi32>
      %swap3A_273 = vector.shape_cast %and3A_267 : vector<16xi32> to vector<1x16xi32>
      tpu.vector_store %arg8[%swap3A_269, %swap3A_270], %swap3A_273 {strides = array<i32>} : memref<1x128xi32, #tpu.memory_space<vmem>>, vector<1x16xi32>,
      %run_scoped3A = arith.constant 0 : i32
      "tpu.region"() ({
        %run_scoped3A_274 = tpu.sem_alloc : memref<!tpu.dma_semaphore, #tpu.memory_space<semaphore_mem>>
        %dma_start3A_275 = arith.constant 0 : i32
        %dma_start3A_276 = tpu.memref_slice %arg8[%run_scoped3A, %dma_start3A_275] : memref<1x128xi32, #tpu.memory_space<vmem>> -> memref<1x128xi32, #tpu.memory_space<vmem>>
        %dma_start3A_277 = tpu.memref_squeeze %dma_start3A_276 : memref<1x128xi32, #tpu.memory_space<vmem>> -> memref<128xi32, #tpu.memory_space<vmem>>
        %dma_start3A_278 = arith.constant 0 : i32
        %dma_start3A_279 = arith.constant 0 : i32
        %dma_start3A_280 = tpu.memref_slice %arg10[%dma_start3A_278, %dma_start3A_279] : memref<10112x128xf32, #tpu.memory_space<vmem_shared>> -> memref<10112x128xf32, #tpu.memory_space<vmem_shared>>
        tpu.enqueue_indirect_dma source(%arg9 : memref<128x128xf32, #tpu.memory_space<vmem>>) target(%dma_start3A_280 : memref<10112x128xf32, #tpu.memory_space<vmem_shared>>) offsets(%dma_start3A_277 : memref<128xi32, #tpu.memory_space<vmem>>) semaphore(%run_scoped3A_274 : memref<!tpu.dma_semaphore, #tpu.memory_space<semaphore_mem>>) {add = true}
        %dma_wait3A_281 = arith.constant 0 : i32
        %dma_wait3A_282 = tpu.memref_slice %arg8[%run_scoped3A, %dma_wait3A_281] : memref<1x128xi32, #tpu.memory_space<vmem>> -> memref<1x128xi32, #tpu.memory_space<vmem>>
        %dma_wait3A_283 = tpu.memref_squeeze %dma_wait3A_282 : memref<1x128xi32, #tpu.memory_space<vmem>> -> memref<128xi32, #tpu.memory_space<vmem>>
        %dma_wait3A_284 = arith.constant 0 : i32
        %dma_wait3A_285 = arith.constant 0 : i32
        %dma_wait3A_286 = tpu.memref_slice %arg10[%dma_wait3A_284, %dma_wait3A_285] : memref<10112x128xf32, #tpu.memory_space<vmem_shared>> -> memref<10112x128xf32, #tpu.memory_space<vmem_shared>>
        tpu.wait_indirect_dma semaphore(%run_scoped3A_274 : memref<!tpu.dma_semaphore, #tpu.memory_space<semaphore_mem>>) src(%arg9 : memref<128x128xf32, #tpu.memory_space<vmem>>) dst(%dma_wait3A_286 : memref<10112x128xf32, #tpu.memory_space<vmem_shared>>)
        tpu.yield
      }) : () -> ()
    }
    %scan3A_7 = arith.constant 79 : i32
    %barrier3A_8 = arith.constant 0 : index
    tpu.barrier barrier_id(%barrier3A_8)
    "tpu.region"() ({
      %run_scoped3A = tpu.sem_alloc : memref<!tpu.dma_semaphore, #tpu.memory_space<semaphore_mem>>
      %dma_start3A = arith.constant 0 : i32
      %dma_start3A_9 = tpu.memref_slice %arg5[%arg0, %mul3A_2, %dma_start3A] : memref<2x10112x128xf32, #tpu.memory_space<hbm>> -> memref<1x632x128xf32, #tpu.memory_space<hbm>>
      %dma_start3A_10 = tpu.memref_squeeze %dma_start3A_9 : memref<1x632x128xf32, #tpu.memory_space<hbm>> -> memref<632x128xf32, #tpu.memory_space<hbm>>
      %dma_start3A_11 = arith.constant 0 : i32
      %dma_start3A_12 = tpu.memref_slice %arg10[%mul3A_2, %dma_start3A_11] : memref<10112x128xf32, #tpu.memory_space<vmem_shared>> -> memref<632x128xf32, #tpu.memory_space<vmem_shared>>
      tpu.enqueue_dma source(%dma_start3A_12 : memref<632x128xf32, #tpu.memory_space<vmem_shared>>) target(%dma_start3A_10 : memref<632x128xf32, #tpu.memory_space<hbm>>) target_semaphore(%run_scoped3A : memref<!tpu.dma_semaphore, #tpu.memory_space<semaphore_mem>>)
      %dma_wait3A = arith.constant 0 : i32
      %dma_wait3A_13 = tpu.memref_slice %arg5[%arg0, %mul3A_2, %dma_wait3A] : memref<2x10112x128xf32, #tpu.memory_space<hbm>> -> memref<1x632x128xf32, #tpu.memory_space<hbm>>
      %dma_wait3A_14 = tpu.memref_squeeze %dma_wait3A_13 : memref<1x632x128xf32, #tpu.memory_space<hbm>> -> memref<632x128xf32, #tpu.memory_space<hbm>>
      %dma_wait3A_15 = arith.constant 0 : i32
      %dma_wait3A_16 = tpu.memref_slice %arg10[%mul3A_2, %dma_wait3A_15] : memref<10112x128xf32, #tpu.memory_space<vmem_shared>> -> memref<632x128xf32, #tpu.memory_space<vmem_shared>>
      tpu.wait_dma2 semaphore(%run_scoped3A : memref<!tpu.dma_semaphore, #tpu.memory_space<semaphore_mem>>) src(%dma_wait3A_16 : memref<632x128xf32, #tpu.memory_space<vmem_shared>>) dst(%dma_wait3A_14 : memref<632x128xf32, #tpu.memory_space<hbm>>)
      tpu.yield
    }) : () -> ()
    return
  }
}

#map = affine_map<(d0, d1) -> (0, 0)>
#map1 = affine_map<(d0, d1) -> (0, 0, 0)>
module attributes {stable_mosaic.version = 14 : i64} {
  func.func @hop_kernel(%arg0: i32, %arg1: i32, %arg2: memref<10000x128xf32, #tpu.memory_space<hbm>>, %arg3: memref<32x79x128xi32, #tpu.memory_space<hbm>>, %arg4: memref<10112x128xf32, #tpu.memory_space<hbm>>, %arg5: memref<2x10112x128xf32, #tpu.memory_space<hbm>>, %arg6: memref<79x128xi32, #tpu.memory_space<vmem>>, %arg7: memref<1x128xi32, #tpu.memory_space<vmem>>, %arg8: memref<1x128xi32, #tpu.memory_space<vmem>>, %arg9: memref<128x128xf32, #tpu.memory_space<vmem>>, %arg10: memref<10112x128xf32, #tpu.memory_space<vmem_shared>>, %arg11: memref<!tpu.dma_semaphore, #tpu.memory_space<semaphore_mem>>) attributes {dimension_semantics = [#tpu.dimension_semantics<core_parallel>, #tpu.dimension_semantics<subcore_parallel>], iteration_bounds = array<i64: 2, 16>, scalar_prefetch = 0 : i64, scratch_operands = 6 : i64, tpu.core_type = #tpu.core_type<sc_vector_subcore>, window_params = [{transform_indices = #map}, {transform_indices = #map1}, {transform_indices = #map}, {transform_indices = #map1}]} {
    %mul3A = arith.constant 16 : i32
    %mul3A_0 = arith.muli %arg0, %mul3A : i32
    %add3A = arith.addi %mul3A_0, %arg1 : i32
    "tpu.region"() ({
      %run_scoped3A = tpu.sem_alloc : memref<!tpu.dma_semaphore, #tpu.memory_space<semaphore_mem>>
      %dma_start3A = arith.constant 0 : i32
      %dma_start3A_9 = arith.constant 0 : i32
      %dma_start3A_10 = tpu.memref_slice %arg3[%add3A, %dma_start3A, %dma_start3A_9] : memref<32x79x128xi32, #tpu.memory_space<hbm>> -> memref<1x79x128xi32, #tpu.memory_space<hbm>>
      %dma_start3A_11 = tpu.memref_squeeze %dma_start3A_10 : memref<1x79x128xi32, #tpu.memory_space<hbm>> -> memref<79x128xi32, #tpu.memory_space<hbm>>
      %dma_start3A_12 = arith.constant 0 : i32
      %dma_start3A_13 = arith.constant 0 : i32
      %dma_start3A_14 = tpu.memref_slice %arg3[%add3A, %dma_start3A_12, %dma_start3A_13] : memref<32x79x128xi32, #tpu.memory_space<hbm>> -> memref<1x79x128xi32, #tpu.memory_space<hbm>>
      %dma_start3A_15 = tpu.memref_squeeze %dma_start3A_14 : memref<1x79x128xi32, #tpu.memory_space<hbm>> -> memref<79x128xi32, #tpu.memory_space<hbm>>
      tpu.enqueue_dma source(%dma_start3A_15 : memref<79x128xi32, #tpu.memory_space<hbm>>) target(%arg6 : memref<79x128xi32, #tpu.memory_space<vmem>>) target_semaphore(%run_scoped3A : memref<!tpu.dma_semaphore, #tpu.memory_space<semaphore_mem>>)
      %dma_wait3A = arith.constant 0 : i32
      %dma_wait3A_16 = arith.constant 0 : i32
      %dma_wait3A_17 = tpu.memref_slice %arg3[%add3A, %dma_wait3A, %dma_wait3A_16] : memref<32x79x128xi32, #tpu.memory_space<hbm>> -> memref<1x79x128xi32, #tpu.memory_space<hbm>>
      %dma_wait3A_18 = tpu.memref_squeeze %dma_wait3A_17 : memref<1x79x128xi32, #tpu.memory_space<hbm>> -> memref<79x128xi32, #tpu.memory_space<hbm>>
      %dma_wait3A_19 = arith.constant 0 : i32
      %dma_wait3A_20 = arith.constant 0 : i32
      %dma_wait3A_21 = tpu.memref_slice %arg3[%add3A, %dma_wait3A_19, %dma_wait3A_20] : memref<32x79x128xi32, #tpu.memory_space<hbm>> -> memref<1x79x128xi32, #tpu.memory_space<hbm>>
      %dma_wait3A_22 = tpu.memref_squeeze %dma_wait3A_21 : memref<1x79x128xi32, #tpu.memory_space<hbm>> -> memref<79x128xi32, #tpu.memory_space<hbm>>
      tpu.wait_dma2 semaphore(%run_scoped3A : memref<!tpu.dma_semaphore, #tpu.memory_space<semaphore_mem>>) src(%dma_wait3A_22 : memref<79x128xi32, #tpu.memory_space<hbm>>) dst(%arg6 : memref<79x128xi32, #tpu.memory_space<vmem>>)
      tpu.yield
    }) : () -> ()
    %mul3A_1 = arith.constant 632 : i32
    %mul3A_2 = arith.muli %arg1, %mul3A_1 : i32
    "tpu.region"() ({
      %run_scoped3A = tpu.sem_alloc : memref<!tpu.dma_semaphore, #tpu.memory_space<semaphore_mem>>
      %dma_start3A = arith.constant 0 : i32
      %dma_start3A_9 = tpu.memref_slice %arg10[%mul3A_2, %dma_start3A] : memref<10112x128xf32, #tpu.memory_space<vmem_shared>> -> memref<632x128xf32, #tpu.memory_space<vmem_shared>>
      %dma_start3A_10 = arith.constant 0 : i32
      %dma_start3A_11 = tpu.memref_slice %arg4[%mul3A_2, %dma_start3A_10] : memref<10112x128xf32, #tpu.memory_space<hbm>> -> memref<632x128xf32, #tpu.memory_space<hbm>>
      tpu.enqueue_dma source(%dma_start3A_11 : memref<632x128xf32, #tpu.memory_space<hbm>>) target(%dma_start3A_9 : memref<632x128xf32, #tpu.memory_space<vmem_shared>>) target_semaphore(%run_scoped3A : memref<!tpu.dma_semaphore, #tpu.memory_space<semaphore_mem>>)
      %dma_wait3A = arith.constant 0 : i32
      %dma_wait3A_12 = tpu.memref_slice %arg10[%mul3A_2, %dma_wait3A] : memref<10112x128xf32, #tpu.memory_space<vmem_shared>> -> memref<632x128xf32, #tpu.memory_space<vmem_shared>>
      %dma_wait3A_13 = arith.constant 0 : i32
      %dma_wait3A_14 = tpu.memref_slice %arg4[%mul3A_2, %dma_wait3A_13] : memref<10112x128xf32, #tpu.memory_space<hbm>> -> memref<632x128xf32, #tpu.memory_space<hbm>>
      tpu.wait_dma2 semaphore(%run_scoped3A : memref<!tpu.dma_semaphore, #tpu.memory_space<semaphore_mem>>) src(%dma_wait3A_14 : memref<632x128xf32, #tpu.memory_space<hbm>>) dst(%dma_wait3A_12 : memref<632x128xf32, #tpu.memory_space<vmem_shared>>)
      tpu.yield
    }) : () -> ()
    %barrier3A = arith.constant 0 : index
    tpu.barrier barrier_id(%barrier3A)
    %scan3A = arith.constant 0 : i32
    %scan3A_3 = arith.constant 0 : i32
    %scan3A_4 = arith.constant 79 : i32
    %scan3A_5 = arith.addi %scan3A_3, %scan3A_4 : i32
    %scan3A_6 = arith.constant 1 : i32
    scf.for %scan3A_9 = %scan3A_3 to %scan3A_5 step %scan3A_6  : i32 {
      %get3A = arith.index_cast %scan3A_9 : i32 to index
      %get3A_10 = arith.constant 0 : index
      %get3A_11 = tpu.vector_load %arg6[%get3A, %get3A_10] {strides = array<i32>} : memref<79x128xi32, #tpu.memory_space<vmem>>, vector<1x16xi32>,
      %get3A_12 = vector.shape_cast %get3A_11 : vector<1x16xi32> to vector<16xi32>
      %shift_right_logical3A = arith.constant 14 : i32
      %shift_right_logical3A_13 = vector.broadcast %shift_right_logical3A : i32 to vector<16xi32>
      %shift_right_logical3A_14 = arith.shrui %get3A_12, %shift_right_logical3A_13 : vector<16xi32>
      %and3A = arith.constant 16383 : i32
      %and3A_15 = vector.broadcast %and3A : i32 to vector<16xi32>
      %and3A_16 = arith.andi %shift_right_logical3A_14, %and3A_15 : vector<16xi32>
      %swap3A = arith.constant 0 : i32
      %swap3A_17 = arith.index_cast %swap3A : i32 to index
      %swap3A_18 = arith.constant 0 : index
      %swap3A_19 = tpu.vector_load %arg7[%swap3A_17, %swap3A_18] {strides = array<i32>} : memref<1x128xi32, #tpu.memory_space<vmem>>, vector<1x16xi32>,
      %swap3A_20 = vector.shape_cast %swap3A_19 : vector<1x16xi32> to vector<16xi32>
      %swap3A_21 = vector.shape_cast %and3A_16 : vector<16xi32> to vector<1x16xi32>
      tpu.vector_store %arg7[%swap3A_17, %swap3A_18], %swap3A_21 {strides = array<i32>} : memref<1x128xi32, #tpu.memory_space<vmem>>, vector<1x16xi32>,
      %get3A_22 = arith.index_cast %scan3A_9 : i32 to index
      %get3A_23 = arith.constant 16 : index
      %get3A_24 = tpu.vector_load %arg6[%get3A_22, %get3A_23] {strides = array<i32>} : memref<79x128xi32, #tpu.memory_space<vmem>>, vector<1x16xi32>,
      %get3A_25 = vector.shape_cast %get3A_24 : vector<1x16xi32> to vector<16xi32>
      %shift_right_logical3A_26 = arith.constant 14 : i32
      %shift_right_logical3A_27 = vector.broadcast %shift_right_logical3A_26 : i32 to vector<16xi32>
      %shift_right_logical3A_28 = arith.shrui %get3A_25, %shift_right_logical3A_27 : vector<16xi32>
      %and3A_29 = arith.constant 16383 : i32
      %and3A_30 = vector.broadcast %and3A_29 : i32 to vector<16xi32>
      %and3A_31 = arith.andi %shift_right_logical3A_28, %and3A_30 : vector<16xi32>
      %swap3A_32 = arith.constant 0 : i32
      %swap3A_33 = arith.index_cast %swap3A_32 : i32 to index
      %swap3A_34 = arith.constant 16 : index
      %swap3A_35 = tpu.vector_load %arg7[%swap3A_33, %swap3A_34] {strides = array<i32>} : memref<1x128xi32, #tpu.memory_space<vmem>>, vector<1x16xi32>,
      %swap3A_36 = vector.shape_cast %swap3A_35 : vector<1x16xi32> to vector<16xi32>
      %swap3A_37 = vector.shape_cast %and3A_31 : vector<16xi32> to vector<1x16xi32>
      tpu.vector_store %arg7[%swap3A_33, %swap3A_34], %swap3A_37 {strides = array<i32>} : memref<1x128xi32, #tpu.memory_space<vmem>>, vector<1x16xi32>,
      %get3A_38 = arith.index_cast %scan3A_9 : i32 to index
      %get3A_39 = arith.constant 32 : index
      %get3A_40 = tpu.vector_load %arg6[%get3A_38, %get3A_39] {strides = array<i32>} : memref<79x128xi32, #tpu.memory_space<vmem>>, vector<1x16xi32>,
      %get3A_41 = vector.shape_cast %get3A_40 : vector<1x16xi32> to vector<16xi32>
      %shift_right_logical3A_42 = arith.constant 14 : i32
      %shift_right_logical3A_43 = vector.broadcast %shift_right_logical3A_42 : i32 to vector<16xi32>
      %shift_right_logical3A_44 = arith.shrui %get3A_41, %shift_right_logical3A_43 : vector<16xi32>
      %and3A_45 = arith.constant 16383 : i32
      %and3A_46 = vector.broadcast %and3A_45 : i32 to vector<16xi32>
      %and3A_47 = arith.andi %shift_right_logical3A_44, %and3A_46 : vector<16xi32>
      %swap3A_48 = arith.constant 0 : i32
      %swap3A_49 = arith.index_cast %swap3A_48 : i32 to index
      %swap3A_50 = arith.constant 32 : index
      %swap3A_51 = tpu.vector_load %arg7[%swap3A_49, %swap3A_50] {strides = array<i32>} : memref<1x128xi32, #tpu.memory_space<vmem>>, vector<1x16xi32>,
      %swap3A_52 = vector.shape_cast %swap3A_51 : vector<1x16xi32> to vector<16xi32>
      %swap3A_53 = vector.shape_cast %and3A_47 : vector<16xi32> to vector<1x16xi32>
      tpu.vector_store %arg7[%swap3A_49, %swap3A_50], %swap3A_53 {strides = array<i32>} : memref<1x128xi32, #tpu.memory_space<vmem>>, vector<1x16xi32>,
      %get3A_54 = arith.index_cast %scan3A_9 : i32 to index
      %get3A_55 = arith.constant 48 : index
      %get3A_56 = tpu.vector_load %arg6[%get3A_54, %get3A_55] {strides = array<i32>} : memref<79x128xi32, #tpu.memory_space<vmem>>, vector<1x16xi32>,
      %get3A_57 = vector.shape_cast %get3A_56 : vector<1x16xi32> to vector<16xi32>
      %shift_right_logical3A_58 = arith.constant 14 : i32
      %shift_right_logical3A_59 = vector.broadcast %shift_right_logical3A_58 : i32 to vector<16xi32>
      %shift_right_logical3A_60 = arith.shrui %get3A_57, %shift_right_logical3A_59 : vector<16xi32>
      %and3A_61 = arith.constant 16383 : i32
      %and3A_62 = vector.broadcast %and3A_61 : i32 to vector<16xi32>
      %and3A_63 = arith.andi %shift_right_logical3A_60, %and3A_62 : vector<16xi32>
      %swap3A_64 = arith.constant 0 : i32
      %swap3A_65 = arith.index_cast %swap3A_64 : i32 to index
      %swap3A_66 = arith.constant 48 : index
      %swap3A_67 = tpu.vector_load %arg7[%swap3A_65, %swap3A_66] {strides = array<i32>} : memref<1x128xi32, #tpu.memory_space<vmem>>, vector<1x16xi32>,
      %swap3A_68 = vector.shape_cast %swap3A_67 : vector<1x16xi32> to vector<16xi32>
      %swap3A_69 = vector.shape_cast %and3A_63 : vector<16xi32> to vector<1x16xi32>
      tpu.vector_store %arg7[%swap3A_65, %swap3A_66], %swap3A_69 {strides = array<i32>} : memref<1x128xi32, #tpu.memory_space<vmem>>, vector<1x16xi32>,
      %get3A_70 = arith.index_cast %scan3A_9 : i32 to index
      %get3A_71 = arith.constant 64 : index
      %get3A_72 = tpu.vector_load %arg6[%get3A_70, %get3A_71] {strides = array<i32>} : memref<79x128xi32, #tpu.memory_space<vmem>>, vector<1x16xi32>,
      %get3A_73 = vector.shape_cast %get3A_72 : vector<1x16xi32> to vector<16xi32>
      %shift_right_logical3A_74 = arith.constant 14 : i32
      %shift_right_logical3A_75 = vector.broadcast %shift_right_logical3A_74 : i32 to vector<16xi32>
      %shift_right_logical3A_76 = arith.shrui %get3A_73, %shift_right_logical3A_75 : vector<16xi32>
      %and3A_77 = arith.constant 16383 : i32
      %and3A_78 = vector.broadcast %and3A_77 : i32 to vector<16xi32>
      %and3A_79 = arith.andi %shift_right_logical3A_76, %and3A_78 : vector<16xi32>
      %swap3A_80 = arith.constant 0 : i32
      %swap3A_81 = arith.index_cast %swap3A_80 : i32 to index
      %swap3A_82 = arith.constant 64 : index
      %swap3A_83 = tpu.vector_load %arg7[%swap3A_81, %swap3A_82] {strides = array<i32>} : memref<1x128xi32, #tpu.memory_space<vmem>>, vector<1x16xi32>,
      %swap3A_84 = vector.shape_cast %swap3A_83 : vector<1x16xi32> to vector<16xi32>
      %swap3A_85 = vector.shape_cast %and3A_79 : vector<16xi32> to vector<1x16xi32>
      tpu.vector_store %arg7[%swap3A_81, %swap3A_82], %swap3A_85 {strides = array<i32>} : memref<1x128xi32, #tpu.memory_space<vmem>>, vector<1x16xi32>,
      %get3A_86 = arith.index_cast %scan3A_9 : i32 to index
      %get3A_87 = arith.constant 80 : index
      %get3A_88 = tpu.vector_load %arg6[%get3A_86, %get3A_87] {strides = array<i32>} : memref<79x128xi32, #tpu.memory_space<vmem>>, vector<1x16xi32>,
      %get3A_89 = vector.shape_cast %get3A_88 : vector<1x16xi32> to vector<16xi32>
      %shift_right_logical3A_90 = arith.constant 14 : i32
      %shift_right_logical3A_91 = vector.broadcast %shift_right_logical3A_90 : i32 to vector<16xi32>
      %shift_right_logical3A_92 = arith.shrui %get3A_89, %shift_right_logical3A_91 : vector<16xi32>
      %and3A_93 = arith.constant 16383 : i32
      %and3A_94 = vector.broadcast %and3A_93 : i32 to vector<16xi32>
      %and3A_95 = arith.andi %shift_right_logical3A_92, %and3A_94 : vector<16xi32>
      %swap3A_96 = arith.constant 0 : i32
      %swap3A_97 = arith.index_cast %swap3A_96 : i32 to index
      %swap3A_98 = arith.constant 80 : index
      %swap3A_99 = tpu.vector_load %arg7[%swap3A_97, %swap3A_98] {strides = array<i32>} : memref<1x128xi32, #tpu.memory_space<vmem>>, vector<1x16xi32>,
      %swap3A_100 = vector.shape_cast %swap3A_99 : vector<1x16xi32> to vector<16xi32>
      %swap3A_101 = vector.shape_cast %and3A_95 : vector<16xi32> to vector<1x16xi32>
      tpu.vector_store %arg7[%swap3A_97, %swap3A_98], %swap3A_101 {strides = array<i32>} : memref<1x128xi32, #tpu.memory_space<vmem>>, vector<1x16xi32>,
      %get3A_102 = arith.index_cast %scan3A_9 : i32 to index
      %get3A_103 = arith.constant 96 : index
      %get3A_104 = tpu.vector_load %arg6[%get3A_102, %get3A_103] {strides = array<i32>} : memref<79x128xi32, #tpu.memory_space<vmem>>, vector<1x16xi32>,
      %get3A_105 = vector.shape_cast %get3A_104 : vector<1x16xi32> to vector<16xi32>
      %shift_right_logical3A_106 = arith.constant 14 : i32
      %shift_right_logical3A_107 = vector.broadcast %shift_right_logical3A_106 : i32 to vector<16xi32>
      %shift_right_logical3A_108 = arith.shrui %get3A_105, %shift_right_logical3A_107 : vector<16xi32>
      %and3A_109 = arith.constant 16383 : i32
      %and3A_110 = vector.broadcast %and3A_109 : i32 to vector<16xi32>
      %and3A_111 = arith.andi %shift_right_logical3A_108, %and3A_110 : vector<16xi32>
      %swap3A_112 = arith.constant 0 : i32
      %swap3A_113 = arith.index_cast %swap3A_112 : i32 to index
      %swap3A_114 = arith.constant 96 : index
      %swap3A_115 = tpu.vector_load %arg7[%swap3A_113, %swap3A_114] {strides = array<i32>} : memref<1x128xi32, #tpu.memory_space<vmem>>, vector<1x16xi32>,
      %swap3A_116 = vector.shape_cast %swap3A_115 : vector<1x16xi32> to vector<16xi32>
      %swap3A_117 = vector.shape_cast %and3A_111 : vector<16xi32> to vector<1x16xi32>
      tpu.vector_store %arg7[%swap3A_113, %swap3A_114], %swap3A_117 {strides = array<i32>} : memref<1x128xi32, #tpu.memory_space<vmem>>, vector<1x16xi32>,
      %get3A_118 = arith.index_cast %scan3A_9 : i32 to index
      %get3A_119 = arith.constant 112 : index
      %get3A_120 = tpu.vector_load %arg6[%get3A_118, %get3A_119] {strides = array<i32>} : memref<79x128xi32, #tpu.memory_space<vmem>>, vector<1x16xi32>,
      %get3A_121 = vector.shape_cast %get3A_120 : vector<1x16xi32> to vector<16xi32>
      %shift_right_logical3A_122 = arith.constant 14 : i32
      %shift_right_logical3A_123 = vector.broadcast %shift_right_logical3A_122 : i32 to vector<16xi32>
      %shift_right_logical3A_124 = arith.shrui %get3A_121, %shift_right_logical3A_123 : vector<16xi32>
      %and3A_125 = arith.constant 16383 : i32
      %and3A_126 = vector.broadcast %and3A_125 : i32 to vector<16xi32>
      %and3A_127 = arith.andi %shift_right_logical3A_124, %and3A_126 : vector<16xi32>
      %swap3A_128 = arith.constant 0 : i32
      %swap3A_129 = arith.index_cast %swap3A_128 : i32 to index
      %swap3A_130 = arith.constant 112 : index
      %swap3A_131 = tpu.vector_load %arg7[%swap3A_129, %swap3A_130] {strides = array<i32>} : memref<1x128xi32, #tpu.memory_space<vmem>>, vector<1x16xi32>,
      %swap3A_132 = vector.shape_cast %swap3A_131 : vector<1x16xi32> to vector<16xi32>
      %swap3A_133 = vector.shape_cast %and3A_127 : vector<16xi32> to vector<1x16xi32>
      tpu.vector_store %arg7[%swap3A_129, %swap3A_130], %swap3A_133 {strides = array<i32>} : memref<1x128xi32, #tpu.memory_space<vmem>>, vector<1x16xi32>,
      %dma_start3A = arith.constant 0 : i32
      %dma_start3A_134 = arith.constant 0 : i32
      %dma_start3A_135 = tpu.memref_slice %arg7[%dma_start3A, %dma_start3A_134] : memref<1x128xi32, #tpu.memory_space<vmem>> -> memref<1x128xi32, #tpu.memory_space<vmem>>
      %dma_start3A_136 = tpu.memref_squeeze %dma_start3A_135 : memref<1x128xi32, #tpu.memory_space<vmem>> -> memref<128xi32, #tpu.memory_space<vmem>>
      %dma_start3A_137 = arith.constant 0 : i32
      %dma_start3A_138 = arith.constant 0 : i32
      %dma_start3A_139 = tpu.memref_slice %arg2[%dma_start3A_137, %dma_start3A_138] : memref<10000x128xf32, #tpu.memory_space<hbm>> -> memref<10000x128xf32, #tpu.memory_space<hbm>>
      tpu.enqueue_indirect_dma source(%dma_start3A_139 : memref<10000x128xf32, #tpu.memory_space<hbm>>) target(%arg9 : memref<128x128xf32, #tpu.memory_space<vmem>>) offsets(%dma_start3A_136 : memref<128xi32, #tpu.memory_space<vmem>>) semaphore(%arg11 : memref<!tpu.dma_semaphore, #tpu.memory_space<semaphore_mem>>)
      %dma_wait3A = arith.constant 0 : i32
      %dma_wait3A_140 = arith.constant 0 : i32
      %dma_wait3A_141 = tpu.memref_slice %arg7[%dma_wait3A, %dma_wait3A_140] : memref<1x128xi32, #tpu.memory_space<vmem>> -> memref<1x128xi32, #tpu.memory_space<vmem>>
      %dma_wait3A_142 = tpu.memref_squeeze %dma_wait3A_141 : memref<1x128xi32, #tpu.memory_space<vmem>> -> memref<128xi32, #tpu.memory_space<vmem>>
      %dma_wait3A_143 = arith.constant 0 : i32
      %dma_wait3A_144 = arith.constant 0 : i32
      %dma_wait3A_145 = tpu.memref_slice %arg2[%dma_wait3A_143, %dma_wait3A_144] : memref<10000x128xf32, #tpu.memory_space<hbm>> -> memref<10000x128xf32, #tpu.memory_space<hbm>>
      tpu.wait_indirect_dma semaphore(%arg11 : memref<!tpu.dma_semaphore, #tpu.memory_space<semaphore_mem>>) src(%dma_wait3A_145 : memref<10000x128xf32, #tpu.memory_space<hbm>>) dst(%arg9 : memref<128x128xf32, #tpu.memory_space<vmem>>)
      %get3A_146 = arith.index_cast %scan3A_9 : i32 to index
      %get3A_147 = arith.constant 0 : index
      %get3A_148 = tpu.vector_load %arg6[%get3A_146, %get3A_147] {strides = array<i32>} : memref<79x128xi32, #tpu.memory_space<vmem>>, vector<1x16xi32>,
      %get3A_149 = vector.shape_cast %get3A_148 : vector<1x16xi32> to vector<16xi32>
      %shift_right_logical3A_150 = arith.constant 0 : i32
      %shift_right_logical3A_151 = vector.broadcast %shift_right_logical3A_150 : i32 to vector<16xi32>
      %shift_right_logical3A_152 = arith.shrui %get3A_149, %shift_right_logical3A_151 : vector<16xi32>
      %and3A_153 = arith.constant 16383 : i32
      %and3A_154 = vector.broadcast %and3A_153 : i32 to vector<16xi32>
      %and3A_155 = arith.andi %shift_right_logical3A_152, %and3A_154 : vector<16xi32>
      %swap3A_156 = arith.constant 0 : i32
      %swap3A_157 = arith.index_cast %swap3A_156 : i32 to index
      %swap3A_158 = arith.constant 0 : index
      %swap3A_159 = tpu.vector_load %arg8[%swap3A_157, %swap3A_158] {strides = array<i32>} : memref<1x128xi32, #tpu.memory_space<vmem>>, vector<1x16xi32>,
      %swap3A_160 = vector.shape_cast %swap3A_159 : vector<1x16xi32> to vector<16xi32>
      %swap3A_161 = vector.shape_cast %and3A_155 : vector<16xi32> to vector<1x16xi32>
      tpu.vector_store %arg8[%swap3A_157, %swap3A_158], %swap3A_161 {strides = array<i32>} : memref<1x128xi32, #tpu.memory_space<vmem>>, vector<1x16xi32>,
      %get3A_162 = arith.index_cast %scan3A_9 : i32 to index
      %get3A_163 = arith.constant 16 : index
      %get3A_164 = tpu.vector_load %arg6[%get3A_162, %get3A_163] {strides = array<i32>} : memref<79x128xi32, #tpu.memory_space<vmem>>, vector<1x16xi32>,
      %get3A_165 = vector.shape_cast %get3A_164 : vector<1x16xi32> to vector<16xi32>
      %shift_right_logical3A_166 = arith.constant 0 : i32
      %shift_right_logical3A_167 = vector.broadcast %shift_right_logical3A_166 : i32 to vector<16xi32>
      %shift_right_logical3A_168 = arith.shrui %get3A_165, %shift_right_logical3A_167 : vector<16xi32>
      %and3A_169 = arith.constant 16383 : i32
      %and3A_170 = vector.broadcast %and3A_169 : i32 to vector<16xi32>
      %and3A_171 = arith.andi %shift_right_logical3A_168, %and3A_170 : vector<16xi32>
      %swap3A_172 = arith.constant 0 : i32
      %swap3A_173 = arith.index_cast %swap3A_172 : i32 to index
      %swap3A_174 = arith.constant 16 : index
      %swap3A_175 = tpu.vector_load %arg8[%swap3A_173, %swap3A_174] {strides = array<i32>} : memref<1x128xi32, #tpu.memory_space<vmem>>, vector<1x16xi32>,
      %swap3A_176 = vector.shape_cast %swap3A_175 : vector<1x16xi32> to vector<16xi32>
      %swap3A_177 = vector.shape_cast %and3A_171 : vector<16xi32> to vector<1x16xi32>
      tpu.vector_store %arg8[%swap3A_173, %swap3A_174], %swap3A_177 {strides = array<i32>} : memref<1x128xi32, #tpu.memory_space<vmem>>, vector<1x16xi32>,
      %get3A_178 = arith.index_cast %scan3A_9 : i32 to index
      %get3A_179 = arith.constant 32 : index
      %get3A_180 = tpu.vector_load %arg6[%get3A_178, %get3A_179] {strides = array<i32>} : memref<79x128xi32, #tpu.memory_space<vmem>>, vector<1x16xi32>,
      %get3A_181 = vector.shape_cast %get3A_180 : vector<1x16xi32> to vector<16xi32>
      %shift_right_logical3A_182 = arith.constant 0 : i32
      %shift_right_logical3A_183 = vector.broadcast %shift_right_logical3A_182 : i32 to vector<16xi32>
      %shift_right_logical3A_184 = arith.shrui %get3A_181, %shift_right_logical3A_183 : vector<16xi32>
      %and3A_185 = arith.constant 16383 : i32
      %and3A_186 = vector.broadcast %and3A_185 : i32 to vector<16xi32>
      %and3A_187 = arith.andi %shift_right_logical3A_184, %and3A_186 : vector<16xi32>
      %swap3A_188 = arith.constant 0 : i32
      %swap3A_189 = arith.index_cast %swap3A_188 : i32 to index
      %swap3A_190 = arith.constant 32 : index
      %swap3A_191 = tpu.vector_load %arg8[%swap3A_189, %swap3A_190] {strides = array<i32>} : memref<1x128xi32, #tpu.memory_space<vmem>>, vector<1x16xi32>,
      %swap3A_192 = vector.shape_cast %swap3A_191 : vector<1x16xi32> to vector<16xi32>
      %swap3A_193 = vector.shape_cast %and3A_187 : vector<16xi32> to vector<1x16xi32>
      tpu.vector_store %arg8[%swap3A_189, %swap3A_190], %swap3A_193 {strides = array<i32>} : memref<1x128xi32, #tpu.memory_space<vmem>>, vector<1x16xi32>,
      %get3A_194 = arith.index_cast %scan3A_9 : i32 to index
      %get3A_195 = arith.constant 48 : index
      %get3A_196 = tpu.vector_load %arg6[%get3A_194, %get3A_195] {strides = array<i32>} : memref<79x128xi32, #tpu.memory_space<vmem>>, vector<1x16xi32>,
      %get3A_197 = vector.shape_cast %get3A_196 : vector<1x16xi32> to vector<16xi32>
      %shift_right_logical3A_198 = arith.constant 0 : i32
      %shift_right_logical3A_199 = vector.broadcast %shift_right_logical3A_198 : i32 to vector<16xi32>
      %shift_right_logical3A_200 = arith.shrui %get3A_197, %shift_right_logical3A_199 : vector<16xi32>
      %and3A_201 = arith.constant 16383 : i32
      %and3A_202 = vector.broadcast %and3A_201 : i32 to vector<16xi32>
      %and3A_203 = arith.andi %shift_right_logical3A_200, %and3A_202 : vector<16xi32>
      %swap3A_204 = arith.constant 0 : i32
      %swap3A_205 = arith.index_cast %swap3A_204 : i32 to index
      %swap3A_206 = arith.constant 48 : index
      %swap3A_207 = tpu.vector_load %arg8[%swap3A_205, %swap3A_206] {strides = array<i32>} : memref<1x128xi32, #tpu.memory_space<vmem>>, vector<1x16xi32>,
      %swap3A_208 = vector.shape_cast %swap3A_207 : vector<1x16xi32> to vector<16xi32>
      %swap3A_209 = vector.shape_cast %and3A_203 : vector<16xi32> to vector<1x16xi32>
      tpu.vector_store %arg8[%swap3A_205, %swap3A_206], %swap3A_209 {strides = array<i32>} : memref<1x128xi32, #tpu.memory_space<vmem>>, vector<1x16xi32>,
      %get3A_210 = arith.index_cast %scan3A_9 : i32 to index
      %get3A_211 = arith.constant 64 : index
      %get3A_212 = tpu.vector_load %arg6[%get3A_210, %get3A_211] {strides = array<i32>} : memref<79x128xi32, #tpu.memory_space<vmem>>, vector<1x16xi32>,
      %get3A_213 = vector.shape_cast %get3A_212 : vector<1x16xi32> to vector<16xi32>
      %shift_right_logical3A_214 = arith.constant 0 : i32
      %shift_right_logical3A_215 = vector.broadcast %shift_right_logical3A_214 : i32 to vector<16xi32>
      %shift_right_logical3A_216 = arith.shrui %get3A_213, %shift_right_logical3A_215 : vector<16xi32>
      %and3A_217 = arith.constant 16383 : i32
      %and3A_218 = vector.broadcast %and3A_217 : i32 to vector<16xi32>
      %and3A_219 = arith.andi %shift_right_logical3A_216, %and3A_218 : vector<16xi32>
      %swap3A_220 = arith.constant 0 : i32
      %swap3A_221 = arith.index_cast %swap3A_220 : i32 to index
      %swap3A_222 = arith.constant 64 : index
      %swap3A_223 = tpu.vector_load %arg8[%swap3A_221, %swap3A_222] {strides = array<i32>} : memref<1x128xi32, #tpu.memory_space<vmem>>, vector<1x16xi32>,
      %swap3A_224 = vector.shape_cast %swap3A_223 : vector<1x16xi32> to vector<16xi32>
      %swap3A_225 = vector.shape_cast %and3A_219 : vector<16xi32> to vector<1x16xi32>
      tpu.vector_store %arg8[%swap3A_221, %swap3A_222], %swap3A_225 {strides = array<i32>} : memref<1x128xi32, #tpu.memory_space<vmem>>, vector<1x16xi32>,
      %get3A_226 = arith.index_cast %scan3A_9 : i32 to index
      %get3A_227 = arith.constant 80 : index
      %get3A_228 = tpu.vector_load %arg6[%get3A_226, %get3A_227] {strides = array<i32>} : memref<79x128xi32, #tpu.memory_space<vmem>>, vector<1x16xi32>,
      %get3A_229 = vector.shape_cast %get3A_228 : vector<1x16xi32> to vector<16xi32>
      %shift_right_logical3A_230 = arith.constant 0 : i32
      %shift_right_logical3A_231 = vector.broadcast %shift_right_logical3A_230 : i32 to vector<16xi32>
      %shift_right_logical3A_232 = arith.shrui %get3A_229, %shift_right_logical3A_231 : vector<16xi32>
      %and3A_233 = arith.constant 16383 : i32
      %and3A_234 = vector.broadcast %and3A_233 : i32 to vector<16xi32>
      %and3A_235 = arith.andi %shift_right_logical3A_232, %and3A_234 : vector<16xi32>
      %swap3A_236 = arith.constant 0 : i32
      %swap3A_237 = arith.index_cast %swap3A_236 : i32 to index
      %swap3A_238 = arith.constant 80 : index
      %swap3A_239 = tpu.vector_load %arg8[%swap3A_237, %swap3A_238] {strides = array<i32>} : memref<1x128xi32, #tpu.memory_space<vmem>>, vector<1x16xi32>,
      %swap3A_240 = vector.shape_cast %swap3A_239 : vector<1x16xi32> to vector<16xi32>
      %swap3A_241 = vector.shape_cast %and3A_235 : vector<16xi32> to vector<1x16xi32>
      tpu.vector_store %arg8[%swap3A_237, %swap3A_238], %swap3A_241 {strides = array<i32>} : memref<1x128xi32, #tpu.memory_space<vmem>>, vector<1x16xi32>,
      %get3A_242 = arith.index_cast %scan3A_9 : i32 to index
      %get3A_243 = arith.constant 96 : index
      %get3A_244 = tpu.vector_load %arg6[%get3A_242, %get3A_243] {strides = array<i32>} : memref<79x128xi32, #tpu.memory_space<vmem>>, vector<1x16xi32>,
      %get3A_245 = vector.shape_cast %get3A_244 : vector<1x16xi32> to vector<16xi32>
      %shift_right_logical3A_246 = arith.constant 0 : i32
      %shift_right_logical3A_247 = vector.broadcast %shift_right_logical3A_246 : i32 to vector<16xi32>
      %shift_right_logical3A_248 = arith.shrui %get3A_245, %shift_right_logical3A_247 : vector<16xi32>
      %and3A_249 = arith.constant 16383 : i32
      %and3A_250 = vector.broadcast %and3A_249 : i32 to vector<16xi32>
      %and3A_251 = arith.andi %shift_right_logical3A_248, %and3A_250 : vector<16xi32>
      %swap3A_252 = arith.constant 0 : i32
      %swap3A_253 = arith.index_cast %swap3A_252 : i32 to index
      %swap3A_254 = arith.constant 96 : index
      %swap3A_255 = tpu.vector_load %arg8[%swap3A_253, %swap3A_254] {strides = array<i32>} : memref<1x128xi32, #tpu.memory_space<vmem>>, vector<1x16xi32>,
      %swap3A_256 = vector.shape_cast %swap3A_255 : vector<1x16xi32> to vector<16xi32>
      %swap3A_257 = vector.shape_cast %and3A_251 : vector<16xi32> to vector<1x16xi32>
      tpu.vector_store %arg8[%swap3A_253, %swap3A_254], %swap3A_257 {strides = array<i32>} : memref<1x128xi32, #tpu.memory_space<vmem>>, vector<1x16xi32>,
      %get3A_258 = arith.index_cast %scan3A_9 : i32 to index
      %get3A_259 = arith.constant 112 : index
      %get3A_260 = tpu.vector_load %arg6[%get3A_258, %get3A_259] {strides = array<i32>} : memref<79x128xi32, #tpu.memory_space<vmem>>, vector<1x16xi32>,
      %get3A_261 = vector.shape_cast %get3A_260 : vector<1x16xi32> to vector<16xi32>
      %shift_right_logical3A_262 = arith.constant 0 : i32
      %shift_right_logical3A_263 = vector.broadcast %shift_right_logical3A_262 : i32 to vector<16xi32>
      %shift_right_logical3A_264 = arith.shrui %get3A_261, %shift_right_logical3A_263 : vector<16xi32>
      %and3A_265 = arith.constant 16383 : i32
      %and3A_266 = vector.broadcast %and3A_265 : i32 to vector<16xi32>
      %and3A_267 = arith.andi %shift_right_logical3A_264, %and3A_266 : vector<16xi32>
      %swap3A_268 = arith.constant 0 : i32
      %swap3A_269 = arith.index_cast %swap3A_268 : i32 to index
      %swap3A_270 = arith.constant 112 : index
      %swap3A_271 = tpu.vector_load %arg8[%swap3A_269, %swap3A_270] {strides = array<i32>} : memref<1x128xi32, #tpu.memory_space<vmem>>, vector<1x16xi32>,
      %swap3A_272 = vector.shape_cast %swap3A_271 : vector<1x16xi32> to vector<16xi32>
      %swap3A_273 = vector.shape_cast %and3A_267 : vector<16xi32> to vector<1x16xi32>
      tpu.vector_store %arg8[%swap3A_269, %swap3A_270], %swap3A_273 {strides = array<i32>} : memref<1x128xi32, #tpu.memory_space<vmem>>, vector<1x16xi32>,
      %run_scoped3A = arith.constant 0 : i32
      "tpu.region"() ({
        %run_scoped3A_274 = tpu.sem_alloc : memref<!tpu.dma_semaphore, #tpu.memory_space<semaphore_mem>>
        %dma_start3A_275 = arith.constant 0 : i32
        %dma_start3A_276 = tpu.memref_slice %arg8[%run_scoped3A, %dma_start3A_275] : memref<1x128xi32, #tpu.memory_space<vmem>> -> memref<1x128xi32, #tpu.memory_space<vmem>>
        %dma_start3A_277 = tpu.memref_squeeze %dma_start3A_276 : memref<1x128xi32, #tpu.memory_space<vmem>> -> memref<128xi32, #tpu.memory_space<vmem>>
        %dma_start3A_278 = arith.constant 0 : i32
        %dma_start3A_279 = arith.constant 0 : i32
        %dma_start3A_280 = tpu.memref_slice %arg10[%dma_start3A_278, %dma_start3A_279] : memref<10112x128xf32, #tpu.memory_space<vmem_shared>> -> memref<10112x128xf32, #tpu.memory_space<vmem_shared>>
        tpu.enqueue_indirect_dma source(%arg9 : memref<128x128xf32, #tpu.memory_space<vmem>>) target(%dma_start3A_280 : memref<10112x128xf32, #tpu.memory_space<vmem_shared>>) offsets(%dma_start3A_277 : memref<128xi32, #tpu.memory_space<vmem>>) semaphore(%run_scoped3A_274 : memref<!tpu.dma_semaphore, #tpu.memory_space<semaphore_mem>>) {add = true}
        %dma_wait3A_281 = arith.constant 0 : i32
        %dma_wait3A_282 = tpu.memref_slice %arg8[%run_scoped3A, %dma_wait3A_281] : memref<1x128xi32, #tpu.memory_space<vmem>> -> memref<1x128xi32, #tpu.memory_space<vmem>>
        %dma_wait3A_283 = tpu.memref_squeeze %dma_wait3A_282 : memref<1x128xi32, #tpu.memory_space<vmem>> -> memref<128xi32, #tpu.memory_space<vmem>>
        %dma_wait3A_284 = arith.constant 0 : i32
        %dma_wait3A_285 = arith.constant 0 : i32
        %dma_wait3A_286 = tpu.memref_slice %arg10[%dma_wait3A_284, %dma_wait3A_285] : memref<10112x128xf32, #tpu.memory_space<vmem_shared>> -> memref<10112x128xf32, #tpu.memory_space<vmem_shared>>
        tpu.wait_indirect_dma semaphore(%run_scoped3A_274 : memref<!tpu.dma_semaphore, #tpu.memory_space<semaphore_mem>>) src(%arg9 : memref<128x128xf32, #tpu.memory_space<vmem>>) dst(%dma_wait3A_286 : memref<10112x128xf32, #tpu.memory_space<vmem_shared>>)
        tpu.yield
      }) : () -> ()
    }
    %scan3A_7 = arith.constant 79 : i32
    %barrier3A_8 = arith.constant 0 : index
    tpu.barrier barrier_id(%barrier3A_8)
    "tpu.region"() ({
      %run_scoped3A = tpu.sem_alloc : memref<!tpu.dma_semaphore, #tpu.memory_space<semaphore_mem>>
      %dma_start3A = arith.constant 0 : i32
      %dma_start3A_9 = tpu.memref_slice %arg5[%arg0, %mul3A_2, %dma_start3A] : memref<2x10112x128xf32, #tpu.memory_space<hbm>> -> memref<1x632x128xf32, #tpu.memory_space<hbm>>
      %dma_start3A_10 = tpu.memref_squeeze %dma_start3A_9 : memref<1x632x128xf32, #tpu.memory_space<hbm>> -> memref<632x128xf32, #tpu.memory_space<hbm>>
      %dma_start3A_11 = arith.constant 0 : i32
      %dma_start3A_12 = tpu.memref_slice %arg10[%mul3A_2, %dma_start3A_11] : memref<10112x128xf32, #tpu.memory_space<vmem_shared>> -> memref<632x128xf32, #tpu.memory_space<vmem_shared>>
      tpu.enqueue_dma source(%dma_start3A_12 : memref<632x128xf32, #tpu.memory_space<vmem_shared>>) target(%dma_start3A_10 : memref<632x128xf32, #tpu.memory_space<hbm>>) target_semaphore(%run_scoped3A : memref<!tpu.dma_semaphore, #tpu.memory_space<semaphore_mem>>)
      %dma_wait3A = arith.constant 0 : i32
      %dma_wait3A_13 = tpu.memref_slice %arg5[%arg0, %mul3A_2, %dma_wait3A] : memref<2x10112x128xf32, #tpu.memory_space<hbm>> -> memref<1x632x128xf32, #tpu.memory_space<hbm>>
      %dma_wait3A_14 = tpu.memref_squeeze %dma_wait3A_13 : memref<1x632x128xf32, #tpu.memory_space<hbm>> -> memref<632x128xf32, #tpu.memory_space<hbm>>
      %dma_wait3A_15 = arith.constant 0 : i32
      %dma_wait3A_16 = tpu.memref_slice %arg10[%mul3A_2, %dma_wait3A_15] : memref<10112x128xf32, #tpu.memory_space<vmem_shared>> -> memref<632x128xf32, #tpu.memory_space<vmem_shared>>
      tpu.wait_dma2 semaphore(%run_scoped3A : memref<!tpu.dma_semaphore, #tpu.memory_space<semaphore_mem>>) src(%dma_wait3A_16 : memref<632x128xf32, #tpu.memory_space<vmem_shared>>) dst(%dma_wait3A_14 : memref<632x128xf32, #tpu.memory_space<hbm>>)
      tpu.yield
    }) : () -> ()
    return
  }
}

module attributes {stable_mosaic.version = 14 : i64} {
  func.func @_tc_prep_body(%arg0: i32, %arg1: memref<1000x128xf32, #tpu.memory_space<vmem>>, %arg2: memref<1000x128xf32, #tpu.memory_space<vmem>>, %arg3: memref<1000x128xf32, #tpu.memory_space<vmem>>, %arg4: memref<1000x128xf32, #tpu.memory_space<vmem>>, %arg5: memref<1000x128xf32, #tpu.memory_space<vmem>>) attributes {dimension_semantics = [#tpu.dimension_semantics<arbitrary>], iteration_bounds = array<i64: 10>, scalar_prefetch = 0 : i64, scratch_operands = 0 : i64, tpu.core_type = #tpu.core_type<tc>, window_params = [{transform_indices = @transform_0, window_bounds = array<i64: 1000, 128>}, {transform_indices = @transform_1, window_bounds = array<i64: 1000, 128>}, {transform_indices = @transform_2, window_bounds = array<i64: 1000, 128>}, {transform_indices = @transform_3, window_bounds = array<i64: 1000, 128>}, {transform_indices = @transform_4, window_bounds = array<i64: 1000, 128>}]} {
    %get3A = arith.constant 0 : index
    %get3A_0 = arith.constant 0 : index
    %get3A_1 = vector.load %arg2[%get3A, %get3A_0] : memref<1000x128xf32, #tpu.memory_space<vmem>>, vector<1000x1xf32>
    %get3A_2 = arith.constant 0 : index
    %get3A_3 = arith.constant 0 : index
    %get3A_4 = vector.load %arg3[%get3A_2, %get3A_3] : memref<1000x128xf32, #tpu.memory_space<vmem>>, vector<1000x1xf32>
    %add3A = arith.addf %get3A_1, %get3A_4 : vector<1000x1xf32>
    %gt3A = arith.constant 0.000000e+00 : f32
    %gt3A_5 = vector.broadcast %gt3A : f32 to vector<1000x1xf32>
    %gt3A_6 = arith.cmpf ogt, %add3A, %gt3A_5 : vector<1000x1xf32>
    %rsqrt3A = math.rsqrt %add3A : vector<1000x1xf32>
    %jit3A = arith.constant 0.000000e+00 : f32
    %broadcast_in_dim3A = vector.broadcast %jit3A : f32 to vector<1000x1xf32>
    %select_n3A = arith.select %gt3A_6, %rsqrt3A, %broadcast_in_dim3A : vector<1000x1xi1>, vector<1000x1xf32>
    %broadcast_in_dim3A_7 = vector.shape_cast %select_n3A : vector<1000x1xf32> to vector<1000x1xf32>
    %broadcast_in_dim3A_8 = vector.broadcast %broadcast_in_dim3A_7 : vector<1000x1xf32> to vector<1000x128xf32>
    %swap3A = arith.constant 0 : index
    %swap3A_9 = arith.constant 0 : index
    %swap3A_10 = vector.load %arg5[%swap3A, %swap3A_9] : memref<1000x128xf32, #tpu.memory_space<vmem>>, vector<1000x128xf32>
    tpu.vector_store %arg5[%swap3A, %swap3A_9], %broadcast_in_dim3A_8 {strides = array<i32>} : memref<1000x128xf32, #tpu.memory_space<vmem>>, vector<1000x128xf32>,
    %get3A_11 = arith.constant 0 : index
    %get3A_12 = arith.constant 0 : index
    %get3A_13 = vector.load %arg1[%get3A_11, %get3A_12] : memref<1000x128xf32, #tpu.memory_space<vmem>>, vector<1000x128xf32>
    %mul3A = arith.mulf %get3A_13, %broadcast_in_dim3A_8 : vector<1000x128xf32>
    %swap3A_14 = arith.constant 0 : index
    %swap3A_15 = arith.constant 0 : index
    %swap3A_16 = vector.load %arg4[%swap3A_14, %swap3A_15] : memref<1000x128xf32, #tpu.memory_space<vmem>>, vector<1000x128xf32>
    tpu.vector_store %arg4[%swap3A_14, %swap3A_15], %mul3A {strides = array<i32>} : memref<1000x128xf32, #tpu.memory_space<vmem>>, vector<1000x128xf32>,
    return
  }
  func.func @transform_0(%arg0: i32) -> (i32, i32) {
    %c0_i32 = arith.constant 0 : i32
    %c0_i32_0 = arith.constant 0 : i32
    return %arg0, %c0_i32 : i32, i32
  }
  func.func @transform_1(%arg0: i32) -> (i32, i32) {
    %c0_i32 = arith.constant 0 : i32
    %c0_i32_0 = arith.constant 0 : i32
    return %arg0, %c0_i32 : i32, i32
  }
  func.func @transform_2(%arg0: i32) -> (i32, i32) {
    %c0_i32 = arith.constant 0 : i32
    %c0_i32_0 = arith.constant 0 : i32
    return %arg0, %c0_i32 : i32, i32
  }
  func.func @transform_3(%arg0: i32) -> (i32, i32) {
    %c0_i32 = arith.constant 0 : i32
    %c0_i32_0 = arith.constant 0 : i32
    return %arg0, %c0_i32 : i32, i32
  }
  func.func @transform_4(%arg0: i32) -> (i32, i32) {
    %c0_i32 = arith.constant 0 : i32
    %c0_i32_0 = arith.constant 0 : i32
    return %arg0, %c0_i32 : i32, i32
  }
}

module attributes {stable_mosaic.version = 14 : i64} {
  func.func @_tc_g_body(%arg0: i32, %arg1: memref<1000x128xf32, #tpu.memory_space<vmem>>, %arg2: memref<1000x128xf32, #tpu.memory_space<vmem>>, %arg3: memref<1000x128xf32, #tpu.memory_space<vmem>>, %arg4: memref<1000x128xf32, #tpu.memory_space<vmem>>) attributes {dimension_semantics = [#tpu.dimension_semantics<arbitrary>], iteration_bounds = array<i64: 10>, scalar_prefetch = 0 : i64, scratch_operands = 0 : i64, tpu.core_type = #tpu.core_type<tc>, window_params = [{transform_indices = @transform_0, window_bounds = array<i64: 1000, 128>}, {transform_indices = @transform_1, window_bounds = array<i64: 1000, 128>}, {transform_indices = @transform_2, window_bounds = array<i64: 1000, 128>}, {transform_indices = @transform_3, window_bounds = array<i64: 1000, 128>}]} {
    %get3A = arith.constant 0 : index
    %get3A_0 = arith.constant 0 : index
    %get3A_1 = vector.load %arg3[%get3A, %get3A_0] : memref<1000x128xf32, #tpu.memory_space<vmem>>, vector<1000x128xf32>
    %get3A_2 = arith.constant 0 : index
    %get3A_3 = arith.constant 0 : index
    %get3A_4 = vector.load %arg1[%get3A_2, %get3A_3] : memref<1000x128xf32, #tpu.memory_space<vmem>>, vector<1000x128xf32>
    %get3A_5 = arith.constant 0 : index
    %get3A_6 = arith.constant 0 : index
    %get3A_7 = vector.load %arg2[%get3A_5, %get3A_6] : memref<1000x128xf32, #tpu.memory_space<vmem>>, vector<1000x128xf32>
    %add3A = arith.addf %get3A_4, %get3A_7 : vector<1000x128xf32>
    %mul3A = arith.mulf %add3A, %get3A_1 : vector<1000x128xf32>
    %mul3A_8 = arith.mulf %mul3A, %get3A_1 : vector<1000x128xf32>
    %swap3A = arith.constant 0 : index
    %swap3A_9 = arith.constant 0 : index
    %swap3A_10 = vector.load %arg4[%swap3A, %swap3A_9] : memref<1000x128xf32, #tpu.memory_space<vmem>>, vector<1000x128xf32>
    tpu.vector_store %arg4[%swap3A, %swap3A_9], %mul3A_8 {strides = array<i32>} : memref<1000x128xf32, #tpu.memory_space<vmem>>, vector<1000x128xf32>,
    return
  }
  func.func @transform_0(%arg0: i32) -> (i32, i32) {
    %c0_i32 = arith.constant 0 : i32
    %c0_i32_0 = arith.constant 0 : i32
    return %arg0, %c0_i32 : i32, i32
  }
  func.func @transform_1(%arg0: i32) -> (i32, i32) {
    %c0_i32 = arith.constant 0 : i32
    %c0_i32_0 = arith.constant 0 : i32
    return %arg0, %c0_i32 : i32, i32
  }
  func.func @transform_2(%arg0: i32) -> (i32, i32) {
    %c0_i32 = arith.constant 0 : i32
    %c0_i32_0 = arith.constant 0 : i32
    return %arg0, %c0_i32 : i32, i32
  }
  func.func @transform_3(%arg0: i32) -> (i32, i32) {
    %c0_i32 = arith.constant 0 : i32
    %c0_i32_0 = arith.constant 0 : i32
    return %arg0, %c0_i32 : i32, i32
  }
}

module attributes {stable_mosaic.version = 14 : i64} {
  func.func @_tc_w0_body(%arg0: i32, %arg1: memref<1000x128xf32, #tpu.memory_space<vmem>>, %arg2: memref<128x128xf32, #tpu.memory_space<vmem>>, %arg3: memref<1000x128xf32, #tpu.memory_space<vmem>>) attributes {dimension_semantics = [#tpu.dimension_semantics<arbitrary>], iteration_bounds = array<i64: 10>, scalar_prefetch = 0 : i64, scratch_operands = 0 : i64, tpu.core_type = #tpu.core_type<tc>, window_params = [{transform_indices = @transform_0, window_bounds = array<i64: 1000, 128>}, {pipeline_mode = #tpu.pipeline_mode<synchronous>, transform_indices = @transform_1, window_bounds = array<i64: 128, 128>}, {transform_indices = @transform_2, window_bounds = array<i64: 1000, 128>}]} {
    %get3A = arith.constant 0 : index
    %get3A_0 = arith.constant 0 : index
    %get3A_1 = vector.load %arg1[%get3A, %get3A_0] : memref<1000x128xf32, #tpu.memory_space<vmem>>, vector<1000x128xf32>
    %get3A_2 = arith.constant 0 : index
    %get3A_3 = arith.constant 0 : index
    %get3A_4 = vector.load %arg2[%get3A_2, %get3A_3] : memref<128x128xf32, #tpu.memory_space<vmem>>, vector<128x128xf32>
    %dot_general3A = arith.constant dense<0.000000e+00> : vector<1000x128xf32>
    %dot_general3A_5 = tpu.matmul %get3A_1, %get3A_4, %dot_general3A {dimension_numbers = #tpu.dot_dimension_numbers<[1], [0], [0], [1], [0, 0, 1, 1], [], []>, transpose_lhs_hint = false} : vector<1000x128xf32>, vector<128x128xf32>, vector<1000x128xf32> -> vector<1000x128xf32>
    %swap3A = arith.constant 0 : index
    %swap3A_6 = arith.constant 0 : index
    %swap3A_7 = vector.load %arg3[%swap3A, %swap3A_6] : memref<1000x128xf32, #tpu.memory_space<vmem>>, vector<1000x128xf32>
    tpu.vector_store %arg3[%swap3A, %swap3A_6], %dot_general3A_5 {strides = array<i32>} : memref<1000x128xf32, #tpu.memory_space<vmem>>, vector<1000x128xf32>,
    return
  }
  func.func @transform_0(%arg0: i32) -> (i32, i32) {
    %c0_i32 = arith.constant 0 : i32
    %c0_i32_0 = arith.constant 0 : i32
    return %arg0, %c0_i32 : i32, i32
  }
  func.func @transform_1(%arg0: i32) -> (i32, i32) {
    %c0_i32 = arith.constant 0 : i32
    %c0_i32_0 = arith.constant 0 : i32
    %c0_i32_1 = arith.constant 0 : i32
    return %c0_i32, %c0_i32_0 : i32, i32
  }
  func.func @transform_2(%arg0: i32) -> (i32, i32) {
    %c0_i32 = arith.constant 0 : i32
    %c0_i32_0 = arith.constant 0 : i32
    return %arg0, %c0_i32 : i32, i32
  }
}

module attributes {stable_mosaic.version = 14 : i64} {
  func.func @_tc_final_body(%arg0: i32, %arg1: memref<1000x128xf32, #tpu.memory_space<vmem>>, %arg2: memref<1000x128xf32, #tpu.memory_space<vmem>>, %arg3: memref<1000x128xf32, #tpu.memory_space<vmem>>, %arg4: memref<128x128xf32, #tpu.memory_space<vmem>>, %arg5: memref<1000x128xf32, #tpu.memory_space<vmem>>, %arg6: memref<1x128xf32, #tpu.memory_space<vmem>>, %arg7: memref<1000x128xf32, #tpu.memory_space<vmem>>) attributes {dimension_semantics = [#tpu.dimension_semantics<arbitrary>], iteration_bounds = array<i64: 10>, scalar_prefetch = 0 : i64, scratch_operands = 0 : i64, tpu.core_type = #tpu.core_type<tc>, window_params = [{transform_indices = @transform_0, window_bounds = array<i64: 1000, 128>}, {transform_indices = @transform_1, window_bounds = array<i64: 1000, 128>}, {transform_indices = @transform_2, window_bounds = array<i64: 1000, 128>}, {pipeline_mode = #tpu.pipeline_mode<synchronous>, transform_indices = @transform_3, window_bounds = array<i64: 128, 128>}, {transform_indices = @transform_4, window_bounds = array<i64: 1000, 128>}, {pipeline_mode = #tpu.pipeline_mode<synchronous>, transform_indices = @transform_5, window_bounds = array<i64: 1, 128>}, {transform_indices = @transform_6, window_bounds = array<i64: 1000, 128>}]} {
    %get3A = arith.constant 0 : index
    %get3A_0 = arith.constant 0 : index
    %get3A_1 = vector.load %arg1[%get3A, %get3A_0] : memref<1000x128xf32, #tpu.memory_space<vmem>>, vector<1000x128xf32>
    %get3A_2 = arith.constant 0 : index
    %get3A_3 = arith.constant 0 : index
    %get3A_4 = vector.load %arg2[%get3A_2, %get3A_3] : memref<1000x128xf32, #tpu.memory_space<vmem>>, vector<1000x128xf32>
    %add3A = arith.addf %get3A_1, %get3A_4 : vector<1000x128xf32>
    %get3A_5 = arith.constant 0 : index
    %get3A_6 = arith.constant 0 : index
    %get3A_7 = vector.load %arg3[%get3A_5, %get3A_6] : memref<1000x128xf32, #tpu.memory_space<vmem>>, vector<1000x128xf32>
    %mul3A = arith.mulf %add3A, %get3A_7 : vector<1000x128xf32>
    %get3A_8 = arith.constant 0 : index
    %get3A_9 = arith.constant 0 : index
    %get3A_10 = vector.load %arg5[%get3A_8, %get3A_9] : memref<1000x128xf32, #tpu.memory_space<vmem>>, vector<1000x128xf32>
    %get3A_11 = arith.constant 0 : index
    %get3A_12 = arith.constant 0 : index
    %get3A_13 = vector.load %arg4[%get3A_11, %get3A_12] : memref<128x128xf32, #tpu.memory_space<vmem>>, vector<128x128xf32>
    %dot_general3A = arith.constant dense<0.000000e+00> : vector<1000x128xf32>
    %dot_general3A_14 = tpu.matmul %mul3A, %get3A_13, %dot_general3A {dimension_numbers = #tpu.dot_dimension_numbers<[1], [0], [0], [1], [0, 0, 1, 1], [], []>, transpose_lhs_hint = false} : vector<1000x128xf32>, vector<128x128xf32>, vector<1000x128xf32> -> vector<1000x128xf32>
    %add3A_15 = arith.addf %get3A_10, %dot_general3A_14 : vector<1000x128xf32>
    %get3A_16 = arith.constant 0 : index
    %get3A_17 = arith.constant 0 : index
    %get3A_18 = vector.load %arg6[%get3A_16, %get3A_17] : memref<1x128xf32, #tpu.memory_space<vmem>>, vector<1x128xf32>
    %add3A_19 = vector.broadcast %get3A_18 : vector<1x128xf32> to vector<1000x128xf32>
    %add3A_20 = arith.addf %add3A_15, %add3A_19 : vector<1000x128xf32>
    %max3A = arith.constant 0.000000e+00 : f32
    %max3A_21 = vector.broadcast %max3A : f32 to vector<1000x128xf32>
    %max3A_22 = arith.maximumf %add3A_20, %max3A_21 : vector<1000x128xf32>
    %swap3A = arith.constant 0 : index
    %swap3A_23 = arith.constant 0 : index
    %swap3A_24 = vector.load %arg7[%swap3A, %swap3A_23] : memref<1000x128xf32, #tpu.memory_space<vmem>>, vector<1000x128xf32>
    tpu.vector_store %arg7[%swap3A, %swap3A_23], %max3A_22 {strides = array<i32>} : memref<1000x128xf32, #tpu.memory_space<vmem>>, vector<1000x128xf32>,
    return
  }
  func.func @transform_0(%arg0: i32) -> (i32, i32) {
    %c0_i32 = arith.constant 0 : i32
    %c0_i32_0 = arith.constant 0 : i32
    return %arg0, %c0_i32 : i32, i32
  }
  func.func @transform_1(%arg0: i32) -> (i32, i32) {
    %c0_i32 = arith.constant 0 : i32
    %c0_i32_0 = arith.constant 0 : i32
    return %arg0, %c0_i32 : i32, i32
  }
  func.func @transform_2(%arg0: i32) -> (i32, i32) {
    %c0_i32 = arith.constant 0 : i32
    %c0_i32_0 = arith.constant 0 : i32
    return %arg0, %c0_i32 : i32, i32
  }
  func.func @transform_3(%arg0: i32) -> (i32, i32) {
    %c0_i32 = arith.constant 0 : i32
    %c0_i32_0 = arith.constant 0 : i32
    %c0_i32_1 = arith.constant 0 : i32
    return %c0_i32, %c0_i32_0 : i32, i32
  }
  func.func @transform_4(%arg0: i32) -> (i32, i32) {
    %c0_i32 = arith.constant 0 : i32
    %c0_i32_0 = arith.constant 0 : i32
    return %arg0, %c0_i32 : i32, i32
  }
  func.func @transform_5(%arg0: i32) -> (i32, i32) {
    %c0_i32 = arith.constant 0 : i32
    %c0_i32_0 = arith.constant 0 : i32
    %c0_i32_1 = arith.constant 0 : i32
    return %c0_i32, %c0_i32_0 : i32, i32
  }
  func.func @transform_6(%arg0: i32) -> (i32, i32) {
    %c0_i32 = arith.constant 0 : i32
    %c0_i32_0 = arith.constant 0 : i32
    return %arg0, %c0_i32 : i32, i32
  }
}

module attributes {stable_mosaic.version = 14 : i64} {
  func.func @_tc_acc_body(%arg0: i32, %arg1: memref<1000x128xf32, #tpu.memory_space<vmem>>, %arg2: memref<1000x128xf32, #tpu.memory_space<vmem>>, %arg3: memref<1000x128xf32, #tpu.memory_space<vmem>>, %arg4: memref<128x128xf32, #tpu.memory_space<vmem>>, %arg5: memref<1000x128xf32, #tpu.memory_space<vmem>>, %arg6: memref<1000x128xf32, #tpu.memory_space<vmem>>) attributes {dimension_semantics = [#tpu.dimension_semantics<arbitrary>], iteration_bounds = array<i64: 10>, scalar_prefetch = 0 : i64, scratch_operands = 0 : i64, tpu.core_type = #tpu.core_type<tc>, window_params = [{transform_indices = @transform_0, window_bounds = array<i64: 1000, 128>}, {transform_indices = @transform_1, window_bounds = array<i64: 1000, 128>}, {transform_indices = @transform_2, window_bounds = array<i64: 1000, 128>}, {pipeline_mode = #tpu.pipeline_mode<synchronous>, transform_indices = @transform_3, window_bounds = array<i64: 128, 128>}, {transform_indices = @transform_4, window_bounds = array<i64: 1000, 128>}, {transform_indices = @transform_5, window_bounds = array<i64: 1000, 128>}]} {
    %get3A = arith.constant 0 : index
    %get3A_0 = arith.constant 0 : index
    %get3A_1 = vector.load %arg1[%get3A, %get3A_0] : memref<1000x128xf32, #tpu.memory_space<vmem>>, vector<1000x128xf32>
    %get3A_2 = arith.constant 0 : index
    %get3A_3 = arith.constant 0 : index
    %get3A_4 = vector.load %arg2[%get3A_2, %get3A_3] : memref<1000x128xf32, #tpu.memory_space<vmem>>, vector<1000x128xf32>
    %add3A = arith.addf %get3A_1, %get3A_4 : vector<1000x128xf32>
    %get3A_5 = arith.constant 0 : index
    %get3A_6 = arith.constant 0 : index
    %get3A_7 = vector.load %arg3[%get3A_5, %get3A_6] : memref<1000x128xf32, #tpu.memory_space<vmem>>, vector<1000x128xf32>
    %mul3A = arith.mulf %add3A, %get3A_7 : vector<1000x128xf32>
    %get3A_8 = arith.constant 0 : index
    %get3A_9 = arith.constant 0 : index
    %get3A_10 = vector.load %arg5[%get3A_8, %get3A_9] : memref<1000x128xf32, #tpu.memory_space<vmem>>, vector<1000x128xf32>
    %get3A_11 = arith.constant 0 : index
    %get3A_12 = arith.constant 0 : index
    %get3A_13 = vector.load %arg4[%get3A_11, %get3A_12] : memref<128x128xf32, #tpu.memory_space<vmem>>, vector<128x128xf32>
    %dot_general3A = arith.constant dense<0.000000e+00> : vector<1000x128xf32>
    %dot_general3A_14 = tpu.matmul %mul3A, %get3A_13, %dot_general3A {dimension_numbers = #tpu.dot_dimension_numbers<[1], [0], [0], [1], [0, 0, 1, 1], [], []>, transpose_lhs_hint = false} : vector<1000x128xf32>, vector<128x128xf32>, vector<1000x128xf32> -> vector<1000x128xf32>
    %add3A_15 = arith.addf %get3A_10, %dot_general3A_14 : vector<1000x128xf32>
    %swap3A = arith.constant 0 : index
    %swap3A_16 = arith.constant 0 : index
    %swap3A_17 = vector.load %arg6[%swap3A, %swap3A_16] : memref<1000x128xf32, #tpu.memory_space<vmem>>, vector<1000x128xf32>
    tpu.vector_store %arg6[%swap3A, %swap3A_16], %add3A_15 {strides = array<i32>} : memref<1000x128xf32, #tpu.memory_space<vmem>>, vector<1000x128xf32>,
    return
  }
  func.func @transform_0(%arg0: i32) -> (i32, i32) {
    %c0_i32 = arith.constant 0 : i32
    %c0_i32_0 = arith.constant 0 : i32
    return %arg0, %c0_i32 : i32, i32
  }
  func.func @transform_1(%arg0: i32) -> (i32, i32) {
    %c0_i32 = arith.constant 0 : i32
    %c0_i32_0 = arith.constant 0 : i32
    return %arg0, %c0_i32 : i32, i32
  }
  func.func @transform_2(%arg0: i32) -> (i32, i32) {
    %c0_i32 = arith.constant 0 : i32
    %c0_i32_0 = arith.constant 0 : i32
    return %arg0, %c0_i32 : i32, i32
  }
  func.func @transform_3(%arg0: i32) -> (i32, i32) {
    %c0_i32 = arith.constant 0 : i32
    %c0_i32_0 = arith.constant 0 : i32
    %c0_i32_1 = arith.constant 0 : i32
    return %c0_i32, %c0_i32_0 : i32, i32
  }
  func.func @transform_4(%arg0: i32) -> (i32, i32) {
    %c0_i32 = arith.constant 0 : i32
    %c0_i32_0 = arith.constant 0 : i32
    return %arg0, %c0_i32 : i32, i32
  }
  func.func @transform_5(%arg0: i32) -> (i32, i32) {
    %c0_i32 = arith.constant 0 : i32
    %c0_i32_0 = arith.constant 0 : i32
    return %arg0, %c0_i32 : i32, i32
  }
}

</mosaic_0001>

<sc_bundles>
// kernel: kernel.13.cloned.1.call-start
scs
__scs_entry_jumppad:
0x0: {  	(pc) =	sbr.rel $0x88, $3  }
0x1: {  	(tag) =	ssettag $0x0;
	lr =	simm.s32 $0x1  }
0x2: {  	[smem:$0x3F9D] =	sst lr;
	_ =	strace $0xD0000000  }
0x3: {  	_ = 	snop  }
0x4: {  	_ = 	snop  }
0x5: {  	_ = 	snop  }
0x6: {  	_ = 	snop  }
0x7: {  	_ = 	snop  }
__scs_overlays_trampoline_lowered:
0x8: {  	[smem:$0x3FAC] =	sst s0  }
0x9: {  	[smem:$0x3FAD] =	sst s1  }
0xa: {  	[smem:$0x3FAE] =	sst s2  }
0xb: {  	[smem:$0x3FAF] =	sst s3  }
0xc: {  	[smem:$0x3FB0] =	sst s4  }
0xd: {  	[smem:$0x3FB1] =	sst s5  }
0xe: {  	[smem:$0x3FB2] =	sst s6  }
0xf: {  	[smem:$0x3FB3] =	sst s7  }
0x10: {  	[smem:$0x3FB4] =	sst s8  }
0x11: {  	[smem:$0x3FB5] =	sst s9;
	s0 =	simm.s32 @!p0 $0x0  }
0x12: {  	s1 =	sld [smem:$0x3F9B];
	s0 =	simm.s32 @p0 $0x1  }
0x13: {  	[smem:$0x3FB6] =	sst s0;
	s0 =	simm.s32 @!p1 $0x0  }
0x14: {  	s2 =	sld [smem:$0x3F9A];
	s0 =	simm.s32 @p1 $0x1  }
0x15: {  	[smem:$0x3FB7] =	sst s0;
	s0 =	simm.s32 @!p2 $0x0  }
0x16: {  	s3 =	sld [smem:$0x3FDB];
	s0 =	simm.s32 @p2 $0x1  }
0x17: {  	s4 =	simm.s32 $0x1BF5;
	[smem:$0x3FB9] =	sst s0  }
0x18: {  	s0 =	sld [smem:$0x3F9C];
	_ =	swait.ge [sflag:s4], $0x0  }
0x19: {  	s7 =	sld [smem:$0x3F9D]  }
0x1a: {  	s8 =	sadd.s32 $0xFFFFE003, lr  }
0x1b: {  	s9 =	sadd.s32 $0xFFFFFEF7, lr;
	s5 =	simm.s32 $0xFFFFFFFF;
	p2 =	slt.u32 s8, $0xFFFFF086  }
0x1c: {  	p1 =	slt.u32 s9, $0xF7A;
	s5 =	simm.s32 @!p2 $0x0  }
0x1d: {  	s5 =	simm.s32 @p1 $0x1;
	p0 =	seq.s32 s7, s2  }
0x1e: {  	s7 =	smul.u32 @!p0 $0xF7A, s2;
	p2 =	seq.s32 @!p0 s5, $0x0  }
0x1f: {  	s9 =	smul.u32 $0xF7A, s1;
	s8 =	simm.s32 @!p0 $0x1BF5;
	p2 =	por !p2, p0  }
0x20: {  	[sflag:s8] =	ssyncset.s32 @!p0 $0xFFFFF086;
	s6 =	sadd.s32 @!p0 s3, s7;
	s7 =	simm.s32 @!p0 $0x108  }
0x21: {  	s3 =	sadd.s32 s3, s9;
	s6 =	sadd.s32 @!p0 $0x88, s6;
	s7 =	simm.s32 @p2 $0x1082  }
0x22: {  	[simem:s7], [sflag:s8] =	dma.local @!p0 [hbm:s6], $0xF7A  }
0x23: {  	s9 =	sor.u32 $0xD0000000, s2;
	s6 =	simm.s32 $0x108;
	_ =	swait.ge @!p0 [sflag:s8], $0x0  }
0x24: {  	s3 =	sadd.s32 $0x88, s3;
	s6 =	simm.s32 @!p1 $0x1082;
	[sflag:s4] =	ssyncset.s32 $0xFFFFF086  }
0x25: {  	[simem:s6], [sflag:s4] =	dma.local [hbm:s3], $0xF7A  }
0x26: {  	[smem:$0x3F9D] =	sst s1;
	(tag) =	ssettag s2;
	_ =	strace s9  }
0x27: {  	s1 =	sld [smem:$0x3FAD]  }
0x28: {  	s2 =	sld [smem:$0x3FAE]  }
0x29: {  	s4 =	sld [smem:$0x3FB0]  }
0x2a: {  	p0 =	seq.s32 s5, $0x0;
	s5 =	sld [smem:$0x3FB1]  }
0x2b: {  	s6 =	sld [smem:$0x3FB2]  }
0x2c: {  	s7 =	sld [smem:$0x3FB3]  }
0x2d: {  	s3 =	simm.s32 $0x108;
	s8 =	sld [smem:$0x3FB4]  }
0x2e: {  	s3 =	simm.s32 @!p0 $0x1082;
	s9 =	sld [smem:$0x3FB5]  }
0x2f: {  	lr =	sadd.s32 s0, s3;
	s0 =	sld [smem:$0x3FAC]  }
0x30: {  	s3 =	sld [smem:$0x3FAF]  }
0x31: {  	[smem:$0x3FB8] =	sst s10  }
0x32: {  	s10 =	sld [smem:$0x3FB6];
	_ =	sdelay $0x3  }
0x33: {  	p0 =	seq.s32 s10, $0x1;
	s10 =	sld [smem:$0x3FB8];
	_ =	sdelay $0x3  }
0x34: {  	[smem:$0x3FB8] =	sst s10  }
0x35: {  	s10 =	sld [smem:$0x3FB7];
	_ =	sdelay $0x3  }
0x36: {  	p1 =	seq.s32 s10, $0x1;
	s10 =	sld [smem:$0x3FB8];
	_ =	sdelay $0x3  }
0x37: {  	[smem:$0x3FB8] =	sst s10  }
0x38: {  	s10 =	sld [smem:$0x3FB9]  }
0x39: {  	_ = 	snop;
	(pc) =	sbr.ind lr, $3  }
0x3a: {  	_ = 	snop  }
0x3b: {  	_ = 	snop  }
0x3c: {  	p2 =	seq.s32 s10, $0x1;
	s10 =	sld [smem:$0x3FB8]  }
0x3d: {  	_ =	shalt  }
0x3e: {  	_ =	shalt  }
0x3f: {  	_ =	shalt  }
0x40: {  	_ =	shalt  }
0x41: {  	_ =	shalt  }
0x42: {  	_ =	shalt  }
0x43: {  	_ =	shalt  }
0x44: {  	_ =	shalt  }
0x45: {  	_ =	shalt  }
0x46: {  	_ =	shalt  }
0x47: {  	_ =	shalt  }
0x48: {  	_ =	shalt  }
0x49: {  	_ =	shalt  }
0x4a: {  	_ =	shalt  }
0x4b: {  	_ =	shalt  }
0x4c: {  	_ =	shalt  }
0x4d: {  	_ =	shalt  }
0x4e: {  	_ =	shalt  }
0x4f: {  	_ =	shalt  }
0x50: {  	_ =	shalt  }
0x51: {  	_ =	shalt  }
0x52: {  	_ =	shalt  }
0x53: {  	_ =	shalt  }
0x54: {  	_ =	shalt  }
0x55: {  	_ =	shalt  }
0x56: {  	_ =	shalt  }
0x57: {  	_ =	shalt  }
0x58: {  	_ =	shalt  }
0x59: {  	_ =	shalt  }
0x5a: {  	_ =	shalt  }
0x5b: {  	_ =	shalt  }
0x5c: {  	_ =	shalt  }
0x5d: {  	_ =	shalt  }
0x5e: {  	_ =	shalt  }
0x5f: {  	_ =	shalt  }
0x60: {  	_ =	shalt  }
0x61: {  	_ =	shalt  }
0x62: {  	_ =	shalt  }
0x63: {  	_ =	shalt  }
0x64: {  	_ =	shalt  }
0x65: {  	_ =	shalt  }
0x66: {  	_ =	shalt  }
0x67: {  	_ =	shalt  }
0x68: {  	_ =	shalt  }
0x69: {  	_ =	shalt  }
0x6a: {  	_ =	shalt  }
0x6b: {  	_ =	shalt  }
0x6c: {  	_ =	shalt  }
0x6d: {  	_ =	shalt  }
0x6e: {  	_ =	shalt  }
0x6f: {  	_ =	shalt  }
0x70: {  	_ =	shalt  }
0x71: {  	_ =	shalt  }
0x72: {  	_ =	shalt  }
0x73: {  	_ =	shalt  }
0x74: {  	_ =	shalt  }
0x75: {  	_ =	shalt  }
0x76: {  	_ =	shalt  }
0x77: {  	_ =	shalt  }
0x78: {  	_ =	shalt  }
0x79: {  	_ =	shalt  }
0x7a: {  	_ =	shalt  }
0x7b: {  	_ =	shalt  }
0x7c: {  	_ =	shalt  }
0x7d: {  	_ =	shalt  }
0x7e: {  	_ =	shalt  }
0x7f: {  	_ =	shalt  }
0x80: {  	_ =	shalt  }
0x81: {  	_ =	shalt  }
0x82: {  	_ =	shalt  }
0x83: {  	_ =	shalt  }
0x84: {  	_ =	shalt  }
0x85: {  	_ =	shalt  }
0x86: {  	_ =	shalt  }
0x87: {  	_ =	shalt  }
.Lfunc_end0:
.L_simem_size_0:
called_computation_lowered:
.L_overlay_start_0:
0x88: {  	s2 =	sld [smem:$0x3FD9]  }
0x89: {  	s3 =	sld [smem:$0x3FFE];
	_ =	sdelay $0x1  }
0x8a: {  	s1 =	srdreg.scid  }
0x8b: {  	s0 =	sand.u32 $0x1, s1  }
0x8c: {  	s17 =	sshll.u32 s0, $0xA;
	s2 =	sadd.s32 s3, s2  }
0x8d: {  	s2 =	sadd.s32 s2, s17  }
0x8e: {  	[smem:$0x3FC4] =	sst s2  }
0x8f: {  	_ = 	snop  }
0x90: {  	s2 =	sld [smem:$0x3FD0];
	(tm) =	ssettm $0x1  }
0x91: {  	s18 =	sld [smem:$0x3FFB];
	_ =	sdelay $0x3  }
0x92: {  	_ =	strace s18  }
0x93: {  	s3 =	sld [smem:$0x3FFC];
	_ =	sdelay $0x3  }
0x94: {  	_ =	strace s3  }
0x95: {  	s3 =	sld [smem:$0x3FFD];
	_ =	sdelay $0x3  }
0x96: {  	_ =	strace s3  }
0x97: {  	_ =	strace $0x8FFFFFFF  }
0x98: {  	s19 =	sld [smem:$0x3FDB];
	_ =	sdelay $0x1  }
0x99: {  	s4 =	simm.s32 $_scs_section_size  }
0x9a: {  	s5 =	simm.s32 $_size__tile_overlayer_lowered;
	s6 =	simm.s32 $_tile_overlayer_lowered  }
0x9b: {  	s22 =	simm.s32 $0x1BFF;
	s21 =	sshll.u32 s6, $0x1;
	s3 =	sadd.s32 s4, s19  }
0x9c: {  	s7 =	simm.s32 $0x0;
	s20 =	sshll.u32 s5, $0x1;
	s5 =	sadd.s32 s21, s3  }
0x9d: {  	[timem:s7], [sflag:s22] =	dma.local [hbm:s5], s20  }
0x9e: {  	_ =	swait.ge [sflag:s22], s20  }
0x9f: {  	s4 =	ssub.s32 $0x0, s20;
	[sflag:s22] =	ssyncset.done $0x0  }
0xa0: {  	[sflag:s22] =	ssyncadd.s32 s4;
	_ =	sdelay $0x1  }
0xa1: {  	s23 =	simm.s32 $0x1B8B  }
0xa2: {  	_ =	swait.ge [sflag:s23], $0x1  }
0xa3: {  	[sflag:s23] =	ssyncset.done $0x0  }
0xa4: {  	s25 =	simm.s32 $0x1B8E;
	s24 =	sld [smem:$0x3FFE];
	[sflag:s23] =	ssyncadd.s32 $0xFFFFFFFF  }
0xa5: {  	s26 =	simm.s32 $execute0_lowered;
	[smem:$0x3FD2] =	sst s25  }
0xa6: {  	s5 =	sshll.u32 s26, $0x1;
	_ =	strace $0x80000046;
	[dreg:$0x1] =	wrdreg $0xFFFFFFFF  }
0xa7: {  	s28 =	simm.s32 $_size_execute0_lowered;
	s3 =	sadd.s32 s3, s5;
	[dreg:$0x0] =	wrdreg $0x0  }
0xa8: {  	s5 =	sshll.u32 s28, $0x1;
	[dreg:$0x2] =	wrdreg s3  }
0xa9: {  	[dreg:$0x3] =	wrdreg s5  }
0xaa: {  	[dreg:$0x4] =	wrdreg $0xC0  }
0xab: {  	_ =	task [dreg:s7], $0x5FFFF  }
0xac: {  	[dreg:$0x1] =	wrdreg $0xFFFFFFFF  }
0xad: {  	[dreg:$0x0] =	wrdreg $0x60  }
0xae: {  	[dreg:$0x2] =	wrdreg s24  }
0xaf: {  	[dreg:$0x3] =	wrdreg s2  }
0xb0: {  	[dreg:$0x4] =	wrdreg $0x68800  }
0xb1: {  	[dreg:$0x5] =	wrdreg $0x9  }
0xb2: {  	_ =	task.clear_ibuf [dreg:s7], $0x6FFFF;
	_ =	strace $0x90000046  }
0xb3: {  	s29 =	simm.s32 $0x9;
	_ =	strace $0x80000048  }
0xb4: {  	_ =	swait.ge [sflag:s29], $0x1  }
0xb5: {  	[sflag:s29] =	ssyncadd.s32 $0xFFFFFFFF  }
0xb6: {  	_ =	strace $0x90000048  }
0xb7: {  	_ =	sfence  }
0xb8: {  	s30 =	sld [smem:$0x0];
	_ =	sdelay $0x2  }
0xb9: {  	s31 =	sshll.u32 s1, $0xD;
	s1 =	sshrl.u32 s1, $0x2  }
0xba: {  	s3 =	sand.u32 $0x4000, s31;
	s1 =	sadd.s32 s1, s30  }
0xbb: {  	s0 =	sor.u32 s3, s0;
	s1 =	sshll.u32 s1, $0x11  }
0xbc: {  	s0 =	sor.u32 s1, s0  }
0xbd: {  	s0 =	sadd.s32 $0x8F2B, s0  }
0xbe: {  	[sflag:s0] =	ssyncadd.remote.s32 $0x1  }
0xbf: {  	_ =	sfence.sel $0xFFFF  }
0xc0: {  	[dreg:$0x0] =	wrdreg $0xFFFFFFFF;
	(pc) =	sbr.abs _section_cstart, $3  }
0xc1: {  	[dreg:$0x1] =	wrdreg $0xFFFFFFFF  }
0xc2: {  	_ =	task.clear_ibuf [dreg:s7], $0x2FFFF;
	_ =	strace $0x9FFFFFFF  }
0xc3: {  	(tm) =	ssettm $0x7FFFFFFF  }
tec
execute0_lowered:
.L_overlay_start_1:
0x0: {  	(tag) =	ssettag $0x1  }
0x1: {  	s6 =	rddreg [dreg:$0x0]  }
0x2: {  	s0 =	srdreg.scid;
	s2 =	rddreg [dreg:$0x1]  }
0x3: {  	s3 =	rddreg [dreg:$0x2];
	s4 =	simm.s32 $0x0;
	s13 =	simm.s32 $0x80  }
0x4: {  	s14 =	simm.s32 $0x2800;
	s5 =	sand.u32 $0x1, s0;
	s0 =	stileid.u32  }
0x5: {  	s15 =	simm.s32 $0x0;
	[smem:$0x7FF] =	sst s4;
	s8 =	smul.u32 $0x13C00, s0  }
0x6: {  	s1 =	sshll.u32 s5, $0x4;
	s9 =	smul.u32 $0x13C000, s5;
	s5 =	ssub.s32 $0x2, s5  }
0x7: {  	s28 =	smul.u32 $0x4F000, s0;
	s31 =	sshll.u32 s0, $0x6;
	s1 =	sor.u32 s0, s1  }
0x8: {  	s29 =	sshrl.u32 s5, $0x1;
	s7 =	smul.u32 $0x500, s1;
	s1 =	rddreg [dreg:$0x3]  }
0x9: {  	_ =	strace $0x80000047;
	s10 =	sshrl.u32 s8, $0x3;
	s8 =	sadd.s32 s8, s9  }
0xa: {  	s11 =	ssub.s32 s5, s29;
	s30 =	sshrl.u32 s28, $0x2;
	s9 =	simm.s32 $0x1  }
0xb: {  	s8 =	sshrl.u32 s8, $0x3;
	s10 =	sadd.s32 s10, s6;
	s12 =	sadd.s32 s30, s3  }
0xc: {  	s7 =	sadd.s32 s7, s6;
	s8 =	sadd.s32 s8, s6;
	s6 =	sadd.s32 $0xDC00, s10  }
0xd: {  	s10 =	simm.s32 $0x2880;
	s12 =	sshrl.u32 s12, $0x3;
	s5 =	sadd.s32 $0x3C00, s7  }
0xe: {  	s7 =	sadd.s32 $0x35400, s8;
	s8 =	smax.u32 s11, $0x1;
	s11 =	sor.u32 $0x1C01, s31  }
.LBB2_1:
0xf: {  	[tilespmem:s4], [sflag:$0x1] =	stream.linear.gather [hbm4b:s5+s4], $0x2780, $0x38;
	[tilespmem:$0x1A480] =	vst v63  }
0x10: {  	_ =	swait.ge [sflag:s9], $0x2780  }
0x11: {  	[sflag:s9] =	ssyncset.done $0x0  }
0x12: {  	[sflag:s9] =	ssyncadd.s32 $0xFFFFD880  }
0x13: {  	[tilespmem:s10], [sflag:$0x1] =	stream.linear.gather [hbm4b:s2+s4], $0x4000, $0x38;
	[tilespmem:$0x1A480] =	vst v63  }
0x14: {  	_ =	swait.ge [sflag:s9], $0x4000  }
0x15: {  	[sflag:s9] =	ssyncset.done $0x0  }
0x16: {  	[sflag:s9] =	ssyncadd.s32 $0xFFFFC000  }
0x17: {  	[spmem:s12], [sflag:s11] =	dma.local [hbm:s6], $0x2780  }
0x18: {  	_ =	swait.ge [sflag:s9], $0x2780  }
0x19: {  	[sflag:s9] =	ssyncset.done $0x0  }
0x1a: {  	[sflag:s9] =	ssyncadd.s32 $0xFFFFD880  }
0x1b: {  	s16 =	simm.s32 $0x0;
	[bflag:$0x0] =	sbarrier.arrive $0xFFFF  }
0x1c: {  	v0 =	vld [tilespmem:s16+$0x0];
	_ =	sdelay $0x4  }
0x1d: {  	v0 =	vand.u32 $0x3FFF, v0  }
0x1e: {  	[tilespmem:$0x2800] =	vst v0  }
0x1f: {  	v0 =	vld [tilespmem:s16+$0x10];
	_ =	sdelay $0x4  }
0x20: {  	v0 =	vand.u32 $0x3FFF, v0  }
0x21: {  	[tilespmem:$0x2810] =	vst v0  }
0x22: {  	v0 =	vld [tilespmem:s16+$0x20];
	_ =	sdelay $0x4  }
0x23: {  	v0 =	vand.u32 $0x3FFF, v0  }
0x24: {  	[tilespmem:$0x2820] =	vst v0  }
0x25: {  	v0 =	vld [tilespmem:s16+$0x30];
	_ =	sdelay $0x4  }
0x26: {  	v0 =	vand.u32 $0x3FFF, v0  }
0x27: {  	[tilespmem:$0x2830] =	vst v0  }
0x28: {  	v0 =	vld [tilespmem:s16+$0x40];
	_ =	sdelay $0x4  }
0x29: {  	v0 =	vand.u32 $0x3FFF, v0  }
0x2a: {  	[tilespmem:$0x2840] =	vst v0  }
0x2b: {  	v0 =	vld [tilespmem:s16+$0x50];
	_ =	sdelay $0x4  }
0x2c: {  	v0 =	vand.u32 $0x3FFF, v0  }
0x2d: {  	[tilespmem:$0x2850] =	vst v0  }
0x2e: {  	v0 =	vld [tilespmem:s16+$0x60];
	_ =	sdelay $0x4  }
0x2f: {  	v0 =	vand.u32 $0x3FFF, v0  }
0x30: {  	[tilespmem:$0x2860] =	vst v0  }
0x31: {  	v0 =	vld [tilespmem:s16+$0x70];
	_ =	sdelay $0x4  }
0x32: {  	v0 =	vand.u32 $0x3FFF, v0  }
0x33: {  	[tilespmem:$0x2870] =	vst v0  }
0x34: {  	[spmem:s3] =	stream.indirect.scatter.add.f32 [tilespmem:s10], [sflag:$0x1], $0x80, s14, s13, $0xb8;
	[tilespmem:$0x1A480] =	vst v63  }
0x35: {  	_ =	swait.ge [sflag:s9], $0x4000  }
0x36: {  	s19 =	simm.s32 $0x400;
	s16 =	simm.s32 $0x200;
	[sflag:s9] =	ssyncset.done $0x0  }
.LBB2_2:
0x37: {  	s18 =	sshra.s32 s16, $0x2  }
0x38: {  	[sflag:s9] =	ssyncadd.s32 $0xFFFFC000;
	s16 =	smov.u32 s19;
	s17 =	sadd.s32 $0x200, s19  }
0x39: {  	p0 =	sne.s32 s19, $0x9C00;
	v0 =	vld [tilespmem:s18+$0x0];
	_ =	sdelay $0x4  }
0x3a: {  	v0 =	vand.u32 $0x3FFF, v0  }
0x3b: {  	[tilespmem:$0x2800] =	vst v0  }
0x3c: {  	v0 =	vld [tilespmem:s18+$0x10];
	_ =	sdelay $0x4  }
0x3d: {  	v0 =	vand.u32 $0x3FFF, v0  }
0x3e: {  	[tilespmem:$0x2810] =	vst v0  }
0x3f: {  	v0 =	vld [tilespmem:s18+$0x20];
	_ =	sdelay $0x4  }
0x40: {  	v0 =	vand.u32 $0x3FFF, v0  }
0x41: {  	[tilespmem:$0x2820] =	vst v0  }
0x42: {  	v0 =	vld [tilespmem:s18+$0x30];
	_ =	sdelay $0x4  }
0x43: {  	v0 =	vand.u32 $0x3FFF, v0  }
0x44: {  	[tilespmem:$0x2830] =	vst v0  }
0x45: {  	v0 =	vld [tilespmem:s18+$0x40];
	_ =	sdelay $0x4  }
0x46: {  	v0 =	vand.u32 $0x3FFF, v0  }
0x47: {  	[tilespmem:$0x2840] =	vst v0  }
0x48: {  	v0 =	vld [tilespmem:s18+$0x50];
	_ =	sdelay $0x4  }
0x49: {  	v0 =	vand.u32 $0x3FFF, v0  }
0x4a: {  	[tilespmem:$0x2850] =	vst v0  }
0x4b: {  	v0 =	vld [tilespmem:s18+$0x60];
	_ =	sdelay $0x4  }
0x4c: {  	v0 =	vand.u32 $0x3FFF, v0  }
0x4d: {  	[tilespmem:$0x2860] =	vst v0  }
0x4e: {  	v0 =	vld [tilespmem:s18+$0x70];
	_ =	sdelay $0x4  }
.Ltmp0:
0x4f: {  	v0 =	vand.u32 $0x3FFF, v0;
	(pc) =	sbr.rel @p0 .LBB2_2-.Ltmp0, $4  }
0x50: {  	[tilespmem:$0x2870] =	vst v0  }
0x51: {  	[spmem:s3] =	stream.indirect.scatter.add.f32 [tilespmem:s10], [sflag:$0x1], $0x80, s14, s13, $0xb8;
	[tilespmem:$0x1A480] =	vst v63  }
0x52: {  	_ =	swait.ge [sflag:s9], $0x4000  }
0x53: {  	s19 =	smov.u32 s17;
	[sflag:s9] =	ssyncset.done $0x0  }
0x54: {  	s16 =	sshra.s32 s16, $0x2;
	[sflag:s9] =	ssyncadd.s32 $0xFFFFC000  }
0x55: {  	v0 =	vld [tilespmem:s16+$0x0];
	_ =	sdelay $0x4  }
0x56: {  	v0 =	vand.u32 $0x3FFF, v0  }
0x57: {  	[tilespmem:$0x2800] =	vst v0  }
0x58: {  	v0 =	vld [tilespmem:s16+$0x10];
	_ =	sdelay $0x4  }
0x59: {  	v0 =	vand.u32 $0x3FFF, v0  }
0x5a: {  	[tilespmem:$0x2810] =	vst v0  }
0x5b: {  	v0 =	vld [tilespmem:s16+$0x20];
	_ =	sdelay $0x4  }
0x5c: {  	v0 =	vand.u32 $0x3FFF, v0  }
0x5d: {  	[tilespmem:$0x2820] =	vst v0  }
0x5e: {  	v0 =	vld [tilespmem:s16+$0x30];
	_ =	sdelay $0x4  }
0x5f: {  	v0 =	vand.u32 $0x3FFF, v0  }
0x60: {  	[tilespmem:$0x2830] =	vst v0  }
0x61: {  	v0 =	vld [tilespmem:s16+$0x40];
	_ =	sdelay $0x4  }
0x62: {  	v0 =	vand.u32 $0x3FFF, v0  }
0x63: {  	[tilespmem:$0x2840] =	vst v0  }
0x64: {  	v0 =	vld [tilespmem:s16+$0x50];
	_ =	sdelay $0x4  }
0x65: {  	v0 =	vand.u32 $0x3FFF, v0  }
0x66: {  	[tilespmem:$0x2850] =	vst v0  }
0x67: {  	v0 =	vld [tilespmem:s16+$0x60];
	_ =	sdelay $0x4  }
0x68: {  	v0 =	vand.u32 $0x3FFF, v0  }
0x69: {  	[tilespmem:$0x2860] =	vst v0  }
0x6a: {  	v0 =	vld [tilespmem:s16+$0x70];
	_ =	sdelay $0x4  }
0x6b: {  	v0 =	vand.u32 $0x3FFF, v0  }
0x6c: {  	[tilespmem:$0x2870] =	vst v0  }
0x6d: {  	[spmem:s3] =	stream.indirect.scatter.add.f32 [tilespmem:s10], [sflag:$0x1], $0x80, s14, s13, $0xb8;
	[tilespmem:$0x1A480] =	vst v63  }
0x6e: {  	_ =	swait.ge [sflag:s9], $0x4000  }
0x6f: {  	s15 =	sadd.s32 $0x1, s15;
	[sflag:s9] =	ssyncset.done $0x0  }
0x70: {  	p0 =	sne.s32 s15, s8;
	[sflag:s9] =	ssyncadd.s32 $0xFFFFC000  }
.Ltmp1:
0x71: {  	[bflag:$0x0] =	sbarrier.arrive $0xFFFF;
	(pc) =	sbr.rel @p0 .LBB2_1-.Ltmp1, $4  }
0x72: {  	[hbm:s7], [sflag:s11] =	dma.local [spmem:s12], $0x2780  }
0x73: {  	_ =	swait.ge [sflag:s9], $0x2780  }
0x74: {  	[sflag:s9] =	ssyncset.done $0x0  }
0x75: {  	[sflag:s9] =	ssyncadd.s32 $0xFFFFD880  }
0x76: {  	_ =	sfence.sel $0x180000  }
0x77: {  	[bflag:$0x0] =	sbarrier.arrive $0xFFFF  }
0x78: {  	p0 =	sne.s32 s0, $0x0;
	_ =	strace $0x90000047  }
0x79: {  	s0 =	sadd.s32 @!p0 $0x100000, s1;
	[bflag:$0x2] =	sbarrier.arrive $0xFFFF  }
0x7a: {  	[sflag:s0] =	ssyncadd.tile.s32 @!p0 $0x1;
	_ =	shalt  }
.Lfunc_end2:
_tile_overlayer_lowered:
.L_overlay_start_2:
0x7b: {  	(tag) =	ssettag $0x2  }
0x7c: {  	s0 =	rddreg [dreg:$0x0];
	s2 =	stileid.u32  }
0x7d: {  	s1 =	rddreg [dreg:$0x1];
	p0 =	sne.s32 s2, $0x0  }
0x7e: {  	s3 =	rddreg [dreg:$0x2];
	[bflag:$0x3] =	sbarrier.arrive $0xFFFF;
	s2 =	simm.s32 @!p0 $0x1C01  }
0x7f: {  	[timem:s3], [sflag:s2] =	dma.local @!p0 [hbm:s0], s1  }
0x80: {  	s0 =	simm.s32 @!p0 $0x1  }
0x81: {  	_ =	swait.ge @!p0 [sflag:s0], s1  }
0x82: {  	s1 =	ssub.s32 @!p0 $0x0, s1;
	[sflag:s0] =	ssyncset.done @!p0 $0x0  }
0x83: {  	[sflag:s0] =	ssyncadd.s32 @!p0 s1  }
0x84: {  	[bflag:$0x3] =	sbarrier.arrive $0xFFFF  }
0x85: {  	_ =	shalt  }

// kernel: kernel.16.cloned.1.call-start
scs
__scs_entry_jumppad:
0x0: {  	(pc) =	sbr.rel $0x88, $3  }
0x1: {  	(tag) =	ssettag $0x0;
	lr =	simm.s32 $0x1  }
0x2: {  	[smem:$0x3F9D] =	sst lr;
	_ =	strace $0xD0000000  }
0x3: {  	_ = 	snop  }
0x4: {  	_ = 	snop  }
0x5: {  	_ = 	snop  }
0x6: {  	_ = 	snop  }
0x7: {  	_ = 	snop  }
__scs_overlays_trampoline_lowered:
0x8: {  	[smem:$0x3FAC] =	sst s0  }
0x9: {  	[smem:$0x3FAD] =	sst s1  }
0xa: {  	[smem:$0x3FAE] =	sst s2  }
0xb: {  	[smem:$0x3FAF] =	sst s3  }
0xc: {  	[smem:$0x3FB0] =	sst s4  }
0xd: {  	[smem:$0x3FB1] =	sst s5  }
0xe: {  	[smem:$0x3FB2] =	sst s6  }
0xf: {  	[smem:$0x3FB3] =	sst s7  }
0x10: {  	[smem:$0x3FB4] =	sst s8  }
0x11: {  	[smem:$0x3FB5] =	sst s9;
	s0 =	simm.s32 @!p0 $0x0  }
0x12: {  	s1 =	sld [smem:$0x3F9B];
	s0 =	simm.s32 @p0 $0x1  }
0x13: {  	[smem:$0x3FB6] =	sst s0;
	s0 =	simm.s32 @!p1 $0x0  }
0x14: {  	s2 =	sld [smem:$0x3F9A];
	s0 =	simm.s32 @p1 $0x1  }
0x15: {  	[smem:$0x3FB7] =	sst s0;
	s0 =	simm.s32 @!p2 $0x0  }
0x16: {  	s3 =	sld [smem:$0x3FDB];
	s0 =	simm.s32 @p2 $0x1  }
0x17: {  	s4 =	simm.s32 $0x1BF5;
	[smem:$0x3FB9] =	sst s0  }
0x18: {  	s0 =	sld [smem:$0x3F9C];
	_ =	swait.ge [sflag:s4], $0x0  }
0x19: {  	s7 =	sld [smem:$0x3F9D]  }
0x1a: {  	s8 =	sadd.s32 $0xFFFFE003, lr  }
0x1b: {  	s9 =	sadd.s32 $0xFFFFFEF7, lr;
	s5 =	simm.s32 $0xFFFFFFFF;
	p2 =	slt.u32 s8, $0xFFFFF086  }
0x1c: {  	p1 =	slt.u32 s9, $0xF7A;
	s5 =	simm.s32 @!p2 $0x0  }
0x1d: {  	s5 =	simm.s32 @p1 $0x1;
	p0 =	seq.s32 s7, s2  }
0x1e: {  	s7 =	smul.u32 @!p0 $0xF7A, s2;
	p2 =	seq.s32 @!p0 s5, $0x0  }
0x1f: {  	s9 =	smul.u32 $0xF7A, s1;
	s8 =	simm.s32 @!p0 $0x1BF5;
	p2 =	por !p2, p0  }
0x20: {  	[sflag:s8] =	ssyncset.s32 @!p0 $0xFFFFF086;
	s6 =	sadd.s32 @!p0 s3, s7;
	s7 =	simm.s32 @!p0 $0x108  }
0x21: {  	s3 =	sadd.s32 s3, s9;
	s6 =	sadd.s32 @!p0 $0x88, s6;
	s7 =	simm.s32 @p2 $0x1082  }
0x22: {  	[simem:s7], [sflag:s8] =	dma.local @!p0 [hbm:s6], $0xF7A  }
0x23: {  	s9 =	sor.u32 $0xD0000000, s2;
	s6 =	simm.s32 $0x108;
	_ =	swait.ge @!p0 [sflag:s8], $0x0  }
0x24: {  	s3 =	sadd.s32 $0x88, s3;
	s6 =	simm.s32 @!p1 $0x1082;
	[sflag:s4] =	ssyncset.s32 $0xFFFFF086  }
0x25: {  	[simem:s6], [sflag:s4] =	dma.local [hbm:s3], $0xF7A  }
0x26: {  	[smem:$0x3F9D] =	sst s1;
	(tag) =	ssettag s2;
	_ =	strace s9  }
0x27: {  	s1 =	sld [smem:$0x3FAD]  }
0x28: {  	s2 =	sld [smem:$0x3FAE]  }
0x29: {  	s4 =	sld [smem:$0x3FB0]  }
0x2a: {  	p0 =	seq.s32 s5, $0x0;
	s5 =	sld [smem:$0x3FB1]  }
0x2b: {  	s6 =	sld [smem:$0x3FB2]  }
0x2c: {  	s7 =	sld [smem:$0x3FB3]  }
0x2d: {  	s3 =	simm.s32 $0x108;
	s8 =	sld [smem:$0x3FB4]  }
0x2e: {  	s3 =	simm.s32 @!p0 $0x1082;
	s9 =	sld [smem:$0x3FB5]  }
0x2f: {  	lr =	sadd.s32 s0, s3;
	s0 =	sld [smem:$0x3FAC]  }
0x30: {  	s3 =	sld [smem:$0x3FAF]  }
0x31: {  	[smem:$0x3FB8] =	sst s10  }
0x32: {  	s10 =	sld [smem:$0x3FB6];
	_ =	sdelay $0x3  }
0x33: {  	p0 =	seq.s32 s10, $0x1;
	s10 =	sld [smem:$0x3FB8];
	_ =	sdelay $0x3  }
0x34: {  	[smem:$0x3FB8] =	sst s10  }
0x35: {  	s10 =	sld [smem:$0x3FB7];
	_ =	sdelay $0x3  }
0x36: {  	p1 =	seq.s32 s10, $0x1;
	s10 =	sld [smem:$0x3FB8];
	_ =	sdelay $0x3  }
0x37: {  	[smem:$0x3FB8] =	sst s10  }
0x38: {  	s10 =	sld [smem:$0x3FB9]  }
0x39: {  	_ = 	snop;
	(pc) =	sbr.ind lr, $3  }
0x3a: {  	_ = 	snop  }
0x3b: {  	_ = 	snop  }
0x3c: {  	p2 =	seq.s32 s10, $0x1;
	s10 =	sld [smem:$0x3FB8]  }
0x3d: {  	_ =	shalt  }
0x3e: {  	_ =	shalt  }
0x3f: {  	_ =	shalt  }
0x40: {  	_ =	shalt  }
0x41: {  	_ =	shalt  }
0x42: {  	_ =	shalt  }
0x43: {  	_ =	shalt  }
0x44: {  	_ =	shalt  }
0x45: {  	_ =	shalt  }
0x46: {  	_ =	shalt  }
0x47: {  	_ =	shalt  }
0x48: {  	_ =	shalt  }
0x49: {  	_ =	shalt  }
0x4a: {  	_ =	shalt  }
0x4b: {  	_ =	shalt  }
0x4c: {  	_ =	shalt  }
0x4d: {  	_ =	shalt  }
0x4e: {  	_ =	shalt  }
0x4f: {  	_ =	shalt  }
0x50: {  	_ =	shalt  }
0x51: {  	_ =	shalt  }
0x52: {  	_ =	shalt  }
0x53: {  	_ =	shalt  }
0x54: {  	_ =	shalt  }
0x55: {  	_ =	shalt  }
0x56: {  	_ =	shalt  }
0x57: {  	_ =	shalt  }
0x58: {  	_ =	shalt  }
0x59: {  	_ =	shalt  }
0x5a: {  	_ =	shalt  }
0x5b: {  	_ =	shalt  }
0x5c: {  	_ =	shalt  }
0x5d: {  	_ =	shalt  }
0x5e: {  	_ =	shalt  }
0x5f: {  	_ =	shalt  }
0x60: {  	_ =	shalt  }
0x61: {  	_ =	shalt  }
0x62: {  	_ =	shalt  }
0x63: {  	_ =	shalt  }
0x64: {  	_ =	shalt  }
0x65: {  	_ =	shalt  }
0x66: {  	_ =	shalt  }
0x67: {  	_ =	shalt  }
0x68: {  	_ =	shalt  }
0x69: {  	_ =	shalt  }
0x6a: {  	_ =	shalt  }
0x6b: {  	_ =	shalt  }
0x6c: {  	_ =	shalt  }
0x6d: {  	_ =	shalt  }
0x6e: {  	_ =	shalt  }
0x6f: {  	_ =	shalt  }
0x70: {  	_ =	shalt  }
0x71: {  	_ =	shalt  }
0x72: {  	_ =	shalt  }
0x73: {  	_ =	shalt  }
0x74: {  	_ =	shalt  }
0x75: {  	_ =	shalt  }
0x76: {  	_ =	shalt  }
0x77: {  	_ =	shalt  }
0x78: {  	_ =	shalt  }
0x79: {  	_ =	shalt  }
0x7a: {  	_ =	shalt  }
0x7b: {  	_ =	shalt  }
0x7c: {  	_ =	shalt  }
0x7d: {  	_ =	shalt  }
0x7e: {  	_ =	shalt  }
0x7f: {  	_ =	shalt  }
0x80: {  	_ =	shalt  }
0x81: {  	_ =	shalt  }
0x82: {  	_ =	shalt  }
0x83: {  	_ =	shalt  }
0x84: {  	_ =	shalt  }
0x85: {  	_ =	shalt  }
0x86: {  	_ =	shalt  }
0x87: {  	_ =	shalt  }
.Lfunc_end0:
.L_simem_size_0:
called_computation.1_lowered:
.L_overlay_start_0:
0x88: {  	s2 =	sld [smem:$0x3FD9]  }
0x89: {  	s3 =	sld [smem:$0x3FFE];
	_ =	sdelay $0x1  }
0x8a: {  	s1 =	srdreg.scid  }
0x8b: {  	s0 =	sand.u32 $0x1, s1  }
0x8c: {  	s17 =	sshll.u32 s0, $0xA;
	s2 =	sadd.s32 s3, s2  }
0x8d: {  	s2 =	sadd.s32 s2, s17  }
0x8e: {  	[smem:$0x3FC4] =	sst s2  }
0x8f: {  	_ = 	snop  }
0x90: {  	s2 =	sld [smem:$0x3FD0];
	(tm) =	ssettm $0x1  }
0x91: {  	s18 =	sld [smem:$0x3FFB];
	_ =	sdelay $0x3  }
0x92: {  	_ =	strace s18  }
0x93: {  	s3 =	sld [smem:$0x3FFC];
	_ =	sdelay $0x3  }
0x94: {  	_ =	strace s3  }
0x95: {  	s3 =	sld [smem:$0x3FFD];
	_ =	sdelay $0x3  }
0x96: {  	_ =	strace s3  }
0x97: {  	_ =	strace $0x8FFFFFFF  }
0x98: {  	s19 =	sld [smem:$0x3FDB];
	_ =	sdelay $0x1  }
0x99: {  	s4 =	simm.s32 $_scs_section_size  }
0x9a: {  	s5 =	simm.s32 $_size__tile_overlayer_lowered;
	s6 =	simm.s32 $_tile_overlayer_lowered  }
0x9b: {  	s22 =	simm.s32 $0x1BFF;
	s21 =	sshll.u32 s6, $0x1;
	s3 =	sadd.s32 s4, s19  }
0x9c: {  	s7 =	simm.s32 $0x0;
	s20 =	sshll.u32 s5, $0x1;
	s5 =	sadd.s32 s21, s3  }
0x9d: {  	[timem:s7], [sflag:s22] =	dma.local [hbm:s5], s20  }
0x9e: {  	_ =	swait.ge [sflag:s22], s20  }
0x9f: {  	s4 =	ssub.s32 $0x0, s20;
	[sflag:s22] =	ssyncset.done $0x0  }
0xa0: {  	[sflag:s22] =	ssyncadd.s32 s4;
	_ =	sdelay $0x1  }
0xa1: {  	s23 =	simm.s32 $0x1B8B  }
0xa2: {  	_ =	swait.ge [sflag:s23], $0x1  }
0xa3: {  	[sflag:s23] =	ssyncset.done $0x0  }
0xa4: {  	s25 =	simm.s32 $0x1B8E;
	s24 =	sld [smem:$0x3FFE];
	[sflag:s23] =	ssyncadd.s32 $0xFFFFFFFF  }
0xa5: {  	s26 =	simm.s32 $execute0_lowered;
	[smem:$0x3FD2] =	sst s25  }
0xa6: {  	s5 =	sshll.u32 s26, $0x1;
	_ =	strace $0x80000049;
	[dreg:$0x1] =	wrdreg $0xFFFFFFFF  }
0xa7: {  	s28 =	simm.s32 $_size_execute0_lowered;
	s3 =	sadd.s32 s3, s5;
	[dreg:$0x0] =	wrdreg $0x0  }
0xa8: {  	s5 =	sshll.u32 s28, $0x1;
	[dreg:$0x2] =	wrdreg s3  }
0xa9: {  	[dreg:$0x3] =	wrdreg s5  }
0xaa: {  	[dreg:$0x4] =	wrdreg $0xC0  }
0xab: {  	_ =	task [dreg:s7], $0x5FFFF  }
0xac: {  	[dreg:$0x1] =	wrdreg $0xFFFFFFFF  }
0xad: {  	[dreg:$0x0] =	wrdreg $0x60  }
0xae: {  	[dreg:$0x2] =	wrdreg s2  }
0xaf: {  	[dreg:$0x3] =	wrdreg s24  }
0xb0: {  	[dreg:$0x4] =	wrdreg $0x69000  }
0xb1: {  	[dreg:$0x5] =	wrdreg $0x9  }
0xb2: {  	_ =	task.clear_ibuf [dreg:s7], $0x6FFFF;
	_ =	strace $0x90000049  }
0xb3: {  	s29 =	simm.s32 $0x9;
	_ =	strace $0x8000004B  }
0xb4: {  	_ =	swait.ge [sflag:s29], $0x1  }
0xb5: {  	[sflag:s29] =	ssyncadd.s32 $0xFFFFFFFF  }
0xb6: {  	_ =	strace $0x9000004B  }
0xb7: {  	_ =	sfence  }
0xb8: {  	s30 =	sld [smem:$0x0];
	_ =	sdelay $0x2  }
0xb9: {  	s31 =	sshll.u32 s1, $0xD;
	s1 =	sshrl.u32 s1, $0x2  }
0xba: {  	s3 =	sand.u32 $0x4000, s31;
	s1 =	sadd.s32 s1, s30  }
0xbb: {  	s0 =	sor.u32 s3, s0;
	s1 =	sshll.u32 s1, $0x11  }
0xbc: {  	s0 =	sor.u32 s1, s0  }
0xbd: {  	s0 =	sadd.s32 $0x8F2B, s0  }
0xbe: {  	[sflag:s0] =	ssyncadd.remote.s32 $0x1  }
0xbf: {  	_ =	sfence.sel $0xFFFF  }
0xc0: {  	[dreg:$0x0] =	wrdreg $0xFFFFFFFF;
	(pc) =	sbr.abs _section_cstart, $3  }
0xc1: {  	[dreg:$0x1] =	wrdreg $0xFFFFFFFF  }
0xc2: {  	_ =	task.clear_ibuf [dreg:s7], $0x2FFFF;
	_ =	strace $0x9FFFFFFF  }
0xc3: {  	(tm) =	ssettm $0x7FFFFFFF  }
tec
execute0_lowered:
.L_overlay_start_1:
0x0: {  	(tag) =	ssettag $0x1  }
0x1: {  	s1 =	rddreg [dreg:$0x0]  }
0x2: {  	s6 =	rddreg [dreg:$0x1]  }
0x3: {  	s0 =	srdreg.scid;
	s3 =	rddreg [dreg:$0x2];
	s4 =	simm.s32 $0x0  }
0x4: {  	s13 =	simm.s32 $0x2800;
	s14 =	simm.s32 $0x2900;
	s15 =	simm.s32 $0x1  }
0x5: {  	s16 =	simm.s32 $0x2880;
	s5 =	sand.u32 $0x1, s0;
	s0 =	stileid.u32  }
0x6: {  	s17 =	simm.s32 $0x0;
	[smem:$0x7FF] =	sst s4;
	s8 =	smul.u32 $0x13C00, s0  }
0x7: {  	s2 =	sshll.u32 s5, $0x4;
	s9 =	smul.u32 $0x13C000, s5;
	s5 =	ssub.s32 $0x2, s5  }
0x8: {  	s29 =	smul.u32 $0x4F000, s0;
	s31 =	sshll.u32 s0, $0x6;
	s2 =	sor.u32 s0, s2  }
0x9: {  	s11 =	sshrl.u32 s5, $0x1;
	s7 =	smul.u32 $0x500, s2;
	s2 =	rddreg [dreg:$0x3]  }
0xa: {  	_ =	strace $0x8000004A;
	s10 =	sshrl.u32 s8, $0x3;
	s8 =	sadd.s32 s8, s9  }
0xb: {  	s11 =	ssub.s32 s5, s11;
	s30 =	sshrl.u32 s29, $0x2;
	s9 =	simm.s32 $0x2  }
0xc: {  	s10 =	sadd.s32 s10, s6;
	s8 =	sshrl.u32 s8, $0x3;
	s12 =	sadd.s32 s30, s3  }
0xd: {  	s7 =	sadd.s32 s7, s6;
	s8 =	sadd.s32 s8, s6;
	s6 =	sadd.s32 $0xDC00, s10  }
0xe: {  	s10 =	sor.u32 $0x1C02, s31;
	s5 =	sadd.s32 $0x3C00, s7;
	s7 =	sadd.s32 $0x35400, s8  }
0xf: {  	s8 =	smax.u32 s11, $0x1;
	s11 =	sshrl.u32 s12, $0x3;
	s12 =	simm.s32 $0x80  }
.LBB2_1:
0x10: {  	[tilespmem:s4], [sflag:$0x2] =	stream.linear.gather [hbm4b:s5+s4], $0x2780, $0x38;
	[tilespmem:$0x1A500] =	vst v63  }
0x11: {  	_ =	swait.ge [sflag:s9], $0x2780  }
0x12: {  	[sflag:s9] =	ssyncset.done $0x0  }
0x13: {  	[sflag:s9] =	ssyncadd.s32 $0xFFFFD880  }
0x14: {  	[spmem:s11], [sflag:s10] =	dma.local [hbm:s6], $0x2780  }
0x15: {  	_ =	swait.ge [sflag:s9], $0x2780  }
0x16: {  	[sflag:s9] =	ssyncset.done $0x0  }
0x17: {  	[sflag:s9] =	ssyncadd.s32 $0xFFFFD880  }
0x18: {  	s18 =	simm.s32 $0x0;
	[bflag:$0x0] =	sbarrier.arrive $0xFFFF  }
0x19: {  	v0 =	vld [tilespmem:s18+$0x0];
	_ =	sdelay $0x4  }
0x1a: {  	v0 =	vshrl.u32 v0, $0xE  }
0x1b: {  	v0 =	vand.u32 $0x3FFF, v0  }
0x1c: {  	[tilespmem:$0x2800] =	vst v0  }
0x1d: {  	v0 =	vld [tilespmem:s18+$0x10];
	_ =	sdelay $0x4  }
0x1e: {  	v0 =	vshrl.u32 v0, $0xE  }
0x1f: {  	v0 =	vand.u32 $0x3FFF, v0  }
0x20: {  	[tilespmem:$0x2810] =	vst v0  }
0x21: {  	v0 =	vld [tilespmem:s18+$0x20];
	_ =	sdelay $0x4  }
0x22: {  	v0 =	vshrl.u32 v0, $0xE  }
0x23: {  	v0 =	vand.u32 $0x3FFF, v0  }
0x24: {  	[tilespmem:$0x2820] =	vst v0  }
0x25: {  	v0 =	vld [tilespmem:s18+$0x30];
	_ =	sdelay $0x4  }
0x26: {  	v0 =	vshrl.u32 v0, $0xE  }
0x27: {  	v0 =	vand.u32 $0x3FFF, v0  }
0x28: {  	[tilespmem:$0x2830] =	vst v0  }
0x29: {  	v0 =	vld [tilespmem:s18+$0x40];
	_ =	sdelay $0x4  }
0x2a: {  	v0 =	vshrl.u32 v0, $0xE  }
0x2b: {  	v0 =	vand.u32 $0x3FFF, v0  }
0x2c: {  	[tilespmem:$0x2840] =	vst v0  }
0x2d: {  	v0 =	vld [tilespmem:s18+$0x50];
	_ =	sdelay $0x4  }
0x2e: {  	v0 =	vshrl.u32 v0, $0xE  }
0x2f: {  	v0 =	vand.u32 $0x3FFF, v0  }
0x30: {  	[tilespmem:$0x2850] =	vst v0  }
0x31: {  	v0 =	vld [tilespmem:s18+$0x60];
	_ =	sdelay $0x4  }
0x32: {  	v0 =	vshrl.u32 v0, $0xE  }
0x33: {  	v0 =	vand.u32 $0x3FFF, v0  }
0x34: {  	[tilespmem:$0x2860] =	vst v0  }
0x35: {  	v0 =	vld [tilespmem:s18+$0x70];
	_ =	sdelay $0x4  }
0x36: {  	v0 =	vshrl.u32 v0, $0xE  }
0x37: {  	v0 =	vand.u32 $0x3FFF, v0  }
0x38: {  	[tilespmem:$0x2870] =	vst v0  }
0x39: {  	[tilespmem:s14], [sflag:$0x1] =	stream.indirect.gather [hbm4b:s1+s12], $0x80, s13, s12, $0xb8;
	[tilespmem:$0x1A500] =	vst v63  }
0x3a: {  	_ =	swait.ge [sflag:s15], $0x4000  }
0x3b: {  	[sflag:s15] =	ssyncset.done $0x0  }
0x3c: {  	[sflag:s15] =	ssyncadd.s32 $0xFFFFC000  }
0x3d: {  	v63 =	vld [tilespmem:s18+$0x0];
	_ =	sdelay $0x4  }
0x3e: {  	v0 =	vand.u32 $0x3FFF, v63  }
0x3f: {  	[tilespmem:$0x2880] =	vst v0  }
0x40: {  	v0 =	vld [tilespmem:s18+$0x10];
	_ =	sdelay $0x4  }
0x41: {  	v0 =	vand.u32 $0x3FFF, v0  }
0x42: {  	[tilespmem:$0x2890] =	vst v0  }
0x43: {  	v0 =	vld [tilespmem:s18+$0x20];
	_ =	sdelay $0x4  }
0x44: {  	v0 =	vand.u32 $0x3FFF, v0  }
0x45: {  	[tilespmem:$0x28A0] =	vst v0  }
0x46: {  	v0 =	vld [tilespmem:s18+$0x30];
	_ =	sdelay $0x4  }
0x47: {  	v0 =	vand.u32 $0x3FFF, v0  }
0x48: {  	[tilespmem:$0x28B0] =	vst v0  }
0x49: {  	v0 =	vld [tilespmem:s18+$0x40];
	_ =	sdelay $0x4  }
0x4a: {  	v0 =	vand.u32 $0x3FFF, v0  }
0x4b: {  	[tilespmem:$0x28C0] =	vst v0  }
0x4c: {  	v0 =	vld [tilespmem:s18+$0x50];
	_ =	sdelay $0x4  }
0x4d: {  	v0 =	vand.u32 $0x3FFF, v0  }
0x4e: {  	[tilespmem:$0x28D0] =	vst v0  }
0x4f: {  	v0 =	vld [tilespmem:s18+$0x60];
	_ =	sdelay $0x4  }
0x50: {  	v0 =	vand.u32 $0x3FFF, v0  }
0x51: {  	[tilespmem:$0x28E0] =	vst v0  }
0x52: {  	v0 =	vld [tilespmem:s18+$0x70];
	_ =	sdelay $0x4  }
0x53: {  	v0 =	vand.u32 $0x3FFF, v0  }
0x54: {  	[tilespmem:$0x28F0] =	vst v0  }
0x55: {  	[spmem:s3] =	stream.indirect.scatter.add.f32 [tilespmem:s14], [sflag:$0x2], $0x80, s16, s12, $0xb8;
	[tilespmem:$0x1A500] =	vst v63  }
0x56: {  	_ =	swait.ge [sflag:s9], $0x4000  }
0x57: {  	s21 =	simm.s32 $0x400;
	s18 =	simm.s32 $0x200;
	[sflag:s9] =	ssyncset.done $0x0  }
.LBB2_2:
0x58: {  	s20 =	sshra.s32 s18, $0x2  }
0x59: {  	[sflag:s9] =	ssyncadd.s32 $0xFFFFC000;
	s18 =	smov.u32 s21;
	s19 =	sadd.s32 $0x200, s21  }
0x5a: {  	p0 =	sne.s32 s21, $0x9C00;
	v0 =	vld [tilespmem:s20+$0x0];
	_ =	sdelay $0x4  }
0x5b: {  	v0 =	vshrl.u32 v0, $0xE  }
0x5c: {  	v0 =	vand.u32 $0x3FFF, v0  }
0x5d: {  	[tilespmem:$0x2800] =	vst v0  }
0x5e: {  	v0 =	vld [tilespmem:s20+$0x10];
	_ =	sdelay $0x4  }
0x5f: {  	v0 =	vshrl.u32 v0, $0xE  }
0x60: {  	v0 =	vand.u32 $0x3FFF, v0  }
0x61: {  	[tilespmem:$0x2810] =	vst v0  }
0x62: {  	v0 =	vld [tilespmem:s20+$0x20];
	_ =	sdelay $0x4  }
0x63: {  	v0 =	vshrl.u32 v0, $0xE  }
0x64: {  	v0 =	vand.u32 $0x3FFF, v0  }
0x65: {  	[tilespmem:$0x2820] =	vst v0  }
0x66: {  	v0 =	vld [tilespmem:s20+$0x30];
	_ =	sdelay $0x4  }
0x67: {  	v0 =	vshrl.u32 v0, $0xE  }
0x68: {  	v0 =	vand.u32 $0x3FFF, v0  }
0x69: {  	[tilespmem:$0x2830] =	vst v0  }
0x6a: {  	v0 =	vld [tilespmem:s20+$0x40];
	_ =	sdelay $0x4  }
0x6b: {  	v0 =	vshrl.u32 v0, $0xE  }
0x6c: {  	v0 =	vand.u32 $0x3FFF, v0  }
0x6d: {  	[tilespmem:$0x2840] =	vst v0  }
0x6e: {  	v0 =	vld [tilespmem:s20+$0x50];
	_ =	sdelay $0x4  }
0x6f: {  	v0 =	vshrl.u32 v0, $0xE  }
0x70: {  	v0 =	vand.u32 $0x3FFF, v0  }
0x71: {  	[tilespmem:$0x2850] =	vst v0  }
0x72: {  	v0 =	vld [tilespmem:s20+$0x60];
	_ =	sdelay $0x4  }
0x73: {  	v0 =	vshrl.u32 v0, $0xE  }
0x74: {  	v0 =	vand.u32 $0x3FFF, v0  }
0x75: {  	[tilespmem:$0x2860] =	vst v0  }
0x76: {  	v0 =	vld [tilespmem:s20+$0x70];
	_ =	sdelay $0x4  }
0x77: {  	v0 =	vshrl.u32 v0, $0xE  }
0x78: {  	v0 =	vand.u32 $0x3FFF, v0  }
0x79: {  	[tilespmem:$0x2870] =	vst v0  }
0x7a: {  	[tilespmem:s14], [sflag:$0x1] =	stream.indirect.gather [hbm4b:s1+s12], $0x80, s13, s12, $0xb8;
	[tilespmem:$0x1A500] =	vst v63  }
0x7b: {  	_ =	swait.ge [sflag:s15], $0x4000  }
0x7c: {  	[sflag:s15] =	ssyncset.done $0x0  }
0x7d: {  	[sflag:s15] =	ssyncadd.s32 $0xFFFFC000  }
0x7e: {  	v0 =	vld [tilespmem:s20+$0x0];
	_ =	sdelay $0x4  }
0x7f: {  	v0 =	vand.u32 $0x3FFF, v0  }
0x80: {  	[tilespmem:$0x2880] =	vst v0  }
0x81: {  	v0 =	vld [tilespmem:s20+$0x10];
	_ =	sdelay $0x4  }
0x82: {  	v0 =	vand.u32 $0x3FFF, v0  }
0x83: {  	[tilespmem:$0x2890] =	vst v0  }
0x84: {  	v0 =	vld [tilespmem:s20+$0x20];
	_ =	sdelay $0x4  }
0x85: {  	v0 =	vand.u32 $0x3FFF, v0  }
0x86: {  	[tilespmem:$0x28A0] =	vst v0  }
0x87: {  	v0 =	vld [tilespmem:s20+$0x30];
	_ =	sdelay $0x4  }
0x88: {  	v0 =	vand.u32 $0x3FFF, v0  }
0x89: {  	[tilespmem:$0x28B0] =	vst v0  }
0x8a: {  	v0 =	vld [tilespmem:s20+$0x40];
	_ =	sdelay $0x4  }
0x8b: {  	v0 =	vand.u32 $0x3FFF, v0  }
0x8c: {  	[tilespmem:$0x28C0] =	vst v0  }
0x8d: {  	v0 =	vld [tilespmem:s20+$0x50];
	_ =	sdelay $0x4  }
0x8e: {  	v0 =	vand.u32 $0x3FFF, v0  }
0x8f: {  	[tilespmem:$0x28D0] =	vst v0  }
0x90: {  	v0 =	vld [tilespmem:s20+$0x60];
	_ =	sdelay $0x4  }
0x91: {  	v0 =	vand.u32 $0x3FFF, v0  }
0x92: {  	[tilespmem:$0x28E0] =	vst v0  }
0x93: {  	v0 =	vld [tilespmem:s20+$0x70];
	_ =	sdelay $0x4  }
.Ltmp0:
0x94: {  	v0 =	vand.u32 $0x3FFF, v0;
	(pc) =	sbr.rel @p0 .LBB2_2-.Ltmp0, $4  }
0x95: {  	[tilespmem:$0x28F0] =	vst v0  }
0x96: {  	[spmem:s3] =	stream.indirect.scatter.add.f32 [tilespmem:s14], [sflag:$0x2], $0x80, s16, s12, $0xb8;
	[tilespmem:$0x1A500] =	vst v63  }
0x97: {  	_ =	swait.ge [sflag:s9], $0x4000  }
0x98: {  	s21 =	smov.u32 s19;
	[sflag:s9] =	ssyncset.done $0x0  }
0x99: {  	s18 =	sshra.s32 s18, $0x2;
	[sflag:s9] =	ssyncadd.s32 $0xFFFFC000  }
0x9a: {  	v0 =	vld [tilespmem:s18+$0x0];
	_ =	sdelay $0x4  }
0x9b: {  	v0 =	vshrl.u32 v0, $0xE  }
0x9c: {  	v0 =	vand.u32 $0x3FFF, v0  }
0x9d: {  	[tilespmem:$0x2800] =	vst v0  }
0x9e: {  	v0 =	vld [tilespmem:s18+$0x10];
	_ =	sdelay $0x4  }
0x9f: {  	v0 =	vshrl.u32 v0, $0xE  }
0xa0: {  	v0 =	vand.u32 $0x3FFF, v0  }
0xa1: {  	[tilespmem:$0x2810] =	vst v0  }
0xa2: {  	v0 =	vld [tilespmem:s18+$0x20];
	_ =	sdelay $0x4  }
0xa3: {  	v0 =	vshrl.u32 v0, $0xE  }
0xa4: {  	v0 =	vand.u32 $0x3FFF, v0  }
0xa5: {  	[tilespmem:$0x2820] =	vst v0  }
0xa6: {  	v0 =	vld [tilespmem:s18+$0x30];
	_ =	sdelay $0x4  }
0xa7: {  	v0 =	vshrl.u32 v0, $0xE  }
0xa8: {  	v0 =	vand.u32 $0x3FFF, v0  }
0xa9: {  	[tilespmem:$0x2830] =	vst v0  }
0xaa: {  	v0 =	vld [tilespmem:s18+$0x40];
	_ =	sdelay $0x4  }
0xab: {  	v0 =	vshrl.u32 v0, $0xE  }
0xac: {  	v0 =	vand.u32 $0x3FFF, v0  }
0xad: {  	[tilespmem:$0x2840] =	vst v0  }
0xae: {  	v0 =	vld [tilespmem:s18+$0x50];
	_ =	sdelay $0x4  }
0xaf: {  	v0 =	vshrl.u32 v0, $0xE  }
0xb0: {  	v0 =	vand.u32 $0x3FFF, v0  }
0xb1: {  	[tilespmem:$0x2850] =	vst v0  }
0xb2: {  	v0 =	vld [tilespmem:s18+$0x60];
	_ =	sdelay $0x4  }
0xb3: {  	v0 =	vshrl.u32 v0, $0xE  }
0xb4: {  	v0 =	vand.u32 $0x3FFF, v0  }
0xb5: {  	[tilespmem:$0x2860] =	vst v0  }
0xb6: {  	v0 =	vld [tilespmem:s18+$0x70];
	_ =	sdelay $0x4  }
0xb7: {  	v0 =	vshrl.u32 v0, $0xE  }
0xb8: {  	v0 =	vand.u32 $0x3FFF, v0  }
0xb9: {  	[tilespmem:$0x2870] =	vst v0  }
0xba: {  	[tilespmem:s14], [sflag:$0x1] =	stream.indirect.gather [hbm4b:s1+s12], $0x80, s13, s12, $0xb8;
	[tilespmem:$0x1A500] =	vst v63  }
0xbb: {  	_ =	swait.ge [sflag:s15], $0x4000  }
0xbc: {  	[sflag:s15] =	ssyncset.done $0x0  }
0xbd: {  	[sflag:s15] =	ssyncadd.s32 $0xFFFFC000  }
0xbe: {  	v63 =	vld [tilespmem:s18+$0x0];
	_ =	sdelay $0x4  }
0xbf: {  	v0 =	vand.u32 $0x3FFF, v63  }
0xc0: {  	[tilespmem:$0x2880] =	vst v0  }
0xc1: {  	v0 =	vld [tilespmem:s18+$0x10];
	_ =	sdelay $0x4  }
0xc2: {  	v0 =	vand.u32 $0x3FFF, v0  }
0xc3: {  	[tilespmem:$0x2890] =	vst v0  }
0xc4: {  	v0 =	vld [tilespmem:s18+$0x20];
	_ =	sdelay $0x4  }
0xc5: {  	v0 =	vand.u32 $0x3FFF, v0  }
0xc6: {  	[tilespmem:$0x28A0] =	vst v0  }
0xc7: {  	v0 =	vld [tilespmem:s18+$0x30];
	_ =	sdelay $0x4  }
0xc8: {  	v0 =	vand.u32 $0x3FFF, v0  }
0xc9: {  	[tilespmem:$0x28B0] =	vst v0  }
0xca: {  	v0 =	vld [tilespmem:s18+$0x40];
	_ =	sdelay $0x4  }
0xcb: {  	v0 =	vand.u32 $0x3FFF, v0  }
0xcc: {  	[tilespmem:$0x28C0] =	vst v0  }
0xcd: {  	v0 =	vld [tilespmem:s18+$0x50];
	_ =	sdelay $0x4  }
0xce: {  	v0 =	vand.u32 $0x3FFF, v0  }
0xcf: {  	[tilespmem:$0x28D0] =	vst v0  }
0xd0: {  	v0 =	vld [tilespmem:s18+$0x60];
	_ =	sdelay $0x4  }
0xd1: {  	v0 =	vand.u32 $0x3FFF, v0  }
0xd2: {  	[tilespmem:$0x28E0] =	vst v0  }
0xd3: {  	v0 =	vld [tilespmem:s18+$0x70];
	_ =	sdelay $0x4  }
0xd4: {  	v0 =	vand.u32 $0x3FFF, v0  }
0xd5: {  	[tilespmem:$0x28F0] =	vst v0  }
0xd6: {  	[spmem:s3] =	stream.indirect.scatter.add.f32 [tilespmem:s14], [sflag:$0x2], $0x80, s16, s12, $0xb8;
	[tilespmem:$0x1A500] =	vst v63  }
0xd7: {  	_ =	swait.ge [sflag:s9], $0x4000  }
0xd8: {  	s17 =	sadd.s32 $0x1, s17;
	[sflag:s9] =	ssyncset.done $0x0  }
0xd9: {  	p0 =	sne.s32 s17, s8;
	[sflag:s9] =	ssyncadd.s32 $0xFFFFC000  }
.Ltmp1:
0xda: {  	[bflag:$0x0] =	sbarrier.arrive $0xFFFF;
	(pc) =	sbr.rel @p0 .LBB2_1-.Ltmp1, $4  }
0xdb: {  	[hbm:s7], [sflag:s10] =	dma.local [spmem:s11], $0x2780  }
0xdc: {  	_ =	swait.ge [sflag:s9], $0x2780  }
0xdd: {  	[sflag:s9] =	ssyncset.done $0x0  }
0xde: {  	[sflag:s9] =	ssyncadd.s32 $0xFFFFD880  }
0xdf: {  	_ =	sfence.sel $0x180000  }
0xe0: {  	[bflag:$0x0] =	sbarrier.arrive $0xFFFF  }
0xe1: {  	p0 =	sne.s32 s0, $0x0;
	_ =	strace $0x9000004A  }
0xe2: {  	s0 =	sadd.s32 @!p0 $0x100000, s2;
	[bflag:$0x2] =	sbarrier.arrive $0xFFFF  }
0xe3: {  	[sflag:s0] =	ssyncadd.tile.s32 @!p0 $0x1;
	_ =	shalt  }
.Lfunc_end2:
_tile_overlayer_lowered:
.L_overlay_start_2:
0xe4: {  	(tag) =	ssettag $0x2  }
0xe5: {  	s0 =	rddreg [dreg:$0x0];
	s2 =	stileid.u32  }
0xe6: {  	s1 =	rddreg [dreg:$0x1];
	p0 =	sne.s32 s2, $0x0  }
0xe7: {  	s3 =	rddreg [dreg:$0x2];
	[bflag:$0x3] =	sbarrier.arrive $0xFFFF;
	s2 =	simm.s32 @!p0 $0x1C02  }
0xe8: {  	[timem:s3], [sflag:s2] =	dma.local @!p0 [hbm:s0], s1  }
0xe9: {  	s0 =	simm.s32 @!p0 $0x2  }
0xea: {  	_ =	swait.ge @!p0 [sflag:s0], s1  }
0xeb: {  	s1 =	ssub.s32 @!p0 $0x0, s1;
	[sflag:s0] =	ssyncset.done @!p0 $0x0  }
0xec: {  	[sflag:s0] =	ssyncadd.s32 @!p0 s1  }
0xed: {  	[bflag:$0x3] =	sbarrier.arrive $0xFFFF  }
0xee: {  	_ =	shalt  }

// kernel: kernel.19.cloned.1.call-start
scs
__scs_entry_jumppad:
0x0: {  	(pc) =	sbr.rel $0x88, $3  }
0x1: {  	(tag) =	ssettag $0x0;
	lr =	simm.s32 $0x1  }
0x2: {  	[smem:$0x3F9D] =	sst lr;
	_ =	strace $0xD0000000  }
0x3: {  	_ = 	snop  }
0x4: {  	_ = 	snop  }
0x5: {  	_ = 	snop  }
0x6: {  	_ = 	snop  }
0x7: {  	_ = 	snop  }
__scs_overlays_trampoline_lowered:
0x8: {  	[smem:$0x3FAC] =	sst s0  }
0x9: {  	[smem:$0x3FAD] =	sst s1  }
0xa: {  	[smem:$0x3FAE] =	sst s2  }
0xb: {  	[smem:$0x3FAF] =	sst s3  }
0xc: {  	[smem:$0x3FB0] =	sst s4  }
0xd: {  	[smem:$0x3FB1] =	sst s5  }
0xe: {  	[smem:$0x3FB2] =	sst s6  }
0xf: {  	[smem:$0x3FB3] =	sst s7  }
0x10: {  	[smem:$0x3FB4] =	sst s8  }
0x11: {  	[smem:$0x3FB5] =	sst s9;
	s0 =	simm.s32 @!p0 $0x0  }
0x12: {  	s1 =	sld [smem:$0x3F9B];
	s0 =	simm.s32 @p0 $0x1  }
0x13: {  	[smem:$0x3FB6] =	sst s0;
	s0 =	simm.s32 @!p1 $0x0  }
0x14: {  	s2 =	sld [smem:$0x3F9A];
	s0 =	simm.s32 @p1 $0x1  }
0x15: {  	[smem:$0x3FB7] =	sst s0;
	s0 =	simm.s32 @!p2 $0x0  }
0x16: {  	s3 =	sld [smem:$0x3FDB];
	s0 =	simm.s32 @p2 $0x1  }
0x17: {  	s4 =	simm.s32 $0x1BF5;
	[smem:$0x3FB9] =	sst s0  }
0x18: {  	s0 =	sld [smem:$0x3F9C];
	_ =	swait.ge [sflag:s4], $0x0  }
0x19: {  	s7 =	sld [smem:$0x3F9D]  }
0x1a: {  	s8 =	sadd.s32 $0xFFFFE003, lr  }
0x1b: {  	s9 =	sadd.s32 $0xFFFFFEF7, lr;
	s5 =	simm.s32 $0xFFFFFFFF;
	p2 =	slt.u32 s8, $0xFFFFF086  }
0x1c: {  	p1 =	slt.u32 s9, $0xF7A;
	s5 =	simm.s32 @!p2 $0x0  }
0x1d: {  	s5 =	simm.s32 @p1 $0x1;
	p0 =	seq.s32 s7, s2  }
0x1e: {  	s7 =	smul.u32 @!p0 $0xF7A, s2;
	p2 =	seq.s32 @!p0 s5, $0x0  }
0x1f: {  	s9 =	smul.u32 $0xF7A, s1;
	s8 =	simm.s32 @!p0 $0x1BF5;
	p2 =	por !p2, p0  }
0x20: {  	[sflag:s8] =	ssyncset.s32 @!p0 $0xFFFFF086;
	s6 =	sadd.s32 @!p0 s3, s7;
	s7 =	simm.s32 @!p0 $0x108  }
0x21: {  	s3 =	sadd.s32 s3, s9;
	s6 =	sadd.s32 @!p0 $0x88, s6;
	s7 =	simm.s32 @p2 $0x1082  }
0x22: {  	[simem:s7], [sflag:s8] =	dma.local @!p0 [hbm:s6], $0xF7A  }
0x23: {  	s9 =	sor.u32 $0xD0000000, s2;
	s6 =	simm.s32 $0x108;
	_ =	swait.ge @!p0 [sflag:s8], $0x0  }
0x24: {  	s3 =	sadd.s32 $0x88, s3;
	s6 =	simm.s32 @!p1 $0x1082;
	[sflag:s4] =	ssyncset.s32 $0xFFFFF086  }
0x25: {  	[simem:s6], [sflag:s4] =	dma.local [hbm:s3], $0xF7A  }
0x26: {  	[smem:$0x3F9D] =	sst s1;
	(tag) =	ssettag s2;
	_ =	strace s9  }
0x27: {  	s1 =	sld [smem:$0x3FAD]  }
0x28: {  	s2 =	sld [smem:$0x3FAE]  }
0x29: {  	s4 =	sld [smem:$0x3FB0]  }
0x2a: {  	p0 =	seq.s32 s5, $0x0;
	s5 =	sld [smem:$0x3FB1]  }
0x2b: {  	s6 =	sld [smem:$0x3FB2]  }
0x2c: {  	s7 =	sld [smem:$0x3FB3]  }
0x2d: {  	s3 =	simm.s32 $0x108;
	s8 =	sld [smem:$0x3FB4]  }
0x2e: {  	s3 =	simm.s32 @!p0 $0x1082;
	s9 =	sld [smem:$0x3FB5]  }
0x2f: {  	lr =	sadd.s32 s0, s3;
	s0 =	sld [smem:$0x3FAC]  }
0x30: {  	s3 =	sld [smem:$0x3FAF]  }
0x31: {  	[smem:$0x3FB8] =	sst s10  }
0x32: {  	s10 =	sld [smem:$0x3FB6];
	_ =	sdelay $0x3  }
0x33: {  	p0 =	seq.s32 s10, $0x1;
	s10 =	sld [smem:$0x3FB8];
	_ =	sdelay $0x3  }
0x34: {  	[smem:$0x3FB8] =	sst s10  }
0x35: {  	s10 =	sld [smem:$0x3FB7];
	_ =	sdelay $0x3  }
0x36: {  	p1 =	seq.s32 s10, $0x1;
	s10 =	sld [smem:$0x3FB8];
	_ =	sdelay $0x3  }
0x37: {  	[smem:$0x3FB8] =	sst s10  }
0x38: {  	s10 =	sld [smem:$0x3FB9]  }
0x39: {  	_ = 	snop;
	(pc) =	sbr.ind lr, $3  }
0x3a: {  	_ = 	snop  }
0x3b: {  	_ = 	snop  }
0x3c: {  	p2 =	seq.s32 s10, $0x1;
	s10 =	sld [smem:$0x3FB8]  }
0x3d: {  	_ =	shalt  }
0x3e: {  	_ =	shalt  }
0x3f: {  	_ =	shalt  }
0x40: {  	_ =	shalt  }
0x41: {  	_ =	shalt  }
0x42: {  	_ =	shalt  }
0x43: {  	_ =	shalt  }
0x44: {  	_ =	shalt  }
0x45: {  	_ =	shalt  }
0x46: {  	_ =	shalt  }
0x47: {  	_ =	shalt  }
0x48: {  	_ =	shalt  }
0x49: {  	_ =	shalt  }
0x4a: {  	_ =	shalt  }
0x4b: {  	_ =	shalt  }
0x4c: {  	_ =	shalt  }
0x4d: {  	_ =	shalt  }
0x4e: {  	_ =	shalt  }
0x4f: {  	_ =	shalt  }
0x50: {  	_ =	shalt  }
0x51: {  	_ =	shalt  }
0x52: {  	_ =	shalt  }
0x53: {  	_ =	shalt  }
0x54: {  	_ =	shalt  }
0x55: {  	_ =	shalt  }
0x56: {  	_ =	shalt  }
0x57: {  	_ =	shalt  }
0x58: {  	_ =	shalt  }
0x59: {  	_ =	shalt  }
0x5a: {  	_ =	shalt  }
0x5b: {  	_ =	shalt  }
0x5c: {  	_ =	shalt  }
0x5d: {  	_ =	shalt  }
0x5e: {  	_ =	shalt  }
0x5f: {  	_ =	shalt  }
0x60: {  	_ =	shalt  }
0x61: {  	_ =	shalt  }
0x62: {  	_ =	shalt  }
0x63: {  	_ =	shalt  }
0x64: {  	_ =	shalt  }
0x65: {  	_ =	shalt  }
0x66: {  	_ =	shalt  }
0x67: {  	_ =	shalt  }
0x68: {  	_ =	shalt  }
0x69: {  	_ =	shalt  }
0x6a: {  	_ =	shalt  }
0x6b: {  	_ =	shalt  }
0x6c: {  	_ =	shalt  }
0x6d: {  	_ =	shalt  }
0x6e: {  	_ =	shalt  }
0x6f: {  	_ =	shalt  }
0x70: {  	_ =	shalt  }
0x71: {  	_ =	shalt  }
0x72: {  	_ =	shalt  }
0x73: {  	_ =	shalt  }
0x74: {  	_ =	shalt  }
0x75: {  	_ =	shalt  }
0x76: {  	_ =	shalt  }
0x77: {  	_ =	shalt  }
0x78: {  	_ =	shalt  }
0x79: {  	_ =	shalt  }
0x7a: {  	_ =	shalt  }
0x7b: {  	_ =	shalt  }
0x7c: {  	_ =	shalt  }
0x7d: {  	_ =	shalt  }
0x7e: {  	_ =	shalt  }
0x7f: {  	_ =	shalt  }
0x80: {  	_ =	shalt  }
0x81: {  	_ =	shalt  }
0x82: {  	_ =	shalt  }
0x83: {  	_ =	shalt  }
0x84: {  	_ =	shalt  }
0x85: {  	_ =	shalt  }
0x86: {  	_ =	shalt  }
0x87: {  	_ =	shalt  }
.Lfunc_end0:
.L_simem_size_0:
called_computation.2_lowered:
.L_overlay_start_0:
0x88: {  	s2 =	sld [smem:$0x3FD9]  }
0x89: {  	s3 =	sld [smem:$0x3FFE];
	_ =	sdelay $0x1  }
0x8a: {  	s1 =	srdreg.scid  }
0x8b: {  	s0 =	sand.u32 $0x1, s1  }
0x8c: {  	s17 =	sshll.u32 s0, $0xA;
	s2 =	sadd.s32 s3, s2  }
0x8d: {  	s2 =	sadd.s32 s2, s17  }
0x8e: {  	[smem:$0x3FC4] =	sst s2  }
0x8f: {  	_ = 	snop  }
0x90: {  	s2 =	sld [smem:$0x3FD0];
	(tm) =	ssettm $0x1  }
0x91: {  	s18 =	sld [smem:$0x3FFB];
	_ =	sdelay $0x3  }
0x92: {  	_ =	strace s18  }
0x93: {  	s3 =	sld [smem:$0x3FFC];
	_ =	sdelay $0x3  }
0x94: {  	_ =	strace s3  }
0x95: {  	s3 =	sld [smem:$0x3FFD];
	_ =	sdelay $0x3  }
0x96: {  	_ =	strace s3  }
0x97: {  	_ =	strace $0x8FFFFFFF  }
0x98: {  	s19 =	sld [smem:$0x3FDB];
	_ =	sdelay $0x1  }
0x99: {  	s4 =	simm.s32 $_scs_section_size  }
0x9a: {  	s5 =	simm.s32 $_size__tile_overlayer_lowered;
	s6 =	simm.s32 $_tile_overlayer_lowered  }
0x9b: {  	s22 =	simm.s32 $0x1BFF;
	s21 =	sshll.u32 s6, $0x1;
	s3 =	sadd.s32 s4, s19  }
0x9c: {  	s7 =	simm.s32 $0x0;
	s20 =	sshll.u32 s5, $0x1;
	s5 =	sadd.s32 s21, s3  }
0x9d: {  	[timem:s7], [sflag:s22] =	dma.local [hbm:s5], s20  }
0x9e: {  	_ =	swait.ge [sflag:s22], s20  }
0x9f: {  	s4 =	ssub.s32 $0x0, s20;
	[sflag:s22] =	ssyncset.done $0x0  }
0xa0: {  	[sflag:s22] =	ssyncadd.s32 s4;
	_ =	sdelay $0x1  }
0xa1: {  	s23 =	simm.s32 $0x1B8B  }
0xa2: {  	_ =	swait.ge [sflag:s23], $0x1  }
0xa3: {  	[sflag:s23] =	ssyncset.done $0x0  }
0xa4: {  	s25 =	simm.s32 $0x1B8E;
	s24 =	sld [smem:$0x3FFE];
	[sflag:s23] =	ssyncadd.s32 $0xFFFFFFFF  }
0xa5: {  	s26 =	simm.s32 $execute0_lowered;
	[smem:$0x3FD2] =	sst s25  }
0xa6: {  	s5 =	sshll.u32 s26, $0x1;
	_ =	strace $0x8000004C;
	[dreg:$0x1] =	wrdreg $0xFFFFFFFF  }
0xa7: {  	s28 =	simm.s32 $_size_execute0_lowered;
	s3 =	sadd.s32 s3, s5;
	[dreg:$0x0] =	wrdreg $0x0  }
0xa8: {  	s5 =	sshll.u32 s28, $0x1;
	[dreg:$0x2] =	wrdreg s3  }
0xa9: {  	[dreg:$0x3] =	wrdreg s5  }
0xaa: {  	[dreg:$0x4] =	wrdreg $0xC0  }
0xab: {  	_ =	task [dreg:s7], $0x5FFFF  }
0xac: {  	[dreg:$0x1] =	wrdreg $0xFFFFFFFF  }
0xad: {  	[dreg:$0x0] =	wrdreg $0x60  }
0xae: {  	[dreg:$0x2] =	wrdreg s2  }
0xaf: {  	[dreg:$0x3] =	wrdreg s24  }
0xb0: {  	[dreg:$0x4] =	wrdreg $0x69000  }
0xb1: {  	[dreg:$0x5] =	wrdreg $0x9  }
0xb2: {  	_ =	task.clear_ibuf [dreg:s7], $0x6FFFF;
	_ =	strace $0x9000004C  }
0xb3: {  	s29 =	simm.s32 $0x9;
	_ =	strace $0x8000004E  }
0xb4: {  	_ =	swait.ge [sflag:s29], $0x1  }
0xb5: {  	[sflag:s29] =	ssyncadd.s32 $0xFFFFFFFF  }
0xb6: {  	_ =	strace $0x9000004E  }
0xb7: {  	_ =	sfence  }
0xb8: {  	s30 =	sld [smem:$0x0];
	_ =	sdelay $0x2  }
0xb9: {  	s31 =	sshll.u32 s1, $0xD;
	s1 =	sshrl.u32 s1, $0x2  }
0xba: {  	s3 =	sand.u32 $0x4000, s31;
	s1 =	sadd.s32 s1, s30  }
0xbb: {  	s0 =	sor.u32 s3, s0;
	s1 =	sshll.u32 s1, $0x11  }
0xbc: {  	s0 =	sor.u32 s1, s0  }
0xbd: {  	s0 =	sadd.s32 $0x8F2B, s0  }
0xbe: {  	[sflag:s0] =	ssyncadd.remote.s32 $0x1  }
0xbf: {  	_ =	sfence.sel $0xFFFF  }
0xc0: {  	[dreg:$0x0] =	wrdreg $0xFFFFFFFF;
	(pc) =	sbr.abs _section_cstart, $3  }
0xc1: {  	[dreg:$0x1] =	wrdreg $0xFFFFFFFF  }
0xc2: {  	_ =	task.clear_ibuf [dreg:s7], $0x2FFFF;
	_ =	strace $0x9FFFFFFF  }
0xc3: {  	(tm) =	ssettm $0x7FFFFFFF  }
tec
execute0_lowered:
.L_overlay_start_1:
0x0: {  	(tag) =	ssettag $0x1  }
0x1: {  	s1 =	rddreg [dreg:$0x0]  }
0x2: {  	s6 =	rddreg [dreg:$0x1]  }
0x3: {  	s0 =	srdreg.scid;
	s3 =	rddreg [dreg:$0x2];
	s4 =	simm.s32 $0x0  }
0x4: {  	s13 =	simm.s32 $0x2800;
	s14 =	simm.s32 $0x2900;
	s15 =	simm.s32 $0x1  }
0x5: {  	s16 =	simm.s32 $0x2880;
	s5 =	sand.u32 $0x1, s0;
	s0 =	stileid.u32  }
0x6: {  	s17 =	simm.s32 $0x0;
	[smem:$0x7FF] =	sst s4;
	s8 =	smul.u32 $0x13C00, s0  }
0x7: {  	s2 =	sshll.u32 s5, $0x4;
	s9 =	smul.u32 $0x13C000, s5;
	s5 =	ssub.s32 $0x2, s5  }
0x8: {  	s29 =	smul.u32 $0x4F000, s0;
	s31 =	sshll.u32 s0, $0x6;
	s2 =	sor.u32 s0, s2  }
0x9: {  	s11 =	sshrl.u32 s5, $0x1;
	s7 =	smul.u32 $0x500, s2;
	s2 =	rddreg [dreg:$0x3]  }
0xa: {  	_ =	strace $0x8000004D;
	s10 =	sshrl.u32 s8, $0x3;
	s8 =	sadd.s32 s8, s9  }
0xb: {  	s11 =	ssub.s32 s5, s11;
	s30 =	sshrl.u32 s29, $0x2;
	s9 =	simm.s32 $0x2  }
0xc: {  	s10 =	sadd.s32 s10, s6;
	s8 =	sshrl.u32 s8, $0x3;
	s12 =	sadd.s32 s30, s3  }
0xd: {  	s7 =	sadd.s32 s7, s6;
	s8 =	sadd.s32 s8, s6;
	s6 =	sadd.s32 $0xDC00, s10  }
0xe: {  	s10 =	sor.u32 $0x1C02, s31;
	s5 =	sadd.s32 $0x3C00, s7;
	s7 =	sadd.s32 $0x5C600, s8  }
0xf: {  	s8 =	smax.u32 s11, $0x1;
	s11 =	sshrl.u32 s12, $0x3;
	s12 =	simm.s32 $0x80  }
.LBB2_1:
0x10: {  	[tilespmem:s4], [sflag:$0x2] =	stream.linear.gather [hbm4b:s5+s4], $0x2780, $0x38;
	[tilespmem:$0x1A500] =	vst v63  }
0x11: {  	_ =	swait.ge [sflag:s9], $0x2780  }
0x12: {  	[sflag:s9] =	ssyncset.done $0x0  }
0x13: {  	[sflag:s9] =	ssyncadd.s32 $0xFFFFD880  }
0x14: {  	[spmem:s11], [sflag:s10] =	dma.local [hbm:s6], $0x2780  }
0x15: {  	_ =	swait.ge [sflag:s9], $0x2780  }
0x16: {  	[sflag:s9] =	ssyncset.done $0x0  }
0x17: {  	[sflag:s9] =	ssyncadd.s32 $0xFFFFD880  }
0x18: {  	s18 =	simm.s32 $0x0;
	[bflag:$0x0] =	sbarrier.arrive $0xFFFF  }
0x19: {  	v0 =	vld [tilespmem:s18+$0x0];
	_ =	sdelay $0x4  }
0x1a: {  	v0 =	vshrl.u32 v0, $0xE  }
0x1b: {  	v0 =	vand.u32 $0x3FFF, v0  }
0x1c: {  	[tilespmem:$0x2800] =	vst v0  }
0x1d: {  	v0 =	vld [tilespmem:s18+$0x10];
	_ =	sdelay $0x4  }
0x1e: {  	v0 =	vshrl.u32 v0, $0xE  }
0x1f: {  	v0 =	vand.u32 $0x3FFF, v0  }
0x20: {  	[tilespmem:$0x2810] =	vst v0  }
0x21: {  	v0 =	vld [tilespmem:s18+$0x20];
	_ =	sdelay $0x4  }
0x22: {  	v0 =	vshrl.u32 v0, $0xE  }
0x23: {  	v0 =	vand.u32 $0x3FFF, v0  }
0x24: {  	[tilespmem:$0x2820] =	vst v0  }
0x25: {  	v0 =	vld [tilespmem:s18+$0x30];
	_ =	sdelay $0x4  }
0x26: {  	v0 =	vshrl.u32 v0, $0xE  }
0x27: {  	v0 =	vand.u32 $0x3FFF, v0  }
0x28: {  	[tilespmem:$0x2830] =	vst v0  }
0x29: {  	v0 =	vld [tilespmem:s18+$0x40];
	_ =	sdelay $0x4  }
0x2a: {  	v0 =	vshrl.u32 v0, $0xE  }
0x2b: {  	v0 =	vand.u32 $0x3FFF, v0  }
0x2c: {  	[tilespmem:$0x2840] =	vst v0  }
0x2d: {  	v0 =	vld [tilespmem:s18+$0x50];
	_ =	sdelay $0x4  }
0x2e: {  	v0 =	vshrl.u32 v0, $0xE  }
0x2f: {  	v0 =	vand.u32 $0x3FFF, v0  }
0x30: {  	[tilespmem:$0x2850] =	vst v0  }
0x31: {  	v0 =	vld [tilespmem:s18+$0x60];
	_ =	sdelay $0x4  }
0x32: {  	v0 =	vshrl.u32 v0, $0xE  }
0x33: {  	v0 =	vand.u32 $0x3FFF, v0  }
0x34: {  	[tilespmem:$0x2860] =	vst v0  }
0x35: {  	v0 =	vld [tilespmem:s18+$0x70];
	_ =	sdelay $0x4  }
0x36: {  	v0 =	vshrl.u32 v0, $0xE  }
0x37: {  	v0 =	vand.u32 $0x3FFF, v0  }
0x38: {  	[tilespmem:$0x2870] =	vst v0  }
0x39: {  	[tilespmem:s14], [sflag:$0x1] =	stream.indirect.gather [hbm4b:s1+s12], $0x80, s13, s12, $0xb8;
	[tilespmem:$0x1A500] =	vst v63  }
0x3a: {  	_ =	swait.ge [sflag:s15], $0x4000  }
0x3b: {  	[sflag:s15] =	ssyncset.done $0x0  }
0x3c: {  	[sflag:s15] =	ssyncadd.s32 $0xFFFFC000  }
0x3d: {  	v63 =	vld [tilespmem:s18+$0x0];
	_ =	sdelay $0x4  }
0x3e: {  	v0 =	vand.u32 $0x3FFF, v63  }
0x3f: {  	[tilespmem:$0x2880] =	vst v0  }
0x40: {  	v0 =	vld [tilespmem:s18+$0x10];
	_ =	sdelay $0x4  }
0x41: {  	v0 =	vand.u32 $0x3FFF, v0  }
0x42: {  	[tilespmem:$0x2890] =	vst v0  }
0x43: {  	v0 =	vld [tilespmem:s18+$0x20];
	_ =	sdelay $0x4  }
0x44: {  	v0 =	vand.u32 $0x3FFF, v0  }
0x45: {  	[tilespmem:$0x28A0] =	vst v0  }
0x46: {  	v0 =	vld [tilespmem:s18+$0x30];
	_ =	sdelay $0x4  }
0x47: {  	v0 =	vand.u32 $0x3FFF, v0  }
0x48: {  	[tilespmem:$0x28B0] =	vst v0  }
0x49: {  	v0 =	vld [tilespmem:s18+$0x40];
	_ =	sdelay $0x4  }
0x4a: {  	v0 =	vand.u32 $0x3FFF, v0  }
0x4b: {  	[tilespmem:$0x28C0] =	vst v0  }
0x4c: {  	v0 =	vld [tilespmem:s18+$0x50];
	_ =	sdelay $0x4  }
0x4d: {  	v0 =	vand.u32 $0x3FFF, v0  }
0x4e: {  	[tilespmem:$0x28D0] =	vst v0  }
0x4f: {  	v0 =	vld [tilespmem:s18+$0x60];
	_ =	sdelay $0x4  }
0x50: {  	v0 =	vand.u32 $0x3FFF, v0  }
0x51: {  	[tilespmem:$0x28E0] =	vst v0  }
0x52: {  	v0 =	vld [tilespmem:s18+$0x70];
	_ =	sdelay $0x4  }
0x53: {  	v0 =	vand.u32 $0x3FFF, v0  }
0x54: {  	[tilespmem:$0x28F0] =	vst v0  }
0x55: {  	[spmem:s3] =	stream.indirect.scatter.add.f32 [tilespmem:s14], [sflag:$0x2], $0x80, s16, s12, $0xb8;
	[tilespmem:$0x1A500] =	vst v63  }
0x56: {  	_ =	swait.ge [sflag:s9], $0x4000  }
0x57: {  	s21 =	simm.s32 $0x400;
	s18 =	simm.s32 $0x200;
	[sflag:s9] =	ssyncset.done $0x0  }
.LBB2_2:
0x58: {  	s20 =	sshra.s32 s18, $0x2  }
0x59: {  	[sflag:s9] =	ssyncadd.s32 $0xFFFFC000;
	s18 =	smov.u32 s21;
	s19 =	sadd.s32 $0x200, s21  }
0x5a: {  	p0 =	sne.s32 s21, $0x9C00;
	v0 =	vld [tilespmem:s20+$0x0];
	_ =	sdelay $0x4  }
0x5b: {  	v0 =	vshrl.u32 v0, $0xE  }
0x5c: {  	v0 =	vand.u32 $0x3FFF, v0  }
0x5d: {  	[tilespmem:$0x2800] =	vst v0  }
0x5e: {  	v0 =	vld [tilespmem:s20+$0x10];
	_ =	sdelay $0x4  }
0x5f: {  	v0 =	vshrl.u32 v0, $0xE  }
0x60: {  	v0 =	vand.u32 $0x3FFF, v0  }
0x61: {  	[tilespmem:$0x2810] =	vst v0  }
0x62: {  	v0 =	vld [tilespmem:s20+$0x20];
	_ =	sdelay $0x4  }
0x63: {  	v0 =	vshrl.u32 v0, $0xE  }
0x64: {  	v0 =	vand.u32 $0x3FFF, v0  }
0x65: {  	[tilespmem:$0x2820] =	vst v0  }
0x66: {  	v0 =	vld [tilespmem:s20+$0x30];
	_ =	sdelay $0x4  }
0x67: {  	v0 =	vshrl.u32 v0, $0xE  }
0x68: {  	v0 =	vand.u32 $0x3FFF, v0  }
0x69: {  	[tilespmem:$0x2830] =	vst v0  }
0x6a: {  	v0 =	vld [tilespmem:s20+$0x40];
	_ =	sdelay $0x4  }
0x6b: {  	v0 =	vshrl.u32 v0, $0xE  }
0x6c: {  	v0 =	vand.u32 $0x3FFF, v0  }
0x6d: {  	[tilespmem:$0x2840] =	vst v0  }
0x6e: {  	v0 =	vld [tilespmem:s20+$0x50];
	_ =	sdelay $0x4  }
0x6f: {  	v0 =	vshrl.u32 v0, $0xE  }
0x70: {  	v0 =	vand.u32 $0x3FFF, v0  }
0x71: {  	[tilespmem:$0x2850] =	vst v0  }
0x72: {  	v0 =	vld [tilespmem:s20+$0x60];
	_ =	sdelay $0x4  }
0x73: {  	v0 =	vshrl.u32 v0, $0xE  }
0x74: {  	v0 =	vand.u32 $0x3FFF, v0  }
0x75: {  	[tilespmem:$0x2860] =	vst v0  }
0x76: {  	v0 =	vld [tilespmem:s20+$0x70];
	_ =	sdelay $0x4  }
0x77: {  	v0 =	vshrl.u32 v0, $0xE  }
0x78: {  	v0 =	vand.u32 $0x3FFF, v0  }
0x79: {  	[tilespmem:$0x2870] =	vst v0  }
0x7a: {  	[tilespmem:s14], [sflag:$0x1] =	stream.indirect.gather [hbm4b:s1+s12], $0x80, s13, s12, $0xb8;
	[tilespmem:$0x1A500] =	vst v63  }
0x7b: {  	_ =	swait.ge [sflag:s15], $0x4000  }
0x7c: {  	[sflag:s15] =	ssyncset.done $0x0  }
0x7d: {  	[sflag:s15] =	ssyncadd.s32 $0xFFFFC000  }
0x7e: {  	v0 =	vld [tilespmem:s20+$0x0];
	_ =	sdelay $0x4  }
0x7f: {  	v0 =	vand.u32 $0x3FFF, v0  }
0x80: {  	[tilespmem:$0x2880] =	vst v0  }
0x81: {  	v0 =	vld [tilespmem:s20+$0x10];
	_ =	sdelay $0x4  }
0x82: {  	v0 =	vand.u32 $0x3FFF, v0  }
0x83: {  	[tilespmem:$0x2890] =	vst v0  }
0x84: {  	v0 =	vld [tilespmem:s20+$0x20];
	_ =	sdelay $0x4  }
0x85: {  	v0 =	vand.u32 $0x3FFF, v0  }
0x86: {  	[tilespmem:$0x28A0] =	vst v0  }
0x87: {  	v0 =	vld [tilespmem:s20+$0x30];
	_ =	sdelay $0x4  }
0x88: {  	v0 =	vand.u32 $0x3FFF, v0  }
0x89: {  	[tilespmem:$0x28B0] =	vst v0  }
0x8a: {  	v0 =	vld [tilespmem:s20+$0x40];
	_ =	sdelay $0x4  }
0x8b: {  	v0 =	vand.u32 $0x3FFF, v0  }
0x8c: {  	[tilespmem:$0x28C0] =	vst v0  }
0x8d: {  	v0 =	vld [tilespmem:s20+$0x50];
	_ =	sdelay $0x4  }
0x8e: {  	v0 =	vand.u32 $0x3FFF, v0  }
0x8f: {  	[tilespmem:$0x28D0] =	vst v0  }
0x90: {  	v0 =	vld [tilespmem:s20+$0x60];
	_ =	sdelay $0x4  }
0x91: {  	v0 =	vand.u32 $0x3FFF, v0  }
0x92: {  	[tilespmem:$0x28E0] =	vst v0  }
0x93: {  	v0 =	vld [tilespmem:s20+$0x70];
	_ =	sdelay $0x4  }
.Ltmp0:
0x94: {  	v0 =	vand.u32 $0x3FFF, v0;
	(pc) =	sbr.rel @p0 .LBB2_2-.Ltmp0, $4  }
0x95: {  	[tilespmem:$0x28F0] =	vst v0  }
0x96: {  	[spmem:s3] =	stream.indirect.scatter.add.f32 [tilespmem:s14], [sflag:$0x2], $0x80, s16, s12, $0xb8;
	[tilespmem:$0x1A500] =	vst v63  }
0x97: {  	_ =	swait.ge [sflag:s9], $0x4000  }
0x98: {  	s21 =	smov.u32 s19;
	[sflag:s9] =	ssyncset.done $0x0  }
0x99: {  	s18 =	sshra.s32 s18, $0x2;
	[sflag:s9] =	ssyncadd.s32 $0xFFFFC000  }
0x9a: {  	v0 =	vld [tilespmem:s18+$0x0];
	_ =	sdelay $0x4  }
0x9b: {  	v0 =	vshrl.u32 v0, $0xE  }
0x9c: {  	v0 =	vand.u32 $0x3FFF, v0  }
0x9d: {  	[tilespmem:$0x2800] =	vst v0  }
0x9e: {  	v0 =	vld [tilespmem:s18+$0x10];
	_ =	sdelay $0x4  }
0x9f: {  	v0 =	vshrl.u32 v0, $0xE  }
0xa0: {  	v0 =	vand.u32 $0x3FFF, v0  }
0xa1: {  	[tilespmem:$0x2810] =	vst v0  }
0xa2: {  	v0 =	vld [tilespmem:s18+$0x20];
	_ =	sdelay $0x4  }
0xa3: {  	v0 =	vshrl.u32 v0, $0xE  }
0xa4: {  	v0 =	vand.u32 $0x3FFF, v0  }
0xa5: {  	[tilespmem:$0x2820] =	vst v0  }
0xa6: {  	v0 =	vld [tilespmem:s18+$0x30];
	_ =	sdelay $0x4  }
0xa7: {  	v0 =	vshrl.u32 v0, $0xE  }
0xa8: {  	v0 =	vand.u32 $0x3FFF, v0  }
0xa9: {  	[tilespmem:$0x2830] =	vst v0  }
0xaa: {  	v0 =	vld [tilespmem:s18+$0x40];
	_ =	sdelay $0x4  }
0xab: {  	v0 =	vshrl.u32 v0, $0xE  }
0xac: {  	v0 =	vand.u32 $0x3FFF, v0  }
0xad: {  	[tilespmem:$0x2840] =	vst v0  }
0xae: {  	v0 =	vld [tilespmem:s18+$0x50];
	_ =	sdelay $0x4  }
0xaf: {  	v0 =	vshrl.u32 v0, $0xE  }
0xb0: {  	v0 =	vand.u32 $0x3FFF, v0  }
0xb1: {  	[tilespmem:$0x2850] =	vst v0  }
0xb2: {  	v0 =	vld [tilespmem:s18+$0x60];
	_ =	sdelay $0x4  }
0xb3: {  	v0 =	vshrl.u32 v0, $0xE  }
0xb4: {  	v0 =	vand.u32 $0x3FFF, v0  }
0xb5: {  	[tilespmem:$0x2860] =	vst v0  }
0xb6: {  	v0 =	vld [tilespmem:s18+$0x70];
	_ =	sdelay $0x4  }
0xb7: {  	v0 =	vshrl.u32 v0, $0xE  }
0xb8: {  	v0 =	vand.u32 $0x3FFF, v0  }
0xb9: {  	[tilespmem:$0x2870] =	vst v0  }
0xba: {  	[tilespmem:s14], [sflag:$0x1] =	stream.indirect.gather [hbm4b:s1+s12], $0x80, s13, s12, $0xb8;
	[tilespmem:$0x1A500] =	vst v63  }
0xbb: {  	_ =	swait.ge [sflag:s15], $0x4000  }
0xbc: {  	[sflag:s15] =	ssyncset.done $0x0  }
0xbd: {  	[sflag:s15] =	ssyncadd.s32 $0xFFFFC000  }
0xbe: {  	v63 =	vld [tilespmem:s18+$0x0];
	_ =	sdelay $0x4  }
0xbf: {  	v0 =	vand.u32 $0x3FFF, v63  }
0xc0: {  	[tilespmem:$0x2880] =	vst v0  }
0xc1: {  	v0 =	vld [tilespmem:s18+$0x10];
	_ =	sdelay $0x4  }
0xc2: {  	v0 =	vand.u32 $0x3FFF, v0  }
0xc3: {  	[tilespmem:$0x2890] =	vst v0  }
0xc4: {  	v0 =	vld [tilespmem:s18+$0x20];
	_ =	sdelay $0x4  }
0xc5: {  	v0 =	vand.u32 $0x3FFF, v0  }
0xc6: {  	[tilespmem:$0x28A0] =	vst v0  }
0xc7: {  	v0 =	vld [tilespmem:s18+$0x30];
	_ =	sdelay $0x4  }
0xc8: {  	v0 =	vand.u32 $0x3FFF, v0  }
0xc9: {  	[tilespmem:$0x28B0] =	vst v0  }
0xca: {  	v0 =	vld [tilespmem:s18+$0x40];
	_ =	sdelay $0x4  }
0xcb: {  	v0 =	vand.u32 $0x3FFF, v0  }
0xcc: {  	[tilespmem:$0x28C0] =	vst v0  }
0xcd: {  	v0 =	vld [tilespmem:s18+$0x50];
	_ =	sdelay $0x4  }
0xce: {  	v0 =	vand.u32 $0x3FFF, v0  }
0xcf: {  	[tilespmem:$0x28D0] =	vst v0  }
0xd0: {  	v0 =	vld [tilespmem:s18+$0x60];
	_ =	sdelay $0x4  }
0xd1: {  	v0 =	vand.u32 $0x3FFF, v0  }
0xd2: {  	[tilespmem:$0x28E0] =	vst v0  }
0xd3: {  	v0 =	vld [tilespmem:s18+$0x70];
	_ =	sdelay $0x4  }
0xd4: {  	v0 =	vand.u32 $0x3FFF, v0  }
0xd5: {  	[tilespmem:$0x28F0] =	vst v0  }
0xd6: {  	[spmem:s3] =	stream.indirect.scatter.add.f32 [tilespmem:s14], [sflag:$0x2], $0x80, s16, s12, $0xb8;
	[tilespmem:$0x1A500] =	vst v63  }
0xd7: {  	_ =	swait.ge [sflag:s9], $0x4000  }
0xd8: {  	s17 =	sadd.s32 $0x1, s17;
	[sflag:s9] =	ssyncset.done $0x0  }
0xd9: {  	p0 =	sne.s32 s17, s8;
	[sflag:s9] =	ssyncadd.s32 $0xFFFFC000  }
.Ltmp1:
0xda: {  	[bflag:$0x0] =	sbarrier.arrive $0xFFFF;
	(pc) =	sbr.rel @p0 .LBB2_1-.Ltmp1, $4  }
0xdb: {  	[hbm:s7], [sflag:s10] =	dma.local [spmem:s11], $0x2780  }
0xdc: {  	_ =	swait.ge [sflag:s9], $0x2780  }
0xdd: {  	[sflag:s9] =	ssyncset.done $0x0  }
0xde: {  	[sflag:s9] =	ssyncadd.s32 $0xFFFFD880  }
0xdf: {  	_ =	sfence.sel $0x180000  }
0xe0: {  	[bflag:$0x0] =	sbarrier.arrive $0xFFFF  }
0xe1: {  	p0 =	sne.s32 s0, $0x0;
	_ =	strace $0x9000004D  }
0xe2: {  	s0 =	sadd.s32 @!p0 $0x100000, s2;
	[bflag:$0x2] =	sbarrier.arrive $0xFFFF  }
0xe3: {  	[sflag:s0] =	ssyncadd.tile.s32 @!p0 $0x1;
	_ =	shalt  }
.Lfunc_end2:
_tile_overlayer_lowered:
.L_overlay_start_2:
0xe4: {  	(tag) =	ssettag $0x2  }
0xe5: {  	s0 =	rddreg [dreg:$0x0];
	s2 =	stileid.u32  }
0xe6: {  	s1 =	rddreg [dreg:$0x1];
	p0 =	sne.s32 s2, $0x0  }
0xe7: {  	s3 =	rddreg [dreg:$0x2];
	[bflag:$0x3] =	sbarrier.arrive $0xFFFF;
	s2 =	simm.s32 @!p0 $0x1C02  }
0xe8: {  	[timem:s3], [sflag:s2] =	dma.local @!p0 [hbm:s0], s1  }
0xe9: {  	s0 =	simm.s32 @!p0 $0x2  }
0xea: {  	_ =	swait.ge @!p0 [sflag:s0], s1  }
0xeb: {  	s1 =	ssub.s32 @!p0 $0x0, s1;
	[sflag:s0] =	ssyncset.done @!p0 $0x0  }
0xec: {  	[sflag:s0] =	ssyncadd.s32 @!p0 s1  }
0xed: {  	[bflag:$0x3] =	sbarrier.arrive $0xFFFF  }
0xee: {  	_ =	shalt  }

// kernel: kernel.22.cloned.1.call-start
scs
__scs_entry_jumppad:
0x0: {  	(pc) =	sbr.rel $0x88, $3  }
0x1: {  	(tag) =	ssettag $0x0;
	lr =	simm.s32 $0x1  }
0x2: {  	[smem:$0x3F9D] =	sst lr;
	_ =	strace $0xD0000000  }
0x3: {  	_ = 	snop  }
0x4: {  	_ = 	snop  }
0x5: {  	_ = 	snop  }
0x6: {  	_ = 	snop  }
0x7: {  	_ = 	snop  }
__scs_overlays_trampoline_lowered:
0x8: {  	[smem:$0x3FAC] =	sst s0  }
0x9: {  	[smem:$0x3FAD] =	sst s1  }
0xa: {  	[smem:$0x3FAE] =	sst s2  }
0xb: {  	[smem:$0x3FAF] =	sst s3  }
0xc: {  	[smem:$0x3FB0] =	sst s4  }
0xd: {  	[smem:$0x3FB1] =	sst s5  }
0xe: {  	[smem:$0x3FB2] =	sst s6  }
0xf: {  	[smem:$0x3FB3] =	sst s7  }
0x10: {  	[smem:$0x3FB4] =	sst s8  }
0x11: {  	[smem:$0x3FB5] =	sst s9;
	s0 =	simm.s32 @!p0 $0x0  }
0x12: {  	s1 =	sld [smem:$0x3F9B];
	s0 =	simm.s32 @p0 $0x1  }
0x13: {  	[smem:$0x3FB6] =	sst s0;
	s0 =	simm.s32 @!p1 $0x0  }
0x14: {  	s2 =	sld [smem:$0x3F9A];
	s0 =	simm.s32 @p1 $0x1  }
0x15: {  	[smem:$0x3FB7] =	sst s0;
	s0 =	simm.s32 @!p2 $0x0  }
0x16: {  	s3 =	sld [smem:$0x3FDB];
	s0 =	simm.s32 @p2 $0x1  }
0x17: {  	s4 =	simm.s32 $0x1BF5;
	[smem:$0x3FB9] =	sst s0  }
0x18: {  	s0 =	sld [smem:$0x3F9C];
	_ =	swait.ge [sflag:s4], $0x0  }
0x19: {  	s7 =	sld [smem:$0x3F9D]  }
0x1a: {  	s8 =	sadd.s32 $0xFFFFE003, lr  }
0x1b: {  	s9 =	sadd.s32 $0xFFFFFEF7, lr;
	s5 =	simm.s32 $0xFFFFFFFF;
	p2 =	slt.u32 s8, $0xFFFFF086  }
0x1c: {  	p1 =	slt.u32 s9, $0xF7A;
	s5 =	simm.s32 @!p2 $0x0  }
0x1d: {  	s5 =	simm.s32 @p1 $0x1;
	p0 =	seq.s32 s7, s2  }
0x1e: {  	s7 =	smul.u32 @!p0 $0xF7A, s2;
	p2 =	seq.s32 @!p0 s5, $0x0  }
0x1f: {  	s9 =	smul.u32 $0xF7A, s1;
	s8 =	simm.s32 @!p0 $0x1BF5;
	p2 =	por !p2, p0  }
0x20: {  	[sflag:s8] =	ssyncset.s32 @!p0 $0xFFFFF086;
	s6 =	sadd.s32 @!p0 s3, s7;
	s7 =	simm.s32 @!p0 $0x108  }
0x21: {  	s3 =	sadd.s32 s3, s9;
	s6 =	sadd.s32 @!p0 $0x88, s6;
	s7 =	simm.s32 @p2 $0x1082  }
0x22: {  	[simem:s7], [sflag:s8] =	dma.local @!p0 [hbm:s6], $0xF7A  }
0x23: {  	s9 =	sor.u32 $0xD0000000, s2;
	s6 =	simm.s32 $0x108;
	_ =	swait.ge @!p0 [sflag:s8], $0x0  }
0x24: {  	s3 =	sadd.s32 $0x88, s3;
	s6 =	simm.s32 @!p1 $0x1082;
	[sflag:s4] =	ssyncset.s32 $0xFFFFF086  }
0x25: {  	[simem:s6], [sflag:s4] =	dma.local [hbm:s3], $0xF7A  }
0x26: {  	[smem:$0x3F9D] =	sst s1;
	(tag) =	ssettag s2;
	_ =	strace s9  }
0x27: {  	s1 =	sld [smem:$0x3FAD]  }
0x28: {  	s2 =	sld [smem:$0x3FAE]  }
0x29: {  	s4 =	sld [smem:$0x3FB0]  }
0x2a: {  	p0 =	seq.s32 s5, $0x0;
	s5 =	sld [smem:$0x3FB1]  }
0x2b: {  	s6 =	sld [smem:$0x3FB2]  }
0x2c: {  	s7 =	sld [smem:$0x3FB3]  }
0x2d: {  	s3 =	simm.s32 $0x108;
	s8 =	sld [smem:$0x3FB4]  }
0x2e: {  	s3 =	simm.s32 @!p0 $0x1082;
	s9 =	sld [smem:$0x3FB5]  }
0x2f: {  	lr =	sadd.s32 s0, s3;
	s0 =	sld [smem:$0x3FAC]  }
0x30: {  	s3 =	sld [smem:$0x3FAF]  }
0x31: {  	[smem:$0x3FB8] =	sst s10  }
0x32: {  	s10 =	sld [smem:$0x3FB6];
	_ =	sdelay $0x3  }
0x33: {  	p0 =	seq.s32 s10, $0x1;
	s10 =	sld [smem:$0x3FB8];
	_ =	sdelay $0x3  }
0x34: {  	[smem:$0x3FB8] =	sst s10  }
0x35: {  	s10 =	sld [smem:$0x3FB7];
	_ =	sdelay $0x3  }
0x36: {  	p1 =	seq.s32 s10, $0x1;
	s10 =	sld [smem:$0x3FB8];
	_ =	sdelay $0x3  }
0x37: {  	[smem:$0x3FB8] =	sst s10  }
0x38: {  	s10 =	sld [smem:$0x3FB9]  }
0x39: {  	_ = 	snop;
	(pc) =	sbr.ind lr, $3  }
0x3a: {  	_ = 	snop  }
0x3b: {  	_ = 	snop  }
0x3c: {  	p2 =	seq.s32 s10, $0x1;
	s10 =	sld [smem:$0x3FB8]  }
0x3d: {  	_ =	shalt  }
0x3e: {  	_ =	shalt  }
0x3f: {  	_ =	shalt  }
0x40: {  	_ =	shalt  }
0x41: {  	_ =	shalt  }
0x42: {  	_ =	shalt  }
0x43: {  	_ =	shalt  }
0x44: {  	_ =	shalt  }
0x45: {  	_ =	shalt  }
0x46: {  	_ =	shalt  }
0x47: {  	_ =	shalt  }
0x48: {  	_ =	shalt  }
0x49: {  	_ =	shalt  }
0x4a: {  	_ =	shalt  }
0x4b: {  	_ =	shalt  }
0x4c: {  	_ =	shalt  }
0x4d: {  	_ =	shalt  }
0x4e: {  	_ =	shalt  }
0x4f: {  	_ =	shalt  }
0x50: {  	_ =	shalt  }
0x51: {  	_ =	shalt  }
0x52: {  	_ =	shalt  }
0x53: {  	_ =	shalt  }
0x54: {  	_ =	shalt  }
0x55: {  	_ =	shalt  }
0x56: {  	_ =	shalt  }
0x57: {  	_ =	shalt  }
0x58: {  	_ =	shalt  }
0x59: {  	_ =	shalt  }
0x5a: {  	_ =	shalt  }
0x5b: {  	_ =	shalt  }
0x5c: {  	_ =	shalt  }
0x5d: {  	_ =	shalt  }
0x5e: {  	_ =	shalt  }
0x5f: {  	_ =	shalt  }
0x60: {  	_ =	shalt  }
0x61: {  	_ =	shalt  }
0x62: {  	_ =	shalt  }
0x63: {  	_ =	shalt  }
0x64: {  	_ =	shalt  }
0x65: {  	_ =	shalt  }
0x66: {  	_ =	shalt  }
0x67: {  	_ =	shalt  }
0x68: {  	_ =	shalt  }
0x69: {  	_ =	shalt  }
0x6a: {  	_ =	shalt  }
0x6b: {  	_ =	shalt  }
0x6c: {  	_ =	shalt  }
0x6d: {  	_ =	shalt  }
0x6e: {  	_ =	shalt  }
0x6f: {  	_ =	shalt  }
0x70: {  	_ =	shalt  }
0x71: {  	_ =	shalt  }
0x72: {  	_ =	shalt  }
0x73: {  	_ =	shalt  }
0x74: {  	_ =	shalt  }
0x75: {  	_ =	shalt  }
0x76: {  	_ =	shalt  }
0x77: {  	_ =	shalt  }
0x78: {  	_ =	shalt  }
0x79: {  	_ =	shalt  }
0x7a: {  	_ =	shalt  }
0x7b: {  	_ =	shalt  }
0x7c: {  	_ =	shalt  }
0x7d: {  	_ =	shalt  }
0x7e: {  	_ =	shalt  }
0x7f: {  	_ =	shalt  }
0x80: {  	_ =	shalt  }
0x81: {  	_ =	shalt  }
0x82: {  	_ =	shalt  }
0x83: {  	_ =	shalt  }
0x84: {  	_ =	shalt  }
0x85: {  	_ =	shalt  }
0x86: {  	_ =	shalt  }
0x87: {  	_ =	shalt  }
.Lfunc_end0:
.L_simem_size_0:
called_computation.3_lowered:
.L_overlay_start_0:
0x88: {  	s2 =	sld [smem:$0x3FD9]  }
0x89: {  	s3 =	sld [smem:$0x3FFE];
	_ =	sdelay $0x1  }
0x8a: {  	s1 =	srdreg.scid  }
0x8b: {  	s0 =	sand.u32 $0x1, s1  }
0x8c: {  	s17 =	sshll.u32 s0, $0xA;
	s2 =	sadd.s32 s3, s2  }
0x8d: {  	s2 =	sadd.s32 s2, s17  }
0x8e: {  	[smem:$0x3FC4] =	sst s2  }
0x8f: {  	_ = 	snop  }
0x90: {  	s2 =	sld [smem:$0x3FD0];
	(tm) =	ssettm $0x1  }
0x91: {  	s18 =	sld [smem:$0x3FFB];
	_ =	sdelay $0x3  }
0x92: {  	_ =	strace s18  }
0x93: {  	s3 =	sld [smem:$0x3FFC];
	_ =	sdelay $0x3  }
0x94: {  	_ =	strace s3  }
0x95: {  	s3 =	sld [smem:$0x3FFD];
	_ =	sdelay $0x3  }
0x96: {  	_ =	strace s3  }
0x97: {  	_ =	strace $0x8FFFFFFF  }
0x98: {  	s19 =	sld [smem:$0x3FDB];
	_ =	sdelay $0x1  }
0x99: {  	s4 =	simm.s32 $_scs_section_size  }
0x9a: {  	s5 =	simm.s32 $_size__tile_overlayer_lowered;
	s6 =	simm.s32 $_tile_overlayer_lowered  }
0x9b: {  	s22 =	simm.s32 $0x1BFF;
	s21 =	sshll.u32 s6, $0x1;
	s3 =	sadd.s32 s4, s19  }
0x9c: {  	s7 =	simm.s32 $0x0;
	s20 =	sshll.u32 s5, $0x1;
	s5 =	sadd.s32 s21, s3  }
0x9d: {  	[timem:s7], [sflag:s22] =	dma.local [hbm:s5], s20  }
0x9e: {  	_ =	swait.ge [sflag:s22], s20  }
0x9f: {  	s4 =	ssub.s32 $0x0, s20;
	[sflag:s22] =	ssyncset.done $0x0  }
0xa0: {  	[sflag:s22] =	ssyncadd.s32 s4;
	_ =	sdelay $0x1  }
0xa1: {  	s23 =	simm.s32 $0x1B8B  }
0xa2: {  	_ =	swait.ge [sflag:s23], $0x1  }
0xa3: {  	[sflag:s23] =	ssyncset.done $0x0  }
0xa4: {  	s25 =	simm.s32 $0x1B8E;
	s24 =	sld [smem:$0x3FFE];
	[sflag:s23] =	ssyncadd.s32 $0xFFFFFFFF  }
0xa5: {  	s26 =	simm.s32 $execute0_lowered;
	[smem:$0x3FD2] =	sst s25  }
0xa6: {  	s5 =	sshll.u32 s26, $0x1;
	_ =	strace $0x8000004F;
	[dreg:$0x1] =	wrdreg $0xFFFFFFFF  }
0xa7: {  	s28 =	simm.s32 $_size_execute0_lowered;
	s3 =	sadd.s32 s3, s5;
	[dreg:$0x0] =	wrdreg $0x0  }
0xa8: {  	s5 =	sshll.u32 s28, $0x1;
	[dreg:$0x2] =	wrdreg s3  }
0xa9: {  	[dreg:$0x3] =	wrdreg s5  }
0xaa: {  	[dreg:$0x4] =	wrdreg $0xC0  }
0xab: {  	_ =	task [dreg:s7], $0x5FFFF  }
0xac: {  	[dreg:$0x1] =	wrdreg $0xFFFFFFFF  }
0xad: {  	[dreg:$0x0] =	wrdreg $0x60  }
0xae: {  	[dreg:$0x2] =	wrdreg s2  }
0xaf: {  	[dreg:$0x3] =	wrdreg s24  }
0xb0: {  	[dreg:$0x4] =	wrdreg $0x69000  }
0xb1: {  	[dreg:$0x5] =	wrdreg $0x9  }
0xb2: {  	_ =	task.clear_ibuf [dreg:s7], $0x6FFFF;
	_ =	strace $0x9000004F  }
0xb3: {  	s29 =	simm.s32 $0x9;
	_ =	strace $0x80000051  }
0xb4: {  	_ =	swait.ge [sflag:s29], $0x1  }
0xb5: {  	[sflag:s29] =	ssyncadd.s32 $0xFFFFFFFF  }
0xb6: {  	_ =	strace $0x90000051  }
0xb7: {  	_ =	sfence  }
0xb8: {  	s30 =	sld [smem:$0x0];
	_ =	sdelay $0x2  }
0xb9: {  	s31 =	sshll.u32 s1, $0xD;
	s1 =	sshrl.u32 s1, $0x2  }
0xba: {  	s3 =	sand.u32 $0x4000, s31;
	s1 =	sadd.s32 s1, s30  }
0xbb: {  	s0 =	sor.u32 s3, s0;
	s1 =	sshll.u32 s1, $0x11  }
0xbc: {  	s0 =	sor.u32 s1, s0  }
0xbd: {  	s0 =	sadd.s32 $0x8F2B, s0  }
0xbe: {  	[sflag:s0] =	ssyncadd.remote.s32 $0x1  }
0xbf: {  	_ =	sfence.sel $0xFFFF  }
0xc0: {  	[dreg:$0x0] =	wrdreg $0xFFFFFFFF;
	(pc) =	sbr.abs _section_cstart, $3  }
0xc1: {  	[dreg:$0x1] =	wrdreg $0xFFFFFFFF  }
0xc2: {  	_ =	task.clear_ibuf [dreg:s7], $0x2FFFF;
	_ =	strace $0x9FFFFFFF  }
0xc3: {  	(tm) =	ssettm $0x7FFFFFFF  }
tec
execute0_lowered:
.L_overlay_start_1:
0x0: {  	(tag) =	ssettag $0x1  }
0x1: {  	s1 =	rddreg [dreg:$0x0]  }
0x2: {  	s6 =	rddreg [dreg:$0x1]  }
0x3: {  	s0 =	srdreg.scid;
	s3 =	rddreg [dreg:$0x2];
	s4 =	simm.s32 $0x0  }
0x4: {  	s13 =	simm.s32 $0x2800;
	s14 =	simm.s32 $0x2900;
	s15 =	simm.s32 $0x1  }
0x5: {  	s16 =	simm.s32 $0x2880;
	s5 =	sand.u32 $0x1, s0;
	s0 =	stileid.u32  }
0x6: {  	s17 =	simm.s32 $0x0;
	[smem:$0x7FF] =	sst s4;
	s8 =	smul.u32 $0x13C00, s0  }
0x7: {  	s2 =	sshll.u32 s5, $0x4;
	s9 =	smul.u32 $0x13C000, s5;
	s5 =	ssub.s32 $0x2, s5  }
0x8: {  	s29 =	smul.u32 $0x4F000, s0;
	s31 =	sshll.u32 s0, $0x6;
	s2 =	sor.u32 s0, s2  }
0x9: {  	s11 =	sshrl.u32 s5, $0x1;
	s7 =	smul.u32 $0x500, s2;
	s2 =	rddreg [dreg:$0x3]  }
0xa: {  	_ =	strace $0x80000050;
	s10 =	sshrl.u32 s8, $0x3;
	s8 =	sadd.s32 s8, s9  }
0xb: {  	s11 =	ssub.s32 s5, s11;
	s30 =	sshrl.u32 s29, $0x2;
	s9 =	simm.s32 $0x2  }
0xc: {  	s10 =	sadd.s32 s10, s6;
	s8 =	sshrl.u32 s8, $0x3;
	s12 =	sadd.s32 s30, s3  }
0xd: {  	s7 =	sadd.s32 s7, s6;
	s8 =	sadd.s32 s8, s6;
	s6 =	sadd.s32 $0xDC00, s10  }
0xe: {  	s10 =	sor.u32 $0x1C02, s31;
	s5 =	sadd.s32 $0x3C00, s7;
	s7 =	sadd.s32 $0xAAA00, s8  }
0xf: {  	s8 =	smax.u32 s11, $0x1;
	s11 =	sshrl.u32 s12, $0x3;
	s12 =	simm.s32 $0x80  }
.LBB2_1:
0x10: {  	[tilespmem:s4], [sflag:$0x2] =	stream.linear.gather [hbm4b:s5+s4], $0x2780, $0x38;
	[tilespmem:$0x1A500] =	vst v63  }
0x11: {  	_ =	swait.ge [sflag:s9], $0x2780  }
0x12: {  	[sflag:s9] =	ssyncset.done $0x0  }
0x13: {  	[sflag:s9] =	ssyncadd.s32 $0xFFFFD880  }
0x14: {  	[spmem:s11], [sflag:s10] =	dma.local [hbm:s6], $0x2780  }
0x15: {  	_ =	swait.ge [sflag:s9], $0x2780  }
0x16: {  	[sflag:s9] =	ssyncset.done $0x0  }
0x17: {  	[sflag:s9] =	ssyncadd.s32 $0xFFFFD880  }
0x18: {  	s18 =	simm.s32 $0x0;
	[bflag:$0x0] =	sbarrier.arrive $0xFFFF  }
0x19: {  	v0 =	vld [tilespmem:s18+$0x0];
	_ =	sdelay $0x4  }
0x1a: {  	v0 =	vshrl.u32 v0, $0xE  }
0x1b: {  	v0 =	vand.u32 $0x3FFF, v0  }
0x1c: {  	[tilespmem:$0x2800] =	vst v0  }
0x1d: {  	v0 =	vld [tilespmem:s18+$0x10];
	_ =	sdelay $0x4  }
0x1e: {  	v0 =	vshrl.u32 v0, $0xE  }
0x1f: {  	v0 =	vand.u32 $0x3FFF, v0  }
0x20: {  	[tilespmem:$0x2810] =	vst v0  }
0x21: {  	v0 =	vld [tilespmem:s18+$0x20];
	_ =	sdelay $0x4  }
0x22: {  	v0 =	vshrl.u32 v0, $0xE  }
0x23: {  	v0 =	vand.u32 $0x3FFF, v0  }
0x24: {  	[tilespmem:$0x2820] =	vst v0  }
0x25: {  	v0 =	vld [tilespmem:s18+$0x30];
	_ =	sdelay $0x4  }
0x26: {  	v0 =	vshrl.u32 v0, $0xE  }
0x27: {  	v0 =	vand.u32 $0x3FFF, v0  }
0x28: {  	[tilespmem:$0x2830] =	vst v0  }
0x29: {  	v0 =	vld [tilespmem:s18+$0x40];
	_ =	sdelay $0x4  }
0x2a: {  	v0 =	vshrl.u32 v0, $0xE  }
0x2b: {  	v0 =	vand.u32 $0x3FFF, v0  }
0x2c: {  	[tilespmem:$0x2840] =	vst v0  }
0x2d: {  	v0 =	vld [tilespmem:s18+$0x50];
	_ =	sdelay $0x4  }
0x2e: {  	v0 =	vshrl.u32 v0, $0xE  }
0x2f: {  	v0 =	vand.u32 $0x3FFF, v0  }
0x30: {  	[tilespmem:$0x2850] =	vst v0  }
0x31: {  	v0 =	vld [tilespmem:s18+$0x60];
	_ =	sdelay $0x4  }
0x32: {  	v0 =	vshrl.u32 v0, $0xE  }
0x33: {  	v0 =	vand.u32 $0x3FFF, v0  }
0x34: {  	[tilespmem:$0x2860] =	vst v0  }
0x35: {  	v0 =	vld [tilespmem:s18+$0x70];
	_ =	sdelay $0x4  }
0x36: {  	v0 =	vshrl.u32 v0, $0xE  }
0x37: {  	v0 =	vand.u32 $0x3FFF, v0  }
0x38: {  	[tilespmem:$0x2870] =	vst v0  }
0x39: {  	[tilespmem:s14], [sflag:$0x1] =	stream.indirect.gather [hbm4b:s1+s12], $0x80, s13, s12, $0xb8;
	[tilespmem:$0x1A500] =	vst v63  }
0x3a: {  	_ =	swait.ge [sflag:s15], $0x4000  }
0x3b: {  	[sflag:s15] =	ssyncset.done $0x0  }
0x3c: {  	[sflag:s15] =	ssyncadd.s32 $0xFFFFC000  }
0x3d: {  	v63 =	vld [tilespmem:s18+$0x0];
	_ =	sdelay $0x4  }
0x3e: {  	v0 =	vand.u32 $0x3FFF, v63  }
0x3f: {  	[tilespmem:$0x2880] =	vst v0  }
0x40: {  	v0 =	vld [tilespmem:s18+$0x10];
	_ =	sdelay $0x4  }
0x41: {  	v0 =	vand.u32 $0x3FFF, v0  }
0x42: {  	[tilespmem:$0x2890] =	vst v0  }
0x43: {  	v0 =	vld [tilespmem:s18+$0x20];
	_ =	sdelay $0x4  }
0x44: {  	v0 =	vand.u32 $0x3FFF, v0  }
0x45: {  	[tilespmem:$0x28A0] =	vst v0  }
0x46: {  	v0 =	vld [tilespmem:s18+$0x30];
	_ =	sdelay $0x4  }
0x47: {  	v0 =	vand.u32 $0x3FFF, v0  }
0x48: {  	[tilespmem:$0x28B0] =	vst v0  }
0x49: {  	v0 =	vld [tilespmem:s18+$0x40];
	_ =	sdelay $0x4  }
0x4a: {  	v0 =	vand.u32 $0x3FFF, v0  }
0x4b: {  	[tilespmem:$0x28C0] =	vst v0  }
0x4c: {  	v0 =	vld [tilespmem:s18+$0x50];
	_ =	sdelay $0x4  }
0x4d: {  	v0 =	vand.u32 $0x3FFF, v0  }
0x4e: {  	[tilespmem:$0x28D0] =	vst v0  }
0x4f: {  	v0 =	vld [tilespmem:s18+$0x60];
	_ =	sdelay $0x4  }
0x50: {  	v0 =	vand.u32 $0x3FFF, v0  }
0x51: {  	[tilespmem:$0x28E0] =	vst v0  }
0x52: {  	v0 =	vld [tilespmem:s18+$0x70];
	_ =	sdelay $0x4  }
0x53: {  	v0 =	vand.u32 $0x3FFF, v0  }
0x54: {  	[tilespmem:$0x28F0] =	vst v0  }
0x55: {  	[spmem:s3] =	stream.indirect.scatter.add.f32 [tilespmem:s14], [sflag:$0x2], $0x80, s16, s12, $0xb8;
	[tilespmem:$0x1A500] =	vst v63  }
0x56: {  	_ =	swait.ge [sflag:s9], $0x4000  }
0x57: {  	s21 =	simm.s32 $0x400;
	s18 =	simm.s32 $0x200;
	[sflag:s9] =	ssyncset.done $0x0  }
.LBB2_2:
0x58: {  	s20 =	sshra.s32 s18, $0x2  }
0x59: {  	[sflag:s9] =	ssyncadd.s32 $0xFFFFC000;
	s18 =	smov.u32 s21;
	s19 =	sadd.s32 $0x200, s21  }
0x5a: {  	p0 =	sne.s32 s21, $0x9C00;
	v0 =	vld [tilespmem:s20+$0x0];
	_ =	sdelay $0x4  }
0x5b: {  	v0 =	vshrl.u32 v0, $0xE  }
0x5c: {  	v0 =	vand.u32 $0x3FFF, v0  }
0x5d: {  	[tilespmem:$0x2800] =	vst v0  }
0x5e: {  	v0 =	vld [tilespmem:s20+$0x10];
	_ =	sdelay $0x4  }
0x5f: {  	v0 =	vshrl.u32 v0, $0xE  }
0x60: {  	v0 =	vand.u32 $0x3FFF, v0  }
0x61: {  	[tilespmem:$0x2810] =	vst v0  }
0x62: {  	v0 =	vld [tilespmem:s20+$0x20];
	_ =	sdelay $0x4  }
0x63: {  	v0 =	vshrl.u32 v0, $0xE  }
0x64: {  	v0 =	vand.u32 $0x3FFF, v0  }
0x65: {  	[tilespmem:$0x2820] =	vst v0  }
0x66: {  	v0 =	vld [tilespmem:s20+$0x30];
	_ =	sdelay $0x4  }
0x67: {  	v0 =	vshrl.u32 v0, $0xE  }
0x68: {  	v0 =	vand.u32 $0x3FFF, v0  }
0x69: {  	[tilespmem:$0x2830] =	vst v0  }
0x6a: {  	v0 =	vld [tilespmem:s20+$0x40];
	_ =	sdelay $0x4  }
0x6b: {  	v0 =	vshrl.u32 v0, $0xE  }
0x6c: {  	v0 =	vand.u32 $0x3FFF, v0  }
0x6d: {  	[tilespmem:$0x2840] =	vst v0  }
0x6e: {  	v0 =	vld [tilespmem:s20+$0x50];
	_ =	sdelay $0x4  }
0x6f: {  	v0 =	vshrl.u32 v0, $0xE  }
0x70: {  	v0 =	vand.u32 $0x3FFF, v0  }
0x71: {  	[tilespmem:$0x2850] =	vst v0  }
0x72: {  	v0 =	vld [tilespmem:s20+$0x60];
	_ =	sdelay $0x4  }
0x73: {  	v0 =	vshrl.u32 v0, $0xE  }
0x74: {  	v0 =	vand.u32 $0x3FFF, v0  }
0x75: {  	[tilespmem:$0x2860] =	vst v0  }
0x76: {  	v0 =	vld [tilespmem:s20+$0x70];
	_ =	sdelay $0x4  }
0x77: {  	v0 =	vshrl.u32 v0, $0xE  }
0x78: {  	v0 =	vand.u32 $0x3FFF, v0  }
0x79: {  	[tilespmem:$0x2870] =	vst v0  }
0x7a: {  	[tilespmem:s14], [sflag:$0x1] =	stream.indirect.gather [hbm4b:s1+s12], $0x80, s13, s12, $0xb8;
	[tilespmem:$0x1A500] =	vst v63  }
0x7b: {  	_ =	swait.ge [sflag:s15], $0x4000  }
0x7c: {  	[sflag:s15] =	ssyncset.done $0x0  }
0x7d: {  	[sflag:s15] =	ssyncadd.s32 $0xFFFFC000  }
0x7e: {  	v0 =	vld [tilespmem:s20+$0x0];
	_ =	sdelay $0x4  }
0x7f: {  	v0 =	vand.u32 $0x3FFF, v0  }
0x80: {  	[tilespmem:$0x2880] =	vst v0  }
0x81: {  	v0 =	vld [tilespmem:s20+$0x10];
	_ =	sdelay $0x4  }
0x82: {  	v0 =	vand.u32 $0x3FFF, v0  }
0x83: {  	[tilespmem:$0x2890] =	vst v0  }
0x84: {  	v0 =	vld [tilespmem:s20+$0x20];
	_ =	sdelay $0x4  }
0x85: {  	v0 =	vand.u32 $0x3FFF, v0  }
0x86: {  	[tilespmem:$0x28A0] =	vst v0  }
0x87: {  	v0 =	vld [tilespmem:s20+$0x30];
	_ =	sdelay $0x4  }
0x88: {  	v0 =	vand.u32 $0x3FFF, v0  }
0x89: {  	[tilespmem:$0x28B0] =	vst v0  }
0x8a: {  	v0 =	vld [tilespmem:s20+$0x40];
	_ =	sdelay $0x4  }
0x8b: {  	v0 =	vand.u32 $0x3FFF, v0  }
0x8c: {  	[tilespmem:$0x28C0] =	vst v0  }
0x8d: {  	v0 =	vld [tilespmem:s20+$0x50];
	_ =	sdelay $0x4  }
0x8e: {  	v0 =	vand.u32 $0x3FFF, v0  }
0x8f: {  	[tilespmem:$0x28D0] =	vst v0  }
0x90: {  	v0 =	vld [tilespmem:s20+$0x60];
	_ =	sdelay $0x4  }
0x91: {  	v0 =	vand.u32 $0x3FFF, v0  }
0x92: {  	[tilespmem:$0x28E0] =	vst v0  }
0x93: {  	v0 =	vld [tilespmem:s20+$0x70];
	_ =	sdelay $0x4  }
.Ltmp0:
0x94: {  	v0 =	vand.u32 $0x3FFF, v0;
	(pc) =	sbr.rel @p0 .LBB2_2-.Ltmp0, $4  }
0x95: {  	[tilespmem:$0x28F0] =	vst v0  }
0x96: {  	[spmem:s3] =	stream.indirect.scatter.add.f32 [tilespmem:s14], [sflag:$0x2], $0x80, s16, s12, $0xb8;
	[tilespmem:$0x1A500] =	vst v63  }
0x97: {  	_ =	swait.ge [sflag:s9], $0x4000  }
0x98: {  	s21 =	smov.u32 s19;
	[sflag:s9] =	ssyncset.done $0x0  }
0x99: {  	s18 =	sshra.s32 s18, $0x2;
	[sflag:s9] =	ssyncadd.s32 $0xFFFFC000  }
0x9a: {  	v0 =	vld [tilespmem:s18+$0x0];
	_ =	sdelay $0x4  }
0x9b: {  	v0 =	vshrl.u32 v0, $0xE  }
0x9c: {  	v0 =	vand.u32 $0x3FFF, v0  }
0x9d: {  	[tilespmem:$0x2800] =	vst v0  }
0x9e: {  	v0 =	vld [tilespmem:s18+$0x10];
	_ =	sdelay $0x4  }
0x9f: {  	v0 =	vshrl.u32 v0, $0xE  }
0xa0: {  	v0 =	vand.u32 $0x3FFF, v0  }
0xa1: {  	[tilespmem:$0x2810] =	vst v0  }
0xa2: {  	v0 =	vld [tilespmem:s18+$0x20];
	_ =	sdelay $0x4  }
0xa3: {  	v0 =	vshrl.u32 v0, $0xE  }
0xa4: {  	v0 =	vand.u32 $0x3FFF, v0  }
0xa5: {  	[tilespmem:$0x2820] =	vst v0  }
0xa6: {  	v0 =	vld [tilespmem:s18+$0x30];
	_ =	sdelay $0x4  }
0xa7: {  	v0 =	vshrl.u32 v0, $0xE  }
0xa8: {  	v0 =	vand.u32 $0x3FFF, v0  }
0xa9: {  	[tilespmem:$0x2830] =	vst v0  }
0xaa: {  	v0 =	vld [tilespmem:s18+$0x40];
	_ =	sdelay $0x4  }
0xab: {  	v0 =	vshrl.u32 v0, $0xE  }
0xac: {  	v0 =	vand.u32 $0x3FFF, v0  }
0xad: {  	[tilespmem:$0x2840] =	vst v0  }
0xae: {  	v0 =	vld [tilespmem:s18+$0x50];
	_ =	sdelay $0x4  }
0xaf: {  	v0 =	vshrl.u32 v0, $0xE  }
0xb0: {  	v0 =	vand.u32 $0x3FFF, v0  }
0xb1: {  	[tilespmem:$0x2850] =	vst v0  }
0xb2: {  	v0 =	vld [tilespmem:s18+$0x60];
	_ =	sdelay $0x4  }
0xb3: {  	v0 =	vshrl.u32 v0, $0xE  }
0xb4: {  	v0 =	vand.u32 $0x3FFF, v0  }
0xb5: {  	[tilespmem:$0x2860] =	vst v0  }
0xb6: {  	v0 =	vld [tilespmem:s18+$0x70];
	_ =	sdelay $0x4  }
0xb7: {  	v0 =	vshrl.u32 v0, $0xE  }
0xb8: {  	v0 =	vand.u32 $0x3FFF, v0  }
0xb9: {  	[tilespmem:$0x2870] =	vst v0  }
0xba: {  	[tilespmem:s14], [sflag:$0x1] =	stream.indirect.gather [hbm4b:s1+s12], $0x80, s13, s12, $0xb8;
	[tilespmem:$0x1A500] =	vst v63  }
0xbb: {  	_ =	swait.ge [sflag:s15], $0x4000  }
0xbc: {  	[sflag:s15] =	ssyncset.done $0x0  }
0xbd: {  	[sflag:s15] =	ssyncadd.s32 $0xFFFFC000  }
0xbe: {  	v63 =	vld [tilespmem:s18+$0x0];
	_ =	sdelay $0x4  }
0xbf: {  	v0 =	vand.u32 $0x3FFF, v63  }
0xc0: {  	[tilespmem:$0x2880] =	vst v0  }
0xc1: {  	v0 =	vld [tilespmem:s18+$0x10];
	_ =	sdelay $0x4  }
0xc2: {  	v0 =	vand.u32 $0x3FFF, v0  }
0xc3: {  	[tilespmem:$0x2890] =	vst v0  }
0xc4: {  	v0 =	vld [tilespmem:s18+$0x20];
	_ =	sdelay $0x4  }
0xc5: {  	v0 =	vand.u32 $0x3FFF, v0  }
0xc6: {  	[tilespmem:$0x28A0] =	vst v0  }
0xc7: {  	v0 =	vld [tilespmem:s18+$0x30];
	_ =	sdelay $0x4  }
0xc8: {  	v0 =	vand.u32 $0x3FFF, v0  }
0xc9: {  	[tilespmem:$0x28B0] =	vst v0  }
0xca: {  	v0 =	vld [tilespmem:s18+$0x40];
	_ =	sdelay $0x4  }
0xcb: {  	v0 =	vand.u32 $0x3FFF, v0  }
0xcc: {  	[tilespmem:$0x28C0] =	vst v0  }
0xcd: {  	v0 =	vld [tilespmem:s18+$0x50];
	_ =	sdelay $0x4  }
0xce: {  	v0 =	vand.u32 $0x3FFF, v0  }
0xcf: {  	[tilespmem:$0x28D0] =	vst v0  }
0xd0: {  	v0 =	vld [tilespmem:s18+$0x60];
	_ =	sdelay $0x4  }
0xd1: {  	v0 =	vand.u32 $0x3FFF, v0  }
0xd2: {  	[tilespmem:$0x28E0] =	vst v0  }
0xd3: {  	v0 =	vld [tilespmem:s18+$0x70];
	_ =	sdelay $0x4  }
0xd4: {  	v0 =	vand.u32 $0x3FFF, v0  }
0xd5: {  	[tilespmem:$0x28F0] =	vst v0  }
0xd6: {  	[spmem:s3] =	stream.indirect.scatter.add.f32 [tilespmem:s14], [sflag:$0x2], $0x80, s16, s12, $0xb8;
	[tilespmem:$0x1A500] =	vst v63  }
0xd7: {  	_ =	swait.ge [sflag:s9], $0x4000  }
0xd8: {  	s17 =	sadd.s32 $0x1, s17;
	[sflag:s9] =	ssyncset.done $0x0  }
0xd9: {  	p0 =	sne.s32 s17, s8;
	[sflag:s9] =	ssyncadd.s32 $0xFFFFC000  }
.Ltmp1:
0xda: {  	[bflag:$0x0] =	sbarrier.arrive $0xFFFF;
	(pc) =	sbr.rel @p0 .LBB2_1-.Ltmp1, $4  }
0xdb: {  	[hbm:s7], [sflag:s10] =	dma.local [spmem:s11], $0x2780  }
0xdc: {  	_ =	swait.ge [sflag:s9], $0x2780  }
0xdd: {  	[sflag:s9] =	ssyncset.done $0x0  }
0xde: {  	[sflag:s9] =	ssyncadd.s32 $0xFFFFD880  }
0xdf: {  	_ =	sfence.sel $0x180000  }
0xe0: {  	[bflag:$0x0] =	sbarrier.arrive $0xFFFF  }
0xe1: {  	p0 =	sne.s32 s0, $0x0;
	_ =	strace $0x90000050  }
0xe2: {  	s0 =	sadd.s32 @!p0 $0x100000, s2;
	[bflag:$0x2] =	sbarrier.arrive $0xFFFF  }
0xe3: {  	[sflag:s0] =	ssyncadd.tile.s32 @!p0 $0x1;
	_ =	shalt  }
.Lfunc_end2:
_tile_overlayer_lowered:
.L_overlay_start_2:
0xe4: {  	(tag) =	ssettag $0x2  }
0xe5: {  	s0 =	rddreg [dreg:$0x0];
	s2 =	stileid.u32  }
0xe6: {  	s1 =	rddreg [dreg:$0x1];
	p0 =	sne.s32 s2, $0x0  }
0xe7: {  	s3 =	rddreg [dreg:$0x2];
	[bflag:$0x3] =	sbarrier.arrive $0xFFFF;
	s2 =	simm.s32 @!p0 $0x1C02  }
0xe8: {  	[timem:s3], [sflag:s2] =	dma.local @!p0 [hbm:s0], s1  }
0xe9: {  	s0 =	simm.s32 @!p0 $0x2  }
0xea: {  	_ =	swait.ge @!p0 [sflag:s0], s1  }
0xeb: {  	s1 =	ssub.s32 @!p0 $0x0, s1;
	[sflag:s0] =	ssyncset.done @!p0 $0x0  }
0xec: {  	[sflag:s0] =	ssyncadd.s32 @!p0 s1  }
0xed: {  	[bflag:$0x3] =	sbarrier.arrive $0xFFFF  }
0xee: {  	_ =	shalt  }

</sc_bundles>
